<compile_context>
chip_gen: v7x
topology: tpu7x:2x2x1
jax: 0.10.2.dev20260603
libtpu: 0.0.44.dev20260713+nightly
codegen_flags: <defaults>
</compile_context>

<pallas_src>
import jax
import jax.numpy as jnp
from jax import lax
from jax.experimental import pallas as pl
from jax.experimental.pallas import tpu as pltpu
from jax.experimental.pallas import tpu_sc as plsc

N_EMB = 128
G = 256
NBUF = 2
L = 16
GROUP_ELEMS = G * N_EMB


def _emb_body(idx_hbm, table_hbm, out_hbm, idx_v, table_v, rows_v, wsem):
    nc = lax.axis_size("c")
    nw = nc * lax.axis_size("s")
    wid = lax.axis_index("s") * nc + lax.axis_index("c")
    per_w = idx_hbm.shape[0] // (nw * G)
    base = wid * per_w

    pltpu.sync_copy(table_hbm, table_v)
    pltpu.sync_copy(idx_hbm.at[pl.ds(base * G, per_w * G)], idx_v)

    iota = lax.iota(jnp.int32, L)

    def compute_group(p, b):
        bufbase = b * GROUP_ELEMS
        rowstart = p * G

        @plsc.parallel_loop(0, G, unroll=8)
        def row_body(r):
            idxsplat = plsc.load_gather(
                idx_v, [jnp.full((L,), rowstart + r, jnp.int32)]
            )
            addr0 = idxsplat * N_EMB + iota
            off = bufbase + r * N_EMB
            for j in range(N_EMB // L):
                rows_v[pl.ds(off + j * L, L)] = plsc.load_gather(
                    table_v, [addr0 + (j * L)]
                )

    def start_wb(p, b):
        pltpu.async_copy(
            rows_v.at[pl.ds(b * GROUP_ELEMS, GROUP_ELEMS)],
            out_hbm.at[pl.ds((base + p) * GROUP_ELEMS, GROUP_ELEMS)],
            wsem.at[b],
        )

    def wait_wb(b):
        pltpu.make_async_copy(
            rows_v.at[pl.ds(b * GROUP_ELEMS, GROUP_ELEMS)],
            out_hbm.at[pl.ds(0, GROUP_ELEMS)],
            wsem.at[b],
        ).wait()

    compute_group(0, 0)
    start_wb(0, 0)
    compute_group(1, 1)
    start_wb(1, 1)

    def steady(t, carry):
        for b in range(NBUF):
            p = t * NBUF + NBUF + b
            wait_wb(b)
            compute_group(p, b)
            start_wb(p, b)
        return carry

    lax.fori_loop(0, (per_w - NBUF) // NBUF, steady, 0)

    for b in range(NBUF):
        wait_wb(b)


def kernel(atom_number, embedding_list):
    b, s = atom_number.shape
    n = b * s
    idx = atom_number.reshape(n).astype(jnp.int32)
    table = embedding_list.reshape(-1).astype(jnp.float32)
    call = pl.kernel(
        _emb_body,
        out_type=jax.ShapeDtypeStruct((n * N_EMB,), jnp.float32),
        mesh=plsc.VectorSubcoreMesh(core_axis_name="c", subcore_axis_name="s"),
        compiler_params=pltpu.CompilerParams(needs_layout_passes=False),
        scratch_types=[
            pltpu.VMEM((n // 32,), jnp.int32),
            pltpu.VMEM((table.shape[0],), jnp.float32),
            pltpu.VMEM((NBUF * GROUP_ELEMS,), jnp.float32),
            pltpu.SemaphoreType.DMA((NBUF,)),
        ],
    )
    out = call(idx, table)
    return out.reshape(b, s, N_EMB)

# --- scband reference (transcript-rebuilt; emitter-appended) ---
"""Pipeline reference for scband-dtnnembedding-76063870812666 (READ-ONLY COPY).

The authoritative reference and input builder live on the scoring server;
editing this copy changes nothing except your own understanding.
"""

import jax, jax.numpy as jnp
import numpy as np

N_EMBEDDING = 128
PERIODIC_TABLE_LENGTH = 83

def setup_inputs(seed: int = 0) -> dict:
    key = jax.random.key(seed)
    k_idx, k_tab = jax.random.split(key)
    atom_number = jax.random.randint(k_idx, (4096, 200), 0, PERIODIC_TABLE_LENGTH, dtype=jnp.int64 if jax.config.jax_enable_x64 else jnp.int32)
    # glorot_uniform init for embedding_list [periodic_table_length, n_embedding]
    fan_in, fan_out = PERIODIC_TABLE_LENGTH, N_EMBEDDING
    limit = np.sqrt(6.0 / (fan_in + fan_out))
    embedding_list = jax.random.uniform(k_tab, (PERIODIC_TABLE_LENGTH, N_EMBEDDING), minval=-limit, maxval=limit, dtype=jnp.float32)
    return {"atom_number": atom_number, "embedding_list": embedding_list}

def reference(atom_number, embedding_list):
    # tf.nn.embedding_lookup(embedding_list, atom_number)
    atom_features = jnp.take(embedding_list, atom_number, axis=0)
    return atom_features

if __name__ == "__main__":
    import jax
    _d = setup_inputs()
    print(jax.jit(kernel)(*tuple(_d.values())))

</pallas_src>

<mosaic_0001>
#map = affine_map<(d0, d1) -> (0)>
module attributes {stable_mosaic.version = 14 : i64} {
  func.func @_emb_body(%arg0: i32, %arg1: i32, %arg2: memref<819200xi32, #tpu.memory_space<hbm>>, %arg3: memref<10624xf32, #tpu.memory_space<hbm>>, %arg4: memref<104857600xf32, #tpu.memory_space<hbm>>, %arg5: memref<25600xi32, #tpu.memory_space<vmem>>, %arg6: memref<10624xf32, #tpu.memory_space<vmem>>, %arg7: memref<65536xf32, #tpu.memory_space<vmem>>, %arg8: memref<2x!tpu.dma_semaphore, #tpu.memory_space<semaphore_mem>>) attributes {dimension_semantics = [#tpu.dimension_semantics<core_parallel>, #tpu.dimension_semantics<subcore_parallel>], iteration_bounds = array<i64: 2, 16>, scalar_prefetch = 0 : i64, scratch_operands = 4 : i64, tpu.core_type = #tpu.core_type<sc_vector_subcore>, window_params = [{transform_indices = #map}, {transform_indices = #map}, {transform_indices = #map}]} {
    %mul3A = arith.constant 2 : i32
    %mul3A_0 = arith.muli %arg1, %mul3A : i32
    %add3A = arith.addi %mul3A_0, %arg0 : i32
    %mul3A_1 = arith.constant 100 : i32
    %mul3A_2 = arith.muli %add3A, %mul3A_1 : i32
    "tpu.region"() ({
      %run_scoped3A = tpu.sem_alloc : memref<!tpu.dma_semaphore, #tpu.memory_space<semaphore_mem>>
      tpu.enqueue_dma source(%arg3 : memref<10624xf32, #tpu.memory_space<hbm>>) target(%arg6 : memref<10624xf32, #tpu.memory_space<vmem>>) target_semaphore(%run_scoped3A : memref<!tpu.dma_semaphore, #tpu.memory_space<semaphore_mem>>)
      tpu.wait_dma2 semaphore(%run_scoped3A : memref<!tpu.dma_semaphore, #tpu.memory_space<semaphore_mem>>) src(%arg3 : memref<10624xf32, #tpu.memory_space<hbm>>) dst(%arg6 : memref<10624xf32, #tpu.memory_space<vmem>>)
      tpu.yield
    }) : () -> ()
    %mul3A_3 = arith.constant 256 : i32
    %mul3A_4 = arith.muli %mul3A_2, %mul3A_3 : i32
    "tpu.region"() ({
      %run_scoped3A = tpu.sem_alloc : memref<!tpu.dma_semaphore, #tpu.memory_space<semaphore_mem>>
      %dma_start3A_61 = tpu.memref_slice %arg2[%mul3A_4] : memref<819200xi32, #tpu.memory_space<hbm>> -> memref<25600xi32, #tpu.memory_space<hbm>>
      %dma_start3A_62 = tpu.memref_slice %arg2[%mul3A_4] : memref<819200xi32, #tpu.memory_space<hbm>> -> memref<25600xi32, #tpu.memory_space<hbm>>
      tpu.enqueue_dma source(%dma_start3A_62 : memref<25600xi32, #tpu.memory_space<hbm>>) target(%arg5 : memref<25600xi32, #tpu.memory_space<vmem>>) target_semaphore(%run_scoped3A : memref<!tpu.dma_semaphore, #tpu.memory_space<semaphore_mem>>)
      %dma_wait3A_63 = tpu.memref_slice %arg2[%mul3A_4] : memref<819200xi32, #tpu.memory_space<hbm>> -> memref<25600xi32, #tpu.memory_space<hbm>>
      %dma_wait3A_64 = tpu.memref_slice %arg2[%mul3A_4] : memref<819200xi32, #tpu.memory_space<hbm>> -> memref<25600xi32, #tpu.memory_space<hbm>>
      tpu.wait_dma2 semaphore(%run_scoped3A : memref<!tpu.dma_semaphore, #tpu.memory_space<semaphore_mem>>) src(%dma_wait3A_64 : memref<25600xi32, #tpu.memory_space<hbm>>) dst(%arg5 : memref<25600xi32, #tpu.memory_space<vmem>>)
      tpu.yield
    }) : () -> ()
    %iota3A = tpu.iota {dimensions = array<i32: 0>} : vector<16xi32>
    %parallel_loop3A = arith.constant 0 : i32
    %parallel_loop3A_5 = arith.constant 256 : i32
    %parallel_loop3A_6 = arith.constant 1 : i32
    scf.for %parallel_loop3A_61 = %parallel_loop3A to %parallel_loop3A_5 step %parallel_loop3A_6  : i32 {
      %parallel_loop3A_62 = arith.constant 0 : i32
      %parallel_loop3A_63 = arith.addi %parallel_loop3A_62, %parallel_loop3A_61 : i32
      %parallel_loop3A_64 = vector.broadcast %parallel_loop3A_63 : i32 to vector<16xi32>
      %parallel_loop3A_65 = tpu.vector_load_idx %arg5[%parallel_loop3A_64] : memref<25600xi32, #tpu.memory_space<vmem>>[vector<16xi32>], vector<16xi32>,
      %parallel_loop3A_66 = arith.constant 128 : i32
      %parallel_loop3A_67 = vector.broadcast %parallel_loop3A_66 : i32 to vector<16xi32>
      %parallel_loop3A_68 = arith.muli %parallel_loop3A_65, %parallel_loop3A_67 : vector<16xi32>
      %parallel_loop3A_69 = arith.addi %parallel_loop3A_68, %iota3A : vector<16xi32>
      %parallel_loop3A_70 = arith.constant 128 : i32
      %parallel_loop3A_71 = arith.muli %parallel_loop3A_61, %parallel_loop3A_70 : i32
      %parallel_loop3A_72 = arith.constant 0 : i32
      %parallel_loop3A_73 = arith.addi %parallel_loop3A_72, %parallel_loop3A_71 : i32
      %parallel_loop3A_74 = arith.constant 0 : i32
      %parallel_loop3A_75 = vector.broadcast %parallel_loop3A_74 : i32 to vector<16xi32>
      %parallel_loop3A_76 = arith.addi %parallel_loop3A_69, %parallel_loop3A_75 : vector<16xi32>
      %parallel_loop3A_77 = tpu.vector_load_idx %arg6[%parallel_loop3A_76] : memref<10624xf32, #tpu.memory_space<vmem>>[vector<16xi32>], vector<16xf32>,
      %parallel_loop3A_78 = arith.constant 0 : i32
      %parallel_loop3A_79 = arith.addi %parallel_loop3A_73, %parallel_loop3A_78 : i32
      %parallel_loop3A_80 = arith.index_cast %parallel_loop3A_79 : i32 to index
      %parallel_loop3A_81 = tpu.vector_load %arg7[%parallel_loop3A_80] {strides = array<i32>} : memref<65536xf32, #tpu.memory_space<vmem>>, vector<16xf32>,
      tpu.vector_store %arg7[%parallel_loop3A_80], %parallel_loop3A_77 {strides = array<i32>} : memref<65536xf32, #tpu.memory_space<vmem>>, vector<16xf32>,
      %parallel_loop3A_82 = arith.constant 16 : i32
      %parallel_loop3A_83 = vector.broadcast %parallel_loop3A_82 : i32 to vector<16xi32>
      %parallel_loop3A_84 = arith.addi %parallel_loop3A_69, %parallel_loop3A_83 : vector<16xi32>
      %parallel_loop3A_85 = tpu.vector_load_idx %arg6[%parallel_loop3A_84] : memref<10624xf32, #tpu.memory_space<vmem>>[vector<16xi32>], vector<16xf32>,
      %parallel_loop3A_86 = arith.constant 16 : i32
      %parallel_loop3A_87 = arith.addi %parallel_loop3A_73, %parallel_loop3A_86 : i32
      %parallel_loop3A_88 = arith.index_cast %parallel_loop3A_87 : i32 to index
      %parallel_loop3A_89 = tpu.vector_load %arg7[%parallel_loop3A_88] {strides = array<i32>} : memref<65536xf32, #tpu.memory_space<vmem>>, vector<16xf32>,
      tpu.vector_store %arg7[%parallel_loop3A_88], %parallel_loop3A_85 {strides = array<i32>} : memref<65536xf32, #tpu.memory_space<vmem>>, vector<16xf32>,
      %parallel_loop3A_90 = arith.constant 32 : i32
      %parallel_loop3A_91 = vector.broadcast %parallel_loop3A_90 : i32 to vector<16xi32>
      %parallel_loop3A_92 = arith.addi %parallel_loop3A_69, %parallel_loop3A_91 : vector<16xi32>
      %parallel_loop3A_93 = tpu.vector_load_idx %arg6[%parallel_loop3A_92] : memref<10624xf32, #tpu.memory_space<vmem>>[vector<16xi32>], vector<16xf32>,
      %parallel_loop3A_94 = arith.constant 32 : i32
      %parallel_loop3A_95 = arith.addi %parallel_loop3A_73, %parallel_loop3A_94 : i32
      %parallel_loop3A_96 = arith.index_cast %parallel_loop3A_95 : i32 to index
      %parallel_loop3A_97 = tpu.vector_load %arg7[%parallel_loop3A_96] {strides = array<i32>} : memref<65536xf32, #tpu.memory_space<vmem>>, vector<16xf32>,
      tpu.vector_store %arg7[%parallel_loop3A_96], %parallel_loop3A_93 {strides = array<i32>} : memref<65536xf32, #tpu.memory_space<vmem>>, vector<16xf32>,
      %parallel_loop3A_98 = arith.constant 48 : i32
      %parallel_loop3A_99 = vector.broadcast %parallel_loop3A_98 : i32 to vector<16xi32>
      %parallel_loop3A_100 = arith.addi %parallel_loop3A_69, %parallel_loop3A_99 : vector<16xi32>
      %parallel_loop3A_101 = tpu.vector_load_idx %arg6[%parallel_loop3A_100] : memref<10624xf32, #tpu.memory_space<vmem>>[vector<16xi32>], vector<16xf32>,
      %parallel_loop3A_102 = arith.constant 48 : i32
      %parallel_loop3A_103 = arith.addi %parallel_loop3A_73, %parallel_loop3A_102 : i32
      %parallel_loop3A_104 = arith.index_cast %parallel_loop3A_103 : i32 to index
      %parallel_loop3A_105 = tpu.vector_load %arg7[%parallel_loop3A_104] {strides = array<i32>} : memref<65536xf32, #tpu.memory_space<vmem>>, vector<16xf32>,
      tpu.vector_store %arg7[%parallel_loop3A_104], %parallel_loop3A_101 {strides = array<i32>} : memref<65536xf32, #tpu.memory_space<vmem>>, vector<16xf32>,
      %parallel_loop3A_106 = arith.constant 64 : i32
      %parallel_loop3A_107 = vector.broadcast %parallel_loop3A_106 : i32 to vector<16xi32>
      %parallel_loop3A_108 = arith.addi %parallel_loop3A_69, %parallel_loop3A_107 : vector<16xi32>
      %parallel_loop3A_109 = tpu.vector_load_idx %arg6[%parallel_loop3A_108] : memref<10624xf32, #tpu.memory_space<vmem>>[vector<16xi32>], vector<16xf32>,
      %parallel_loop3A_110 = arith.constant 64 : i32
      %parallel_loop3A_111 = arith.addi %parallel_loop3A_73, %parallel_loop3A_110 : i32
      %parallel_loop3A_112 = arith.index_cast %parallel_loop3A_111 : i32 to index
      %parallel_loop3A_113 = tpu.vector_load %arg7[%parallel_loop3A_112] {strides = array<i32>} : memref<65536xf32, #tpu.memory_space<vmem>>, vector<16xf32>,
      tpu.vector_store %arg7[%parallel_loop3A_112], %parallel_loop3A_109 {strides = array<i32>} : memref<65536xf32, #tpu.memory_space<vmem>>, vector<16xf32>,
      %parallel_loop3A_114 = arith.constant 80 : i32
      %parallel_loop3A_115 = vector.broadcast %parallel_loop3A_114 : i32 to vector<16xi32>
      %parallel_loop3A_116 = arith.addi %parallel_loop3A_69, %parallel_loop3A_115 : vector<16xi32>
      %parallel_loop3A_117 = tpu.vector_load_idx %arg6[%parallel_loop3A_116] : memref<10624xf32, #tpu.memory_space<vmem>>[vector<16xi32>], vector<16xf32>,
      %parallel_loop3A_118 = arith.constant 80 : i32
      %parallel_loop3A_119 = arith.addi %parallel_loop3A_73, %parallel_loop3A_118 : i32
      %parallel_loop3A_120 = arith.index_cast %parallel_loop3A_119 : i32 to index
      %parallel_loop3A_121 = tpu.vector_load %arg7[%parallel_loop3A_120] {strides = array<i32>} : memref<65536xf32, #tpu.memory_space<vmem>>, vector<16xf32>,
      tpu.vector_store %arg7[%parallel_loop3A_120], %parallel_loop3A_117 {strides = array<i32>} : memref<65536xf32, #tpu.memory_space<vmem>>, vector<16xf32>,
      %parallel_loop3A_122 = arith.constant 96 : i32
      %parallel_loop3A_123 = vector.broadcast %parallel_loop3A_122 : i32 to vector<16xi32>
      %parallel_loop3A_124 = arith.addi %parallel_loop3A_69, %parallel_loop3A_123 : vector<16xi32>
      %parallel_loop3A_125 = tpu.vector_load_idx %arg6[%parallel_loop3A_124] : memref<10624xf32, #tpu.memory_space<vmem>>[vector<16xi32>], vector<16xf32>,
      %parallel_loop3A_126 = arith.constant 96 : i32
      %parallel_loop3A_127 = arith.addi %parallel_loop3A_73, %parallel_loop3A_126 : i32
      %parallel_loop3A_128 = arith.index_cast %parallel_loop3A_127 : i32 to index
      %parallel_loop3A_129 = tpu.vector_load %arg7[%parallel_loop3A_128] {strides = array<i32>} : memref<65536xf32, #tpu.memory_space<vmem>>, vector<16xf32>,
      tpu.vector_store %arg7[%parallel_loop3A_128], %parallel_loop3A_125 {strides = array<i32>} : memref<65536xf32, #tpu.memory_space<vmem>>, vector<16xf32>,
      %parallel_loop3A_130 = arith.constant 112 : i32
      %parallel_loop3A_131 = vector.broadcast %parallel_loop3A_130 : i32 to vector<16xi32>
      %parallel_loop3A_132 = arith.addi %parallel_loop3A_69, %parallel_loop3A_131 : vector<16xi32>
      %parallel_loop3A_133 = tpu.vector_load_idx %arg6[%parallel_loop3A_132] : memref<10624xf32, #tpu.memory_space<vmem>>[vector<16xi32>], vector<16xf32>,
      %parallel_loop3A_134 = arith.constant 112 : i32
      %parallel_loop3A_135 = arith.addi %parallel_loop3A_73, %parallel_loop3A_134 : i32
      %parallel_loop3A_136 = arith.index_cast %parallel_loop3A_135 : i32 to index
      %parallel_loop3A_137 = tpu.vector_load %arg7[%parallel_loop3A_136] {strides = array<i32>} : memref<65536xf32, #tpu.memory_space<vmem>>, vector<16xf32>,
      tpu.vector_store %arg7[%parallel_loop3A_136], %parallel_loop3A_133 {strides = array<i32>} : memref<65536xf32, #tpu.memory_space<vmem>>, vector<16xf32>,
    } {sc.loop_unroll_factor = 8 : i64, sc.parallel_access}
    %add3A_7 = arith.constant 0 : i32
    %add3A_8 = arith.addi %mul3A_2, %add3A_7 : i32
    %mul3A_9 = arith.constant 32768 : i32
    %mul3A_10 = arith.muli %add3A_8, %mul3A_9 : i32
    %dma_start3A = arith.constant 0 : i32
    %dma_start3A_11 = arith.constant 0 : i32
    %dma_start3A_12 = tpu.memref_slice %arg7[%dma_start3A_11] : memref<65536xf32, #tpu.memory_space<vmem>> -> memref<32768xf32, #tpu.memory_space<vmem>>
    %dma_start3A_13 = tpu.memref_slice %arg4[%mul3A_10] : memref<104857600xf32, #tpu.memory_space<hbm>> -> memref<32768xf32, #tpu.memory_space<hbm>>
    %dma_start3A_14 = tpu.memref_slice %arg8[%dma_start3A] : memref<2x!tpu.dma_semaphore, #tpu.memory_space<semaphore_mem>> -> memref<1x!tpu.dma_semaphore, #tpu.memory_space<semaphore_mem>>
    %dma_start3A_15 = tpu.memref_squeeze %dma_start3A_14 : memref<1x!tpu.dma_semaphore, #tpu.memory_space<semaphore_mem>> -> memref<!tpu.dma_semaphore, #tpu.memory_space<semaphore_mem>>
    %dma_start3A_16 = tpu.memref_slice %arg4[%mul3A_10] : memref<104857600xf32, #tpu.memory_space<hbm>> -> memref<32768xf32, #tpu.memory_space<hbm>>
    %dma_start3A_17 = arith.constant 0 : i32
    %dma_start3A_18 = tpu.memref_slice %arg7[%dma_start3A_17] : memref<65536xf32, #tpu.memory_space<vmem>> -> memref<32768xf32, #tpu.memory_space<vmem>>
    tpu.enqueue_dma source(%dma_start3A_18 : memref<32768xf32, #tpu.memory_space<vmem>>) target(%dma_start3A_16 : memref<32768xf32, #tpu.memory_space<hbm>>) target_semaphore(%dma_start3A_15 : memref<!tpu.dma_semaphore, #tpu.memory_space<semaphore_mem>>)
    %parallel_loop3A_19 = arith.constant 0 : i32
    %parallel_loop3A_20 = arith.constant 256 : i32
    %parallel_loop3A_21 = arith.constant 1 : i32
    scf.for %parallel_loop3A_61 = %parallel_loop3A_19 to %parallel_loop3A_20 step %parallel_loop3A_21  : i32 {
      %parallel_loop3A_62 = arith.constant 256 : i32
      %parallel_loop3A_63 = arith.addi %parallel_loop3A_62, %parallel_loop3A_61 : i32
      %parallel_loop3A_64 = vector.broadcast %parallel_loop3A_63 : i32 to vector<16xi32>
      %parallel_loop3A_65 = tpu.vector_load_idx %arg5[%parallel_loop3A_64] : memref<25600xi32, #tpu.memory_space<vmem>>[vector<16xi32>], vector<16xi32>,
      %parallel_loop3A_66 = arith.constant 128 : i32
      %parallel_loop3A_67 = vector.broadcast %parallel_loop3A_66 : i32 to vector<16xi32>
      %parallel_loop3A_68 = arith.muli %parallel_loop3A_65, %parallel_loop3A_67 : vector<16xi32>
      %parallel_loop3A_69 = arith.addi %parallel_loop3A_68, %iota3A : vector<16xi32>
      %parallel_loop3A_70 = arith.constant 128 : i32
      %parallel_loop3A_71 = arith.muli %parallel_loop3A_61, %parallel_loop3A_70 : i32
      %parallel_loop3A_72 = arith.constant 32768 : i32
      %parallel_loop3A_73 = arith.addi %parallel_loop3A_72, %parallel_loop3A_71 : i32
      %parallel_loop3A_74 = arith.constant 0 : i32
      %parallel_loop3A_75 = vector.broadcast %parallel_loop3A_74 : i32 to vector<16xi32>
      %parallel_loop3A_76 = arith.addi %parallel_loop3A_69, %parallel_loop3A_75 : vector<16xi32>
      %parallel_loop3A_77 = tpu.vector_load_idx %arg6[%parallel_loop3A_76] : memref<10624xf32, #tpu.memory_space<vmem>>[vector<16xi32>], vector<16xf32>,
      %parallel_loop3A_78 = arith.constant 0 : i32
      %parallel_loop3A_79 = arith.addi %parallel_loop3A_73, %parallel_loop3A_78 : i32
      %parallel_loop3A_80 = arith.index_cast %parallel_loop3A_79 : i32 to index
      %parallel_loop3A_81 = tpu.vector_load %arg7[%parallel_loop3A_80] {strides = array<i32>} : memref<65536xf32, #tpu.memory_space<vmem>>, vector<16xf32>,
      tpu.vector_store %arg7[%parallel_loop3A_80], %parallel_loop3A_77 {strides = array<i32>} : memref<65536xf32, #tpu.memory_space<vmem>>, vector<16xf32>,
      %parallel_loop3A_82 = arith.constant 16 : i32
      %parallel_loop3A_83 = vector.broadcast %parallel_loop3A_82 : i32 to vector<16xi32>
      %parallel_loop3A_84 = arith.addi %parallel_loop3A_69, %parallel_loop3A_83 : vector<16xi32>
      %parallel_loop3A_85 = tpu.vector_load_idx %arg6[%parallel_loop3A_84] : memref<10624xf32, #tpu.memory_space<vmem>>[vector<16xi32>], vector<16xf32>,
      %parallel_loop3A_86 = arith.constant 16 : i32
      %parallel_loop3A_87 = arith.addi %parallel_loop3A_73, %parallel_loop3A_86 : i32
      %parallel_loop3A_88 = arith.index_cast %parallel_loop3A_87 : i32 to index
      %parallel_loop3A_89 = tpu.vector_load %arg7[%parallel_loop3A_88] {strides = array<i32>} : memref<65536xf32, #tpu.memory_space<vmem>>, vector<16xf32>,
      tpu.vector_store %arg7[%parallel_loop3A_88], %parallel_loop3A_85 {strides = array<i32>} : memref<65536xf32, #tpu.memory_space<vmem>>, vector<16xf32>,
      %parallel_loop3A_90 = arith.constant 32 : i32
      %parallel_loop3A_91 = vector.broadcast %parallel_loop3A_90 : i32 to vector<16xi32>
      %parallel_loop3A_92 = arith.addi %parallel_loop3A_69, %parallel_loop3A_91 : vector<16xi32>
      %parallel_loop3A_93 = tpu.vector_load_idx %arg6[%parallel_loop3A_92] : memref<10624xf32, #tpu.memory_space<vmem>>[vector<16xi32>], vector<16xf32>,
      %parallel_loop3A_94 = arith.constant 32 : i32
      %parallel_loop3A_95 = arith.addi %parallel_loop3A_73, %parallel_loop3A_94 : i32
      %parallel_loop3A_96 = arith.index_cast %parallel_loop3A_95 : i32 to index
      %parallel_loop3A_97 = tpu.vector_load %arg7[%parallel_loop3A_96] {strides = array<i32>} : memref<65536xf32, #tpu.memory_space<vmem>>, vector<16xf32>,
      tpu.vector_store %arg7[%parallel_loop3A_96], %parallel_loop3A_93 {strides = array<i32>} : memref<65536xf32, #tpu.memory_space<vmem>>, vector<16xf32>,
      %parallel_loop3A_98 = arith.constant 48 : i32
      %parallel_loop3A_99 = vector.broadcast %parallel_loop3A_98 : i32 to vector<16xi32>
      %parallel_loop3A_100 = arith.addi %parallel_loop3A_69, %parallel_loop3A_99 : vector<16xi32>
      %parallel_loop3A_101 = tpu.vector_load_idx %arg6[%parallel_loop3A_100] : memref<10624xf32, #tpu.memory_space<vmem>>[vector<16xi32>], vector<16xf32>,
      %parallel_loop3A_102 = arith.constant 48 : i32
      %parallel_loop3A_103 = arith.addi %parallel_loop3A_73, %parallel_loop3A_102 : i32
      %parallel_loop3A_104 = arith.index_cast %parallel_loop3A_103 : i32 to index
      %parallel_loop3A_105 = tpu.vector_load %arg7[%parallel_loop3A_104] {strides = array<i32>} : memref<65536xf32, #tpu.memory_space<vmem>>, vector<16xf32>,
      tpu.vector_store %arg7[%parallel_loop3A_104], %parallel_loop3A_101 {strides = array<i32>} : memref<65536xf32, #tpu.memory_space<vmem>>, vector<16xf32>,
      %parallel_loop3A_106 = arith.constant 64 : i32
      %parallel_loop3A_107 = vector.broadcast %parallel_loop3A_106 : i32 to vector<16xi32>
      %parallel_loop3A_108 = arith.addi %parallel_loop3A_69, %parallel_loop3A_107 : vector<16xi32>
      %parallel_loop3A_109 = tpu.vector_load_idx %arg6[%parallel_loop3A_108] : memref<10624xf32, #tpu.memory_space<vmem>>[vector<16xi32>], vector<16xf32>,
      %parallel_loop3A_110 = arith.constant 64 : i32
      %parallel_loop3A_111 = arith.addi %parallel_loop3A_73, %parallel_loop3A_110 : i32
      %parallel_loop3A_112 = arith.index_cast %parallel_loop3A_111 : i32 to index
      %parallel_loop3A_113 = tpu.vector_load %arg7[%parallel_loop3A_112] {strides = array<i32>} : memref<65536xf32, #tpu.memory_space<vmem>>, vector<16xf32>,
      tpu.vector_store %arg7[%parallel_loop3A_112], %parallel_loop3A_109 {strides = array<i32>} : memref<65536xf32, #tpu.memory_space<vmem>>, vector<16xf32>,
      %parallel_loop3A_114 = arith.constant 80 : i32
      %parallel_loop3A_115 = vector.broadcast %parallel_loop3A_114 : i32 to vector<16xi32>
      %parallel_loop3A_116 = arith.addi %parallel_loop3A_69, %parallel_loop3A_115 : vector<16xi32>
      %parallel_loop3A_117 = tpu.vector_load_idx %arg6[%parallel_loop3A_116] : memref<10624xf32, #tpu.memory_space<vmem>>[vector<16xi32>], vector<16xf32>,
      %parallel_loop3A_118 = arith.constant 80 : i32
      %parallel_loop3A_119 = arith.addi %parallel_loop3A_73, %parallel_loop3A_118 : i32
      %parallel_loop3A_120 = arith.index_cast %parallel_loop3A_119 : i32 to index
      %parallel_loop3A_121 = tpu.vector_load %arg7[%parallel_loop3A_120] {strides = array<i32>} : memref<65536xf32, #tpu.memory_space<vmem>>, vector<16xf32>,
      tpu.vector_store %arg7[%parallel_loop3A_120], %parallel_loop3A_117 {strides = array<i32>} : memref<65536xf32, #tpu.memory_space<vmem>>, vector<16xf32>,
      %parallel_loop3A_122 = arith.constant 96 : i32
      %parallel_loop3A_123 = vector.broadcast %parallel_loop3A_122 : i32 to vector<16xi32>
      %parallel_loop3A_124 = arith.addi %parallel_loop3A_69, %parallel_loop3A_123 : vector<16xi32>
      %parallel_loop3A_125 = tpu.vector_load_idx %arg6[%parallel_loop3A_124] : memref<10624xf32, #tpu.memory_space<vmem>>[vector<16xi32>], vector<16xf32>,
      %parallel_loop3A_126 = arith.constant 96 : i32
      %parallel_loop3A_127 = arith.addi %parallel_loop3A_73, %parallel_loop3A_126 : i32
      %parallel_loop3A_128 = arith.index_cast %parallel_loop3A_127 : i32 to index
      %parallel_loop3A_129 = tpu.vector_load %arg7[%parallel_loop3A_128] {strides = array<i32>} : memref<65536xf32, #tpu.memory_space<vmem>>, vector<16xf32>,
      tpu.vector_store %arg7[%parallel_loop3A_128], %parallel_loop3A_125 {strides = array<i32>} : memref<65536xf32, #tpu.memory_space<vmem>>, vector<16xf32>,
      %parallel_loop3A_130 = arith.constant 112 : i32
      %parallel_loop3A_131 = vector.broadcast %parallel_loop3A_130 : i32 to vector<16xi32>
      %parallel_loop3A_132 = arith.addi %parallel_loop3A_69, %parallel_loop3A_131 : vector<16xi32>
      %parallel_loop3A_133 = tpu.vector_load_idx %arg6[%parallel_loop3A_132] : memref<10624xf32, #tpu.memory_space<vmem>>[vector<16xi32>], vector<16xf32>,
      %parallel_loop3A_134 = arith.constant 112 : i32
      %parallel_loop3A_135 = arith.addi %parallel_loop3A_73, %parallel_loop3A_134 : i32
      %parallel_loop3A_136 = arith.index_cast %parallel_loop3A_135 : i32 to index
      %parallel_loop3A_137 = tpu.vector_load %arg7[%parallel_loop3A_136] {strides = array<i32>} : memref<65536xf32, #tpu.memory_space<vmem>>, vector<16xf32>,
      tpu.vector_store %arg7[%parallel_loop3A_136], %parallel_loop3A_133 {strides = array<i32>} : memref<65536xf32, #tpu.memory_space<vmem>>, vector<16xf32>,
    } {sc.loop_unroll_factor = 8 : i64, sc.parallel_access}
    %add3A_22 = arith.constant 1 : i32
    %add3A_23 = arith.addi %mul3A_2, %add3A_22 : i32
    %mul3A_24 = arith.constant 32768 : i32
    %mul3A_25 = arith.muli %add3A_23, %mul3A_24 : i32
    %dma_start3A_26 = arith.constant 1 : i32
    %dma_start3A_27 = arith.constant 32768 : i32
    %dma_start3A_28 = tpu.memref_slice %arg7[%dma_start3A_27] : memref<65536xf32, #tpu.memory_space<vmem>> -> memref<32768xf32, #tpu.memory_space<vmem>>
    %dma_start3A_29 = tpu.memref_slice %arg4[%mul3A_25] : memref<104857600xf32, #tpu.memory_space<hbm>> -> memref<32768xf32, #tpu.memory_space<hbm>>
    %dma_start3A_30 = tpu.memref_slice %arg8[%dma_start3A_26] : memref<2x!tpu.dma_semaphore, #tpu.memory_space<semaphore_mem>> -> memref<1x!tpu.dma_semaphore, #tpu.memory_space<semaphore_mem>>
    %dma_start3A_31 = tpu.memref_squeeze %dma_start3A_30 : memref<1x!tpu.dma_semaphore, #tpu.memory_space<semaphore_mem>> -> memref<!tpu.dma_semaphore, #tpu.memory_space<semaphore_mem>>
    %dma_start3A_32 = tpu.memref_slice %arg4[%mul3A_25] : memref<104857600xf32, #tpu.memory_space<hbm>> -> memref<32768xf32, #tpu.memory_space<hbm>>
    %dma_start3A_33 = arith.constant 32768 : i32
    %dma_start3A_34 = tpu.memref_slice %arg7[%dma_start3A_33] : memref<65536xf32, #tpu.memory_space<vmem>> -> memref<32768xf32, #tpu.memory_space<vmem>>
    tpu.enqueue_dma source(%dma_start3A_34 : memref<32768xf32, #tpu.memory_space<vmem>>) target(%dma_start3A_32 : memref<32768xf32, #tpu.memory_space<hbm>>) target_semaphore(%dma_start3A_31 : memref<!tpu.dma_semaphore, #tpu.memory_space<semaphore_mem>>)
    %scan3A = arith.constant 0 : i32
    %scan3A_35 = arith.constant 0 : i32
    %scan3A_36 = arith.constant 49 : i32
    %scan3A_37 = arith.addi %scan3A_35, %scan3A_36 : i32
    %scan3A_38 = arith.constant 1 : i32
    scf.for %scan3A_61 = %scan3A_35 to %scan3A_37 step %scan3A_38  : i32 {
      %mul3A_62 = arith.constant 2 : i32
      %mul3A_63 = arith.muli %scan3A_61, %mul3A_62 : i32
      %add3A_64 = arith.constant 2 : i32
      %add3A_65 = arith.addi %mul3A_63, %add3A_64 : i32
      %add3A_66 = arith.constant 0 : i32
      %add3A_67 = arith.addi %add3A_65, %add3A_66 : i32
      %dma_wait3A_68 = arith.constant 0 : i32
      %dma_wait3A_69 = arith.constant 0 : i32
      %dma_wait3A_70 = tpu.memref_slice %arg7[%dma_wait3A_69] : memref<65536xf32, #tpu.memory_space<vmem>> -> memref<32768xf32, #tpu.memory_space<vmem>>
      %dma_wait3A_71 = arith.constant 0 : i32
      %dma_wait3A_72 = tpu.memref_slice %arg4[%dma_wait3A_71] : memref<104857600xf32, #tpu.memory_space<hbm>> -> memref<32768xf32, #tpu.memory_space<hbm>>
      %dma_wait3A_73 = tpu.memref_slice %arg8[%dma_wait3A_68] : memref<2x!tpu.dma_semaphore, #tpu.memory_space<semaphore_mem>> -> memref<1x!tpu.dma_semaphore, #tpu.memory_space<semaphore_mem>>
      %dma_wait3A_74 = tpu.memref_squeeze %dma_wait3A_73 : memref<1x!tpu.dma_semaphore, #tpu.memory_space<semaphore_mem>> -> memref<!tpu.dma_semaphore, #tpu.memory_space<semaphore_mem>>
      %dma_wait3A_75 = arith.constant 0 : i32
      %dma_wait3A_76 = tpu.memref_slice %arg4[%dma_wait3A_75] : memref<104857600xf32, #tpu.memory_space<hbm>> -> memref<32768xf32, #tpu.memory_space<hbm>>
      %dma_wait3A_77 = arith.constant 0 : i32
      %dma_wait3A_78 = tpu.memref_slice %arg7[%dma_wait3A_77] : memref<65536xf32, #tpu.memory_space<vmem>> -> memref<32768xf32, #tpu.memory_space<vmem>>
      tpu.wait_dma2 semaphore(%dma_wait3A_74 : memref<!tpu.dma_semaphore, #tpu.memory_space<semaphore_mem>>) src(%dma_wait3A_78 : memref<32768xf32, #tpu.memory_space<vmem>>) dst(%dma_wait3A_76 : memref<32768xf32, #tpu.memory_space<hbm>>)
      %mul3A_79 = arith.constant 256 : i32
      %mul3A_80 = arith.muli %add3A_67, %mul3A_79 : i32
      %parallel_loop3A_81 = arith.constant 0 : i32
      %parallel_loop3A_82 = arith.constant 256 : i32
      %parallel_loop3A_83 = arith.constant 1 : i32
      scf.for %parallel_loop3A_130 = %parallel_loop3A_81 to %parallel_loop3A_82 step %parallel_loop3A_83  : i32 {
        %parallel_loop3A_131 = arith.addi %mul3A_80, %parallel_loop3A_130 : i32
        %parallel_loop3A_132 = vector.broadcast %parallel_loop3A_131 : i32 to vector<16xi32>
        %parallel_loop3A_133 = tpu.vector_load_idx %arg5[%parallel_loop3A_132] : memref<25600xi32, #tpu.memory_space<vmem>>[vector<16xi32>], vector<16xi32>,
        %parallel_loop3A_134 = arith.constant 128 : i32
        %parallel_loop3A_135 = vector.broadcast %parallel_loop3A_134 : i32 to vector<16xi32>
        %parallel_loop3A_136 = arith.muli %parallel_loop3A_133, %parallel_loop3A_135 : vector<16xi32>
        %parallel_loop3A_137 = arith.addi %parallel_loop3A_136, %iota3A : vector<16xi32>
        %parallel_loop3A_138 = arith.constant 128 : i32
        %parallel_loop3A_139 = arith.muli %parallel_loop3A_130, %parallel_loop3A_138 : i32
        %parallel_loop3A_140 = arith.constant 0 : i32
        %parallel_loop3A_141 = arith.addi %parallel_loop3A_140, %parallel_loop3A_139 : i32
        %parallel_loop3A_142 = arith.constant 0 : i32
        %parallel_loop3A_143 = vector.broadcast %parallel_loop3A_142 : i32 to vector<16xi32>
        %parallel_loop3A_144 = arith.addi %parallel_loop3A_137, %parallel_loop3A_143 : vector<16xi32>
        %parallel_loop3A_145 = tpu.vector_load_idx %arg6[%parallel_loop3A_144] : memref<10624xf32, #tpu.memory_space<vmem>>[vector<16xi32>], vector<16xf32>,
        %parallel_loop3A_146 = arith.constant 0 : i32
        %parallel_loop3A_147 = arith.addi %parallel_loop3A_141, %parallel_loop3A_146 : i32
        %parallel_loop3A_148 = arith.index_cast %parallel_loop3A_147 : i32 to index
        %parallel_loop3A_149 = tpu.vector_load %arg7[%parallel_loop3A_148] {strides = array<i32>} : memref<65536xf32, #tpu.memory_space<vmem>>, vector<16xf32>,
        tpu.vector_store %arg7[%parallel_loop3A_148], %parallel_loop3A_145 {strides = array<i32>} : memref<65536xf32, #tpu.memory_space<vmem>>, vector<16xf32>,
        %parallel_loop3A_150 = arith.constant 16 : i32
        %parallel_loop3A_151 = vector.broadcast %parallel_loop3A_150 : i32 to vector<16xi32>
        %parallel_loop3A_152 = arith.addi %parallel_loop3A_137, %parallel_loop3A_151 : vector<16xi32>
        %parallel_loop3A_153 = tpu.vector_load_idx %arg6[%parallel_loop3A_152] : memref<10624xf32, #tpu.memory_space<vmem>>[vector<16xi32>], vector<16xf32>,
        %parallel_loop3A_154 = arith.constant 16 : i32
        %parallel_loop3A_155 = arith.addi %parallel_loop3A_141, %parallel_loop3A_154 : i32
        %parallel_loop3A_156 = arith.index_cast %parallel_loop3A_155 : i32 to index
        %parallel_loop3A_157 = tpu.vector_load %arg7[%parallel_loop3A_156] {strides = array<i32>} : memref<65536xf32, #tpu.memory_space<vmem>>, vector<16xf32>,
        tpu.vector_store %arg7[%parallel_loop3A_156], %parallel_loop3A_153 {strides = array<i32>} : memref<65536xf32, #tpu.memory_space<vmem>>, vector<16xf32>,
        %parallel_loop3A_158 = arith.constant 32 : i32
        %parallel_loop3A_159 = vector.broadcast %parallel_loop3A_158 : i32 to vector<16xi32>
        %parallel_loop3A_160 = arith.addi %parallel_loop3A_137, %parallel_loop3A_159 : vector<16xi32>
        %parallel_loop3A_161 = tpu.vector_load_idx %arg6[%parallel_loop3A_160] : memref<10624xf32, #tpu.memory_space<vmem>>[vector<16xi32>], vector<16xf32>,
        %parallel_loop3A_162 = arith.constant 32 : i32
        %parallel_loop3A_163 = arith.addi %parallel_loop3A_141, %parallel_loop3A_162 : i32
        %parallel_loop3A_164 = arith.index_cast %parallel_loop3A_163 : i32 to index
        %parallel_loop3A_165 = tpu.vector_load %arg7[%parallel_loop3A_164] {strides = array<i32>} : memref<65536xf32, #tpu.memory_space<vmem>>, vector<16xf32>,
        tpu.vector_store %arg7[%parallel_loop3A_164], %parallel_loop3A_161 {strides = array<i32>} : memref<65536xf32, #tpu.memory_space<vmem>>, vector<16xf32>,
        %parallel_loop3A_166 = arith.constant 48 : i32
        %parallel_loop3A_167 = vector.broadcast %parallel_loop3A_166 : i32 to vector<16xi32>
        %parallel_loop3A_168 = arith.addi %parallel_loop3A_137, %parallel_loop3A_167 : vector<16xi32>
        %parallel_loop3A_169 = tpu.vector_load_idx %arg6[%parallel_loop3A_168] : memref<10624xf32, #tpu.memory_space<vmem>>[vector<16xi32>], vector<16xf32>,
        %parallel_loop3A_170 = arith.constant 48 : i32
        %parallel_loop3A_171 = arith.addi %parallel_loop3A_141, %parallel_loop3A_170 : i32
        %parallel_loop3A_172 = arith.index_cast %parallel_loop3A_171 : i32 to index
        %parallel_loop3A_173 = tpu.vector_load %arg7[%parallel_loop3A_172] {strides = array<i32>} : memref<65536xf32, #tpu.memory_space<vmem>>, vector<16xf32>,
        tpu.vector_store %arg7[%parallel_loop3A_172], %parallel_loop3A_169 {strides = array<i32>} : memref<65536xf32, #tpu.memory_space<vmem>>, vector<16xf32>,
        %parallel_loop3A_174 = arith.constant 64 : i32
        %parallel_loop3A_175 = vector.broadcast %parallel_loop3A_174 : i32 to vector<16xi32>
        %parallel_loop3A_176 = arith.addi %parallel_loop3A_137, %parallel_loop3A_175 : vector<16xi32>
        %parallel_loop3A_177 = tpu.vector_load_idx %arg6[%parallel_loop3A_176] : memref<10624xf32, #tpu.memory_space<vmem>>[vector<16xi32>], vector<16xf32>,
        %parallel_loop3A_178 = arith.constant 64 : i32
        %parallel_loop3A_179 = arith.addi %parallel_loop3A_141, %parallel_loop3A_178 : i32
        %parallel_loop3A_180 = arith.index_cast %parallel_loop3A_179 : i32 to index
        %parallel_loop3A_181 = tpu.vector_load %arg7[%parallel_loop3A_180] {strides = array<i32>} : memref<65536xf32, #tpu.memory_space<vmem>>, vector<16xf32>,
        tpu.vector_store %arg7[%parallel_loop3A_180], %parallel_loop3A_177 {strides = array<i32>} : memref<65536xf32, #tpu.memory_space<vmem>>, vector<16xf32>,
        %parallel_loop3A_182 = arith.constant 80 : i32
        %parallel_loop3A_183 = vector.broadcast %parallel_loop3A_182 : i32 to vector<16xi32>
        %parallel_loop3A_184 = arith.addi %parallel_loop3A_137, %parallel_loop3A_183 : vector<16xi32>
        %parallel_loop3A_185 = tpu.vector_load_idx %arg6[%parallel_loop3A_184] : memref<10624xf32, #tpu.memory_space<vmem>>[vector<16xi32>], vector<16xf32>,
        %parallel_loop3A_186 = arith.constant 80 : i32
        %parallel_loop3A_187 = arith.addi %parallel_loop3A_141, %parallel_loop3A_186 : i32
        %parallel_loop3A_188 = arith.index_cast %parallel_loop3A_187 : i32 to index
        %parallel_loop3A_189 = tpu.vector_load %arg7[%parallel_loop3A_188] {strides = array<i32>} : memref<65536xf32, #tpu.memory_space<vmem>>, vector<16xf32>,
        tpu.vector_store %arg7[%parallel_loop3A_188], %parallel_loop3A_185 {strides = array<i32>} : memref<65536xf32, #tpu.memory_space<vmem>>, vector<16xf32>,
        %parallel_loop3A_190 = arith.constant 96 : i32
        %parallel_loop3A_191 = vector.broadcast %parallel_loop3A_190 : i32 to vector<16xi32>
        %parallel_loop3A_192 = arith.addi %parallel_loop3A_137, %parallel_loop3A_191 : vector<16xi32>
        %parallel_loop3A_193 = tpu.vector_load_idx %arg6[%parallel_loop3A_192] : memref<10624xf32, #tpu.memory_space<vmem>>[vector<16xi32>], vector<16xf32>,
        %parallel_loop3A_194 = arith.constant 96 : i32
        %parallel_loop3A_195 = arith.addi %parallel_loop3A_141, %parallel_loop3A_194 : i32
        %parallel_loop3A_196 = arith.index_cast %parallel_loop3A_195 : i32 to index
        %parallel_loop3A_197 = tpu.vector_load %arg7[%parallel_loop3A_196] {strides = array<i32>} : memref<65536xf32, #tpu.memory_space<vmem>>, vector<16xf32>,
        tpu.vector_store %arg7[%parallel_loop3A_196], %parallel_loop3A_193 {strides = array<i32>} : memref<65536xf32, #tpu.memory_space<vmem>>, vector<16xf32>,
        %parallel_loop3A_198 = arith.constant 112 : i32
        %parallel_loop3A_199 = vector.broadcast %parallel_loop3A_198 : i32 to vector<16xi32>
        %parallel_loop3A_200 = arith.addi %parallel_loop3A_137, %parallel_loop3A_199 : vector<16xi32>
        %parallel_loop3A_201 = tpu.vector_load_idx %arg6[%parallel_loop3A_200] : memref<10624xf32, #tpu.memory_space<vmem>>[vector<16xi32>], vector<16xf32>,
        %parallel_loop3A_202 = arith.constant 112 : i32
        %parallel_loop3A_203 = arith.addi %parallel_loop3A_141, %parallel_loop3A_202 : i32
        %parallel_loop3A_204 = arith.index_cast %parallel_loop3A_203 : i32 to index
        %parallel_loop3A_205 = tpu.vector_load %arg7[%parallel_loop3A_204] {strides = array<i32>} : memref<65536xf32, #tpu.memory_space<vmem>>, vector<16xf32>,
        tpu.vector_store %arg7[%parallel_loop3A_204], %parallel_loop3A_201 {strides = array<i32>} : memref<65536xf32, #tpu.memory_space<vmem>>, vector<16xf32>,
      } {sc.loop_unroll_factor = 8 : i64, sc.parallel_access}
      %add3A_84 = arith.addi %mul3A_2, %add3A_67 : i32
      %mul3A_85 = arith.constant 32768 : i32
      %mul3A_86 = arith.muli %add3A_84, %mul3A_85 : i32
      %dma_start3A_87 = arith.constant 0 : i32
      %dma_start3A_88 = arith.constant 0 : i32
      %dma_start3A_89 = tpu.memref_slice %arg7[%dma_start3A_88] : memref<65536xf32, #tpu.memory_space<vmem>> -> memref<32768xf32, #tpu.memory_space<vmem>>
      %dma_start3A_90 = tpu.memref_slice %arg4[%mul3A_86] : memref<104857600xf32, #tpu.memory_space<hbm>> -> memref<32768xf32, #tpu.memory_space<hbm>>
      %dma_start3A_91 = tpu.memref_slice %arg8[%dma_start3A_87] : memref<2x!tpu.dma_semaphore, #tpu.memory_space<semaphore_mem>> -> memref<1x!tpu.dma_semaphore, #tpu.memory_space<semaphore_mem>>
      %dma_start3A_92 = tpu.memref_squeeze %dma_start3A_91 : memref<1x!tpu.dma_semaphore, #tpu.memory_space<semaphore_mem>> -> memref<!tpu.dma_semaphore, #tpu.memory_space<semaphore_mem>>
      %dma_start3A_93 = tpu.memref_slice %arg4[%mul3A_86] : memref<104857600xf32, #tpu.memory_space<hbm>> -> memref<32768xf32, #tpu.memory_space<hbm>>
      %dma_start3A_94 = arith.constant 0 : i32
      %dma_start3A_95 = tpu.memref_slice %arg7[%dma_start3A_94] : memref<65536xf32, #tpu.memory_space<vmem>> -> memref<32768xf32, #tpu.memory_space<vmem>>
      tpu.enqueue_dma source(%dma_start3A_95 : memref<32768xf32, #tpu.memory_space<vmem>>) target(%dma_start3A_93 : memref<32768xf32, #tpu.memory_space<hbm>>) target_semaphore(%dma_start3A_92 : memref<!tpu.dma_semaphore, #tpu.memory_space<semaphore_mem>>)
      %mul3A_96 = arith.constant 2 : i32
      %mul3A_97 = arith.muli %scan3A_61, %mul3A_96 : i32
      %add3A_98 = arith.constant 2 : i32
      %add3A_99 = arith.addi %mul3A_97, %add3A_98 : i32
      %add3A_100 = arith.constant 1 : i32
      %add3A_101 = arith.addi %add3A_99, %add3A_100 : i32
      %dma_wait3A_102 = arith.constant 1 : i32
      %dma_wait3A_103 = arith.constant 32768 : i32
      %dma_wait3A_104 = tpu.memref_slice %arg7[%dma_wait3A_103] : memref<65536xf32, #tpu.memory_space<vmem>> -> memref<32768xf32, #tpu.memory_space<vmem>>
      %dma_wait3A_105 = arith.constant 0 : i32
      %dma_wait3A_106 = tpu.memref_slice %arg4[%dma_wait3A_105] : memref<104857600xf32, #tpu.memory_space<hbm>> -> memref<32768xf32, #tpu.memory_space<hbm>>
      %dma_wait3A_107 = tpu.memref_slice %arg8[%dma_wait3A_102] : memref<2x!tpu.dma_semaphore, #tpu.memory_space<semaphore_mem>> -> memref<1x!tpu.dma_semaphore, #tpu.memory_space<semaphore_mem>>
      %dma_wait3A_108 = tpu.memref_squeeze %dma_wait3A_107 : memref<1x!tpu.dma_semaphore, #tpu.memory_space<semaphore_mem>> -> memref<!tpu.dma_semaphore, #tpu.memory_space<semaphore_mem>>
      %dma_wait3A_109 = arith.constant 0 : i32
      %dma_wait3A_110 = tpu.memref_slice %arg4[%dma_wait3A_109] : memref<104857600xf32, #tpu.memory_space<hbm>> -> memref<32768xf32, #tpu.memory_space<hbm>>
      %dma_wait3A_111 = arith.constant 32768 : i32
      %dma_wait3A_112 = tpu.memref_slice %arg7[%dma_wait3A_111] : memref<65536xf32, #tpu.memory_space<vmem>> -> memref<32768xf32, #tpu.memory_space<vmem>>
      tpu.wait_dma2 semaphore(%dma_wait3A_108 : memref<!tpu.dma_semaphore, #tpu.memory_space<semaphore_mem>>) src(%dma_wait3A_112 : memref<32768xf32, #tpu.memory_space<vmem>>) dst(%dma_wait3A_110 : memref<32768xf32, #tpu.memory_space<hbm>>)
      %mul3A_113 = arith.constant 256 : i32
      %mul3A_114 = arith.muli %add3A_101, %mul3A_113 : i32
      %parallel_loop3A_115 = arith.constant 0 : i32
      %parallel_loop3A_116 = arith.constant 256 : i32
      %parallel_loop3A_117 = arith.constant 1 : i32
      scf.for %parallel_loop3A_130 = %parallel_loop3A_115 to %parallel_loop3A_116 step %parallel_loop3A_117  : i32 {
        %parallel_loop3A_131 = arith.addi %mul3A_114, %parallel_loop3A_130 : i32
        %parallel_loop3A_132 = vector.broadcast %parallel_loop3A_131 : i32 to vector<16xi32>
        %parallel_loop3A_133 = tpu.vector_load_idx %arg5[%parallel_loop3A_132] : memref<25600xi32, #tpu.memory_space<vmem>>[vector<16xi32>], vector<16xi32>,
        %parallel_loop3A_134 = arith.constant 128 : i32
        %parallel_loop3A_135 = vector.broadcast %parallel_loop3A_134 : i32 to vector<16xi32>
        %parallel_loop3A_136 = arith.muli %parallel_loop3A_133, %parallel_loop3A_135 : vector<16xi32>
        %parallel_loop3A_137 = arith.addi %parallel_loop3A_136, %iota3A : vector<16xi32>
        %parallel_loop3A_138 = arith.constant 128 : i32
        %parallel_loop3A_139 = arith.muli %parallel_loop3A_130, %parallel_loop3A_138 : i32
        %parallel_loop3A_140 = arith.constant 32768 : i32
        %parallel_loop3A_141 = arith.addi %parallel_loop3A_140, %parallel_loop3A_139 : i32
        %parallel_loop3A_142 = arith.constant 0 : i32
        %parallel_loop3A_143 = vector.broadcast %parallel_loop3A_142 : i32 to vector<16xi32>
        %parallel_loop3A_144 = arith.addi %parallel_loop3A_137, %parallel_loop3A_143 : vector<16xi32>
        %parallel_loop3A_145 = tpu.vector_load_idx %arg6[%parallel_loop3A_144] : memref<10624xf32, #tpu.memory_space<vmem>>[vector<16xi32>], vector<16xf32>,
        %parallel_loop3A_146 = arith.constant 0 : i32
        %parallel_loop3A_147 = arith.addi %parallel_loop3A_141, %parallel_loop3A_146 : i32
        %parallel_loop3A_148 = arith.index_cast %parallel_loop3A_147 : i32 to index
        %parallel_loop3A_149 = tpu.vector_load %arg7[%parallel_loop3A_148] {strides = array<i32>} : memref<65536xf32, #tpu.memory_space<vmem>>, vector<16xf32>,
        tpu.vector_store %arg7[%parallel_loop3A_148], %parallel_loop3A_145 {strides = array<i32>} : memref<65536xf32, #tpu.memory_space<vmem>>, vector<16xf32>,
        %parallel_loop3A_150 = arith.constant 16 : i32
        %parallel_loop3A_151 = vector.broadcast %parallel_loop3A_150 : i32 to vector<16xi32>
        %parallel_loop3A_152 = arith.addi %parallel_loop3A_137, %parallel_loop3A_151 : vector<16xi32>
        %parallel_loop3A_153 = tpu.vector_load_idx %arg6[%parallel_loop3A_152] : memref<10624xf32, #tpu.memory_space<vmem>>[vector<16xi32>], vector<16xf32>,
        %parallel_loop3A_154 = arith.constant 16 : i32
        %parallel_loop3A_155 = arith.addi %parallel_loop3A_141, %parallel_loop3A_154 : i32
        %parallel_loop3A_156 = arith.index_cast %parallel_loop3A_155 : i32 to index
        %parallel_loop3A_157 = tpu.vector_load %arg7[%parallel_loop3A_156] {strides = array<i32>} : memref<65536xf32, #tpu.memory_space<vmem>>, vector<16xf32>,
        tpu.vector_store %arg7[%parallel_loop3A_156], %parallel_loop3A_153 {strides = array<i32>} : memref<65536xf32, #tpu.memory_space<vmem>>, vector<16xf32>,
        %parallel_loop3A_158 = arith.constant 32 : i32
        %parallel_loop3A_159 = vector.broadcast %parallel_loop3A_158 : i32 to vector<16xi32>
        %parallel_loop3A_160 = arith.addi %parallel_loop3A_137, %parallel_loop3A_159 : vector<16xi32>
        %parallel_loop3A_161 = tpu.vector_load_idx %arg6[%parallel_loop3A_160] : memref<10624xf32, #tpu.memory_space<vmem>>[vector<16xi32>], vector<16xf32>,
        %parallel_loop3A_162 = arith.constant 32 : i32
        %parallel_loop3A_163 = arith.addi %parallel_loop3A_141, %parallel_loop3A_162 : i32
        %parallel_loop3A_164 = arith.index_cast %parallel_loop3A_163 : i32 to index
        %parallel_loop3A_165 = tpu.vector_load %arg7[%parallel_loop3A_164] {strides = array<i32>} : memref<65536xf32, #tpu.memory_space<vmem>>, vector<16xf32>,
        tpu.vector_store %arg7[%parallel_loop3A_164], %parallel_loop3A_161 {strides = array<i32>} : memref<65536xf32, #tpu.memory_space<vmem>>, vector<16xf32>,
        %parallel_loop3A_166 = arith.constant 48 : i32
        %parallel_loop3A_167 = vector.broadcast %parallel_loop3A_166 : i32 to vector<16xi32>
        %parallel_loop3A_168 = arith.addi %parallel_loop3A_137, %parallel_loop3A_167 : vector<16xi32>
        %parallel_loop3A_169 = tpu.vector_load_idx %arg6[%parallel_loop3A_168] : memref<10624xf32, #tpu.memory_space<vmem>>[vector<16xi32>], vector<16xf32>,
        %parallel_loop3A_170 = arith.constant 48 : i32
        %parallel_loop3A_171 = arith.addi %parallel_loop3A_141, %parallel_loop3A_170 : i32
        %parallel_loop3A_172 = arith.index_cast %parallel_loop3A_171 : i32 to index
        %parallel_loop3A_173 = tpu.vector_load %arg7[%parallel_loop3A_172] {strides = array<i32>} : memref<65536xf32, #tpu.memory_space<vmem>>, vector<16xf32>,
        tpu.vector_store %arg7[%parallel_loop3A_172], %parallel_loop3A_169 {strides = array<i32>} : memref<65536xf32, #tpu.memory_space<vmem>>, vector<16xf32>,
        %parallel_loop3A_174 = arith.constant 64 : i32
        %parallel_loop3A_175 = vector.broadcast %parallel_loop3A_174 : i32 to vector<16xi32>
        %parallel_loop3A_176 = arith.addi %parallel_loop3A_137, %parallel_loop3A_175 : vector<16xi32>
        %parallel_loop3A_177 = tpu.vector_load_idx %arg6[%parallel_loop3A_176] : memref<10624xf32, #tpu.memory_space<vmem>>[vector<16xi32>], vector<16xf32>,
        %parallel_loop3A_178 = arith.constant 64 : i32
        %parallel_loop3A_179 = arith.addi %parallel_loop3A_141, %parallel_loop3A_178 : i32
        %parallel_loop3A_180 = arith.index_cast %parallel_loop3A_179 : i32 to index
        %parallel_loop3A_181 = tpu.vector_load %arg7[%parallel_loop3A_180] {strides = array<i32>} : memref<65536xf32, #tpu.memory_space<vmem>>, vector<16xf32>,
        tpu.vector_store %arg7[%parallel_loop3A_180], %parallel_loop3A_177 {strides = array<i32>} : memref<65536xf32, #tpu.memory_space<vmem>>, vector<16xf32>,
        %parallel_loop3A_182 = arith.constant 80 : i32
        %parallel_loop3A_183 = vector.broadcast %parallel_loop3A_182 : i32 to vector<16xi32>
        %parallel_loop3A_184 = arith.addi %parallel_loop3A_137, %parallel_loop3A_183 : vector<16xi32>
        %parallel_loop3A_185 = tpu.vector_load_idx %arg6[%parallel_loop3A_184] : memref<10624xf32, #tpu.memory_space<vmem>>[vector<16xi32>], vector<16xf32>,
        %parallel_loop3A_186 = arith.constant 80 : i32
        %parallel_loop3A_187 = arith.addi %parallel_loop3A_141, %parallel_loop3A_186 : i32
        %parallel_loop3A_188 = arith.index_cast %parallel_loop3A_187 : i32 to index
        %parallel_loop3A_189 = tpu.vector_load %arg7[%parallel_loop3A_188] {strides = array<i32>} : memref<65536xf32, #tpu.memory_space<vmem>>, vector<16xf32>,
        tpu.vector_store %arg7[%parallel_loop3A_188], %parallel_loop3A_185 {strides = array<i32>} : memref<65536xf32, #tpu.memory_space<vmem>>, vector<16xf32>,
        %parallel_loop3A_190 = arith.constant 96 : i32
        %parallel_loop3A_191 = vector.broadcast %parallel_loop3A_190 : i32 to vector<16xi32>
        %parallel_loop3A_192 = arith.addi %parallel_loop3A_137, %parallel_loop3A_191 : vector<16xi32>
        %parallel_loop3A_193 = tpu.vector_load_idx %arg6[%parallel_loop3A_192] : memref<10624xf32, #tpu.memory_space<vmem>>[vector<16xi32>], vector<16xf32>,
        %parallel_loop3A_194 = arith.constant 96 : i32
        %parallel_loop3A_195 = arith.addi %parallel_loop3A_141, %parallel_loop3A_194 : i32
        %parallel_loop3A_196 = arith.index_cast %parallel_loop3A_195 : i32 to index
        %parallel_loop3A_197 = tpu.vector_load %arg7[%parallel_loop3A_196] {strides = array<i32>} : memref<65536xf32, #tpu.memory_space<vmem>>, vector<16xf32>,
        tpu.vector_store %arg7[%parallel_loop3A_196], %parallel_loop3A_193 {strides = array<i32>} : memref<65536xf32, #tpu.memory_space<vmem>>, vector<16xf32>,
        %parallel_loop3A_198 = arith.constant 112 : i32
        %parallel_loop3A_199 = vector.broadcast %parallel_loop3A_198 : i32 to vector<16xi32>
        %parallel_loop3A_200 = arith.addi %parallel_loop3A_137, %parallel_loop3A_199 : vector<16xi32>
        %parallel_loop3A_201 = tpu.vector_load_idx %arg6[%parallel_loop3A_200] : memref<10624xf32, #tpu.memory_space<vmem>>[vector<16xi32>], vector<16xf32>,
        %parallel_loop3A_202 = arith.constant 112 : i32
        %parallel_loop3A_203 = arith.addi %parallel_loop3A_141, %parallel_loop3A_202 : i32
        %parallel_loop3A_204 = arith.index_cast %parallel_loop3A_203 : i32 to index
        %parallel_loop3A_205 = tpu.vector_load %arg7[%parallel_loop3A_204] {strides = array<i32>} : memref<65536xf32, #tpu.memory_space<vmem>>, vector<16xf32>,
        tpu.vector_store %arg7[%parallel_loop3A_204], %parallel_loop3A_201 {strides = array<i32>} : memref<65536xf32, #tpu.memory_space<vmem>>, vector<16xf32>,
      } {sc.loop_unroll_factor = 8 : i64, sc.parallel_access}
      %add3A_118 = arith.addi %mul3A_2, %add3A_101 : i32
      %mul3A_119 = arith.constant 32768 : i32
      %mul3A_120 = arith.muli %add3A_118, %mul3A_119 : i32
      %dma_start3A_121 = arith.constant 1 : i32
      %dma_start3A_122 = arith.constant 32768 : i32
      %dma_start3A_123 = tpu.memref_slice %arg7[%dma_start3A_122] : memref<65536xf32, #tpu.memory_space<vmem>> -> memref<32768xf32, #tpu.memory_space<vmem>>
      %dma_start3A_124 = tpu.memref_slice %arg4[%mul3A_120] : memref<104857600xf32, #tpu.memory_space<hbm>> -> memref<32768xf32, #tpu.memory_space<hbm>>
      %dma_start3A_125 = tpu.memref_slice %arg8[%dma_start3A_121] : memref<2x!tpu.dma_semaphore, #tpu.memory_space<semaphore_mem>> -> memref<1x!tpu.dma_semaphore, #tpu.memory_space<semaphore_mem>>
      %dma_start3A_126 = tpu.memref_squeeze %dma_start3A_125 : memref<1x!tpu.dma_semaphore, #tpu.memory_space<semaphore_mem>> -> memref<!tpu.dma_semaphore, #tpu.memory_space<semaphore_mem>>
      %dma_start3A_127 = tpu.memref_slice %arg4[%mul3A_120] : memref<104857600xf32, #tpu.memory_space<hbm>> -> memref<32768xf32, #tpu.memory_space<hbm>>
      %dma_start3A_128 = arith.constant 32768 : i32
      %dma_start3A_129 = tpu.memref_slice %arg7[%dma_start3A_128] : memref<65536xf32, #tpu.memory_space<vmem>> -> memref<32768xf32, #tpu.memory_space<vmem>>
      tpu.enqueue_dma source(%dma_start3A_129 : memref<32768xf32, #tpu.memory_space<vmem>>) target(%dma_start3A_127 : memref<32768xf32, #tpu.memory_space<hbm>>) target_semaphore(%dma_start3A_126 : memref<!tpu.dma_semaphore, #tpu.memory_space<semaphore_mem>>)
    }
    %scan3A_39 = arith.constant 49 : i32
    %dma_wait3A = arith.constant 0 : i32
    %dma_wait3A_40 = arith.constant 0 : i32
    %dma_wait3A_41 = tpu.memref_slice %arg7[%dma_wait3A_40] : memref<65536xf32, #tpu.memory_space<vmem>> -> memref<32768xf32, #tpu.memory_space<vmem>>
    %dma_wait3A_42 = arith.constant 0 : i32
    %dma_wait3A_43 = tpu.memref_slice %arg4[%dma_wait3A_42] : memref<104857600xf32, #tpu.memory_space<hbm>> -> memref<32768xf32, #tpu.memory_space<hbm>>
    %dma_wait3A_44 = tpu.memref_slice %arg8[%dma_wait3A] : memref<2x!tpu.dma_semaphore, #tpu.memory_space<semaphore_mem>> -> memref<1x!tpu.dma_semaphore, #tpu.memory_space<semaphore_mem>>
    %dma_wait3A_45 = tpu.memref_squeeze %dma_wait3A_44 : memref<1x!tpu.dma_semaphore, #tpu.memory_space<semaphore_mem>> -> memref<!tpu.dma_semaphore, #tpu.memory_space<semaphore_mem>>
    %dma_wait3A_46 = arith.constant 0 : i32
    %dma_wait3A_47 = tpu.memref_slice %arg4[%dma_wait3A_46] : memref<104857600xf32, #tpu.memory_space<hbm>> -> memref<32768xf32, #tpu.memory_space<hbm>>
    %dma_wait3A_48 = arith.constant 0 : i32
    %dma_wait3A_49 = tpu.memref_slice %arg7[%dma_wait3A_48] : memref<65536xf32, #tpu.memory_space<vmem>> -> memref<32768xf32, #tpu.memory_space<vmem>>
    tpu.wait_dma2 semaphore(%dma_wait3A_45 : memref<!tpu.dma_semaphore, #tpu.memory_space<semaphore_mem>>) src(%dma_wait3A_49 : memref<32768xf32, #tpu.memory_space<vmem>>) dst(%dma_wait3A_47 : memref<32768xf32, #tpu.memory_space<hbm>>)
    %dma_wait3A_50 = arith.constant 1 : i32
    %dma_wait3A_51 = arith.constant 32768 : i32
    %dma_wait3A_52 = tpu.memref_slice %arg7[%dma_wait3A_51] : memref<65536xf32, #tpu.memory_space<vmem>> -> memref<32768xf32, #tpu.memory_space<vmem>>
    %dma_wait3A_53 = arith.constant 0 : i32
    %dma_wait3A_54 = tpu.memref_slice %arg4[%dma_wait3A_53] : memref<104857600xf32, #tpu.memory_space<hbm>> -> memref<32768xf32, #tpu.memory_space<hbm>>
    %dma_wait3A_55 = tpu.memref_slice %arg8[%dma_wait3A_50] : memref<2x!tpu.dma_semaphore, #tpu.memory_space<semaphore_mem>> -> memref<1x!tpu.dma_semaphore, #tpu.memory_space<semaphore_mem>>
    %dma_wait3A_56 = tpu.memref_squeeze %dma_wait3A_55 : memref<1x!tpu.dma_semaphore, #tpu.memory_space<semaphore_mem>> -> memref<!tpu.dma_semaphore, #tpu.memory_space<semaphore_mem>>
    %dma_wait3A_57 = arith.constant 0 : i32
    %dma_wait3A_58 = tpu.memref_slice %arg4[%dma_wait3A_57] : memref<104857600xf32, #tpu.memory_space<hbm>> -> memref<32768xf32, #tpu.memory_space<hbm>>
    %dma_wait3A_59 = arith.constant 32768 : i32
    %dma_wait3A_60 = tpu.memref_slice %arg7[%dma_wait3A_59] : memref<65536xf32, #tpu.memory_space<vmem>> -> memref<32768xf32, #tpu.memory_space<vmem>>
    tpu.wait_dma2 semaphore(%dma_wait3A_56 : memref<!tpu.dma_semaphore, #tpu.memory_space<semaphore_mem>>) src(%dma_wait3A_60 : memref<32768xf32, #tpu.memory_space<vmem>>) dst(%dma_wait3A_58 : memref<32768xf32, #tpu.memory_space<hbm>>)
    return
  }
}

</mosaic_0001>

<sc_bundles>
// kernel: kernel.3.cloned.1.call-start
scs
__scs_entry_jumppad:
0x0: {  	(pc) =	sbr.rel $0x88, $3  }
0x1: {  	(tag) =	ssettag $0x0;
	lr =	simm.s32 $0x1  }
0x2: {  	[smem:$0x3F9F] =	sst lr;
	_ =	strace $0xD0000000  }
0x3: {  	_ = 	snop  }
0x4: {  	_ = 	snop  }
0x5: {  	_ = 	snop  }
0x6: {  	_ = 	snop  }
0x7: {  	_ = 	snop  }
__scs_overlays_trampoline_lowered:
0x8: {  	[smem:$0x3FAE] =	sst s0  }
0x9: {  	[smem:$0x3FAF] =	sst s1  }
0xa: {  	[smem:$0x3FB0] =	sst s2  }
0xb: {  	[smem:$0x3FB1] =	sst s3  }
0xc: {  	[smem:$0x3FB2] =	sst s4  }
0xd: {  	[smem:$0x3FB3] =	sst s5  }
0xe: {  	[smem:$0x3FB4] =	sst s6  }
0xf: {  	[smem:$0x3FB5] =	sst s7  }
0x10: {  	[smem:$0x3FB6] =	sst s8  }
0x11: {  	[smem:$0x3FB7] =	sst s9;
	s0 =	simm.s32 @!p0 $0x0  }
0x12: {  	s1 =	sld [smem:$0x3F9D];
	s0 =	simm.s32 @p0 $0x1  }
0x13: {  	[smem:$0x3FB8] =	sst s0;
	s0 =	simm.s32 @!p1 $0x0  }
0x14: {  	s2 =	sld [smem:$0x3F9C];
	s0 =	simm.s32 @p1 $0x1  }
0x15: {  	[smem:$0x3FB9] =	sst s0;
	s0 =	simm.s32 @!p2 $0x0  }
0x16: {  	s3 =	sld [smem:$0x3FDB];
	s0 =	simm.s32 @p2 $0x1  }
0x17: {  	s4 =	simm.s32 $0x1BF5;
	[smem:$0x3FBB] =	sst s0  }
0x18: {  	s0 =	sld [smem:$0x3F9E];
	_ =	swait.ge [sflag:s4], $0x0  }
0x19: {  	s7 =	sld [smem:$0x3F9F]  }
0x1a: {  	s8 =	sadd.s32 $0xFFFFE003, lr  }
0x1b: {  	s9 =	sadd.s32 $0xFFFFFEF7, lr;
	s5 =	simm.s32 $0xFFFFFFFF;
	p2 =	slt.u32 s8, $0xFFFFF086  }
0x1c: {  	p1 =	slt.u32 s9, $0xF7A;
	s5 =	simm.s32 @!p2 $0x0  }
0x1d: {  	s5 =	simm.s32 @p1 $0x1;
	p0 =	seq.s32 s7, s2  }
0x1e: {  	s7 =	smul.u32 @!p0 $0xF7A, s2;
	p2 =	seq.s32 @!p0 s5, $0x0  }
0x1f: {  	s9 =	smul.u32 $0xF7A, s1;
	s8 =	simm.s32 @!p0 $0x1BF5;
	p2 =	por !p2, p0  }
0x20: {  	[sflag:s8] =	ssyncset.s32 @!p0 $0xFFFFF086;
	s6 =	sadd.s32 @!p0 s3, s7;
	s7 =	simm.s32 @!p0 $0x108  }
0x21: {  	s3 =	sadd.s32 s3, s9;
	s6 =	sadd.s32 @!p0 $0x88, s6;
	s7 =	simm.s32 @p2 $0x1082  }
0x22: {  	[simem:s7], [sflag:s8] =	dma.local @!p0 [hbm:s6], $0xF7A  }
0x23: {  	s9 =	sor.u32 $0xD0000000, s2;
	s6 =	simm.s32 $0x108;
	_ =	swait.ge @!p0 [sflag:s8], $0x0  }
0x24: {  	s3 =	sadd.s32 $0x88, s3;
	s6 =	simm.s32 @!p1 $0x1082;
	[sflag:s4] =	ssyncset.s32 $0xFFFFF086  }
0x25: {  	[simem:s6], [sflag:s4] =	dma.local [hbm:s3], $0xF7A  }
0x26: {  	[smem:$0x3F9F] =	sst s1;
	(tag) =	ssettag s2;
	_ =	strace s9  }
0x27: {  	s1 =	sld [smem:$0x3FAF]  }
0x28: {  	s2 =	sld [smem:$0x3FB0]  }
0x29: {  	s4 =	sld [smem:$0x3FB2]  }
0x2a: {  	p0 =	seq.s32 s5, $0x0;
	s5 =	sld [smem:$0x3FB3]  }
0x2b: {  	s6 =	sld [smem:$0x3FB4]  }
0x2c: {  	s7 =	sld [smem:$0x3FB5]  }
0x2d: {  	s3 =	simm.s32 $0x108;
	s8 =	sld [smem:$0x3FB6]  }
0x2e: {  	s3 =	simm.s32 @!p0 $0x1082;
	s9 =	sld [smem:$0x3FB7]  }
0x2f: {  	lr =	sadd.s32 s0, s3;
	s0 =	sld [smem:$0x3FAE]  }
0x30: {  	s3 =	sld [smem:$0x3FB1]  }
0x31: {  	[smem:$0x3FBA] =	sst s10  }
0x32: {  	s10 =	sld [smem:$0x3FB8];
	_ =	sdelay $0x3  }
0x33: {  	p0 =	seq.s32 s10, $0x1;
	s10 =	sld [smem:$0x3FBA];
	_ =	sdelay $0x3  }
0x34: {  	[smem:$0x3FBA] =	sst s10  }
0x35: {  	s10 =	sld [smem:$0x3FB9];
	_ =	sdelay $0x3  }
0x36: {  	p1 =	seq.s32 s10, $0x1;
	s10 =	sld [smem:$0x3FBA];
	_ =	sdelay $0x3  }
0x37: {  	[smem:$0x3FBA] =	sst s10  }
0x38: {  	s10 =	sld [smem:$0x3FBB]  }
0x39: {  	_ = 	snop;
	(pc) =	sbr.ind lr, $3  }
0x3a: {  	_ = 	snop  }
0x3b: {  	_ = 	snop  }
0x3c: {  	p2 =	seq.s32 s10, $0x1;
	s10 =	sld [smem:$0x3FBA]  }
0x3d: {  	_ =	shalt  }
0x3e: {  	_ =	shalt  }
0x3f: {  	_ =	shalt  }
0x40: {  	_ =	shalt  }
0x41: {  	_ =	shalt  }
0x42: {  	_ =	shalt  }
0x43: {  	_ =	shalt  }
0x44: {  	_ =	shalt  }
0x45: {  	_ =	shalt  }
0x46: {  	_ =	shalt  }
0x47: {  	_ =	shalt  }
0x48: {  	_ =	shalt  }
0x49: {  	_ =	shalt  }
0x4a: {  	_ =	shalt  }
0x4b: {  	_ =	shalt  }
0x4c: {  	_ =	shalt  }
0x4d: {  	_ =	shalt  }
0x4e: {  	_ =	shalt  }
0x4f: {  	_ =	shalt  }
0x50: {  	_ =	shalt  }
0x51: {  	_ =	shalt  }
0x52: {  	_ =	shalt  }
0x53: {  	_ =	shalt  }
0x54: {  	_ =	shalt  }
0x55: {  	_ =	shalt  }
0x56: {  	_ =	shalt  }
0x57: {  	_ =	shalt  }
0x58: {  	_ =	shalt  }
0x59: {  	_ =	shalt  }
0x5a: {  	_ =	shalt  }
0x5b: {  	_ =	shalt  }
0x5c: {  	_ =	shalt  }
0x5d: {  	_ =	shalt  }
0x5e: {  	_ =	shalt  }
0x5f: {  	_ =	shalt  }
0x60: {  	_ =	shalt  }
0x61: {  	_ =	shalt  }
0x62: {  	_ =	shalt  }
0x63: {  	_ =	shalt  }
0x64: {  	_ =	shalt  }
0x65: {  	_ =	shalt  }
0x66: {  	_ =	shalt  }
0x67: {  	_ =	shalt  }
0x68: {  	_ =	shalt  }
0x69: {  	_ =	shalt  }
0x6a: {  	_ =	shalt  }
0x6b: {  	_ =	shalt  }
0x6c: {  	_ =	shalt  }
0x6d: {  	_ =	shalt  }
0x6e: {  	_ =	shalt  }
0x6f: {  	_ =	shalt  }
0x70: {  	_ =	shalt  }
0x71: {  	_ =	shalt  }
0x72: {  	_ =	shalt  }
0x73: {  	_ =	shalt  }
0x74: {  	_ =	shalt  }
0x75: {  	_ =	shalt  }
0x76: {  	_ =	shalt  }
0x77: {  	_ =	shalt  }
0x78: {  	_ =	shalt  }
0x79: {  	_ =	shalt  }
0x7a: {  	_ =	shalt  }
0x7b: {  	_ =	shalt  }
0x7c: {  	_ =	shalt  }
0x7d: {  	_ =	shalt  }
0x7e: {  	_ =	shalt  }
0x7f: {  	_ =	shalt  }
0x80: {  	_ =	shalt  }
0x81: {  	_ =	shalt  }
0x82: {  	_ =	shalt  }
0x83: {  	_ =	shalt  }
0x84: {  	_ =	shalt  }
0x85: {  	_ =	shalt  }
0x86: {  	_ =	shalt  }
0x87: {  	_ =	shalt  }
.Lfunc_end0:
.L_simem_size_0:
called_computation_lowered:
.L_overlay_start_0:
0x88: {  	s2 =	sld [smem:$0x3FD9]  }
0x89: {  	s3 =	sld [smem:$0x3FFE];
	_ =	sdelay $0x1  }
0x8a: {  	s1 =	srdreg.scid  }
0x8b: {  	s0 =	sand.u32 $0x1, s1  }
0x8c: {  	s17 =	sshll.u32 s0, $0xA;
	s2 =	sadd.s32 s3, s2  }
0x8d: {  	s2 =	sadd.s32 s2, s17  }
0x8e: {  	[smem:$0x3FC6] =	sst s2  }
0x8f: {  	_ = 	snop  }
0x90: {  	s2 =	sld [smem:$0x3FC8]  }
0x91: {  	s18 =	sld [smem:$0x3FD0];
	(tm) =	ssettm $0x1  }
0x92: {  	s4 =	sld [smem:$0x3FFB];
	_ =	sdelay $0x3  }
0x93: {  	_ =	strace s4  }
0x94: {  	s4 =	sld [smem:$0x3FFC];
	_ =	sdelay $0x3  }
0x95: {  	_ =	strace s4  }
0x96: {  	s4 =	sld [smem:$0x3FFD];
	_ =	sdelay $0x3  }
0x97: {  	_ =	strace s4  }
0x98: {  	_ =	strace $0x8FFFFFFF  }
0x99: {  	s19 =	sld [smem:$0x3FDB];
	_ =	sdelay $0x1  }
0x9a: {  	s5 =	simm.s32 $_scs_section_size  }
0x9b: {  	s6 =	simm.s32 $_size__tile_overlayer_lowered;
	s7 =	simm.s32 $_tile_overlayer_lowered  }
0x9c: {  	s22 =	simm.s32 $0x1BFF;
	s21 =	sshll.u32 s7, $0x1;
	s4 =	sadd.s32 s5, s19  }
0x9d: {  	s8 =	simm.s32 $0x0;
	s20 =	sshll.u32 s6, $0x1;
	s6 =	sadd.s32 s21, s4  }
0x9e: {  	[timem:s8], [sflag:s22] =	dma.local [hbm:s6], s20  }
0x9f: {  	_ =	swait.ge [sflag:s22], s20  }
0xa0: {  	s5 =	ssub.s32 $0x0, s20;
	[sflag:s22] =	ssyncset.done $0x0  }
0xa1: {  	[sflag:s22] =	ssyncadd.s32 s5;
	_ =	sdelay $0x1  }
0xa2: {  	s23 =	simm.s32 $0x1B8B  }
0xa3: {  	_ =	swait.ge [sflag:s23], $0x1  }
0xa4: {  	[sflag:s23] =	ssyncset.done $0x0  }
0xa5: {  	s25 =	simm.s32 $0x1B8E;
	s24 =	sld [smem:$0x3FFE];
	[sflag:s23] =	ssyncadd.s32 $0xFFFFFFFF  }
0xa6: {  	s26 =	simm.s32 $execute0_lowered;
	[smem:$0x3FD2] =	sst s25  }
0xa7: {  	s6 =	sshll.u32 s26, $0x1;
	_ =	strace $0x80000046;
	[dreg:$0x1] =	wrdreg $0xFFFFFFFF  }
0xa8: {  	s28 =	simm.s32 $_size_execute0_lowered;
	s4 =	sadd.s32 s4, s6;
	[dreg:$0x0] =	wrdreg $0x0  }
0xa9: {  	s6 =	sshll.u32 s28, $0x1;
	[dreg:$0x2] =	wrdreg s4  }
0xaa: {  	[dreg:$0x3] =	wrdreg s6  }
0xab: {  	[dreg:$0x4] =	wrdreg $0xC0  }
0xac: {  	_ =	task [dreg:s8], $0x5FFFF  }
0xad: {  	[dreg:$0x1] =	wrdreg $0xFFFFFFFF  }
0xae: {  	[dreg:$0x0] =	wrdreg $0x60  }
0xaf: {  	[dreg:$0x2] =	wrdreg s24  }
0xb0: {  	[dreg:$0x3] =	wrdreg s2  }
0xb1: {  	[dreg:$0x4] =	wrdreg s18  }
0xb2: {  	[dreg:$0x5] =	wrdreg $0x9  }
0xb3: {  	_ =	task.clear_ibuf [dreg:s8], $0x6FFFF;
	_ =	strace $0x90000046  }
0xb4: {  	s29 =	simm.s32 $0x9;
	_ =	strace $0x80000048  }
0xb5: {  	_ =	swait.ge [sflag:s29], $0x1  }
0xb6: {  	[sflag:s29] =	ssyncadd.s32 $0xFFFFFFFF  }
0xb7: {  	_ =	strace $0x90000048  }
0xb8: {  	_ =	sfence  }
0xb9: {  	s30 =	sld [smem:$0x0];
	_ =	sdelay $0x2  }
0xba: {  	s31 =	sshll.u32 s1, $0xD;
	s1 =	sshrl.u32 s1, $0x2  }
0xbb: {  	s3 =	sand.u32 $0x4000, s31;
	s1 =	sadd.s32 s1, s30  }
0xbc: {  	s0 =	sor.u32 s3, s0;
	s1 =	sshll.u32 s1, $0x11  }
0xbd: {  	s0 =	sor.u32 s1, s0  }
0xbe: {  	s0 =	sadd.s32 $0x8F2B, s0  }
0xbf: {  	[sflag:s0] =	ssyncadd.remote.s32 $0x1  }
0xc0: {  	_ =	sfence.sel $0xFFFF  }
0xc1: {  	[dreg:$0x0] =	wrdreg $0xFFFFFFFF;
	(pc) =	sbr.abs _section_cstart, $3  }
0xc2: {  	[dreg:$0x1] =	wrdreg $0xFFFFFFFF  }
0xc3: {  	_ =	task.clear_ibuf [dreg:s8], $0x2FFFF;
	_ =	strace $0x9FFFFFFF  }
0xc4: {  	(tm) =	ssettm $0x7FFFFFFF  }
0xc5: {  	_ =	shalt  }
tec
execute0_lowered:
.L_overlay_start_1:
0x0: {  	(tag) =	ssettag $0x1  }
0x1: {  	s5 =	rddreg [dreg:$0x0]  }
0x2: {  	s2 =	rddreg [dreg:$0x1];
	s1 =	srdreg.scid  }
0x3: {  	s0 =	stileid.u32;
	s3 =	rddreg [dreg:$0x2];
	s11 =	simm.s32 $0x3  }
0x4: {  	s12 =	simm.s32 $0x8D80;
	s13 =	simm.s32 $0x10D80;
	s14 =	simm.s32 $0x1  }
0x5: {  	s15 =	simm.s32 $0x2;
	s6 =	sand.u32 $0x1, s1;
	s4 =	sshll.u32 s0, $0x1  }
0x6: {  	s16 =	simm.s32 $0x0;
	s1 =	rddreg [dreg:$0x3];
	s7 =	sor.u32 s6, s4  }
0x7: {  	s4 =	simm.s32 $0x0;
	s6 =	ssub.s32 $0x2, s6;
	s8 =	smul.u32 $0xC80, s7  }
0x8: {  	v0 =	vlaneseq.u32;
	[smem:$0x7FF] =	sst s4;
	s9 =	sshrl.u32 s6, $0x1;
	s10 =	smul.u32 $0x64000, s7  }
0x9: {  	v1 =	vor.u32 $0x10, v0;
	_ =	strace $0x80000047;
	s9 =	ssub.s32 s6, s9;
	s8 =	sadd.s32 s8, s5  }
0xa: {  	v2 =	vor.u32 $0x20, v0;
	v3 =	vor.u32 $0x30, v0;
	v4 =	vor.u32 $0x40, v0;
	s5 =	smul.u32 $0x64, s7;
	s7 =	sadd.s32 s3, s10;
	s9 =	smax.u32 s9, $0x1  }
0xb: {  	v5 =	vor.u32 $0x50, v0;
	v6 =	vor.u32 $0x60, v0;
	v7 =	vor.u32 $0x70, v0;
	s10 =	simm.s32 $0x6400;
	s6 =	sadd.s32 $0x400, s8;
	s8 =	sadd.s32 $0x1000, s7  }
.LBB2_1:
0xc: {  	[tilespmem:s10], [sflag:$0x3] =	stream.linear.gather [hbm4b:s2+s4], $0x2980, $0x38;
	[tilespmem:$0x18D80] =	vst v63  }
0xd: {  	s17 =	simm.s32 $0x1  }
0xe: {  	s18 =	simm.s32 $0x6;
	s19 =	simm.s32 $0x7;
	_ =	swait.ge [sflag:s11], $0x2980;
	v8 =	vmov s17  }
0xf: {  	s23 =	simm.s32 $0x3;
	v10 =	vmov s18;
	v11 =	vmov s19;
	[sflag:s11] =	ssyncset.done $0x0;
	v8 =	vand.u32 $0xFFFFFFF9, v8  }
0x10: {  	s22 =	simm.s32 $0x2;
	v12 =	vmov s23;
	v10 =	vand.u32 $0xFFFFFFFE, v10;
	[sflag:s11] =	ssyncadd.s32 $0xFFFFD680;
	v8 =	vbroadcast v8, $0x0  }
0x11: {  	v15 =	vmov s4;
	v12 =	vand.u32 $0xFFFFFFFB, v12;
	v10 =	vbroadcast v10, $0x0;
	[tilespmem:s4], [sflag:$0x3] =	stream.linear.gather [hbm4b:s6+s4], $0x6400, $0x38;
	[tilespmem:$0x18D80] =	vst v63  }
0x12: {  	s25 =	simm.s32 $0x5;
	v9 =	vmov s22;
	v15 =	vand.u32 $0xFFFFFFF8, v15;
	v12 =	vbroadcast v12, $0x0;
	_ =	swait.ge [sflag:s11], $0x6400  }
0x13: {  	s24 =	simm.s32 $0x4;
	v14 =	vmov s25;
	v9 =	vand.u32 $0xFFFFFFFA, v9;
	v15 =	vbroadcast v15, $0x0;
	[sflag:s11] =	ssyncset.done $0x0  }
0x14: {  	v13 =	vmov s24;
	v14 =	vand.u32 $0xFFFFFFFD, v14;
	v9 =	vbroadcast v9, $0x0;
	[sflag:s11] =	ssyncadd.s32 $0xFFFF9C00  }
0x15: {  	s26 =	simm.s32 $0x9;
	v13 =	vand.u32 $0xFFFFFFFC, v13;
	v14 =	vbroadcast v14, $0x0;
	v11 =	vld.idx.msk [tilespmem:v11+s4+$0x0], $0xffff  }
0x16: {  	s28 =	simm.s32 $0xA;
	s29 =	simm.s32 $0xF;
	v13 =	vbroadcast v13, $0x0;
	v16 =	vld.idx.msk [tilespmem:v8+s4+$0x0], $0xffff;
	v8 =	vmov s26  }
0x17: {  	s30 =	simm.s32 $0xB;
	v17 =	vmov s28;
	v18 =	vmov s29;
	v10 =	vld.idx.msk [tilespmem:v10+s4+$0x0], $0xffff;
	v8 =	vand.u32 $0xFFFFFFF9, v8  }
0x18: {  	v21 =	vld.idx.msk [tilespmem:v12+s4+$0x0], $0xffff;
	v20 =	vbroadcast v8, $0x0;
	v8 =	vand.u32 $0xFFFFFFFA, v17;
	v17 =	vmov s30  }
0x19: {  	v24 =	vld.idx.msk [tilespmem:v15+s4+$0x0], $0xffff;
	v22 =	vbroadcast v8, $0x0;
	v8 =	vand.u32 $0xFFFFFFFB, v17  }
0x1a: {  	v9 =	vld.idx.msk [tilespmem:v9+s4+$0x0], $0xffff;
	v23 =	vbroadcast v8, $0x0  }
0x1b: {  	v14 =	vld.idx.msk [tilespmem:v14+s4+$0x0], $0xffff;
	v12 =	vshll.u32 v11, $0x7  }
0x1c: {  	v13 =	vld.idx.msk [tilespmem:v13+s4+$0x0], $0xffff;
	v19 =	vshll.u32 v10, $0x7;
	v25 =	vor.u32 v0, v12  }
0x1d: {  	v8 =	vld.idx.msk [tilespmem:v18+s4+$0x0], $0xffff;
	v17 =	vshll.u32 v16, $0x7;
	v16 =	vshll.u32 v21, $0x7;
	v26 =	vor.u32 v0, v19  }
0x1e: {  	v21 =	vor.u32 v0, v16;
	v11 =	vld.idx.msk [tilespmem:v20+s4+$0x0], $0xffff  }
0x1f: {  	v18 =	vshll.u32 v9, $0x7;
	v20 =	vor.u32 v0, v17;
	v10 =	vld.idx.msk [tilespmem:v22+s4+$0x0], $0xffff  }
0x20: {  	v14 =	vshll.u32 v14, $0x7;
	v22 =	vor.u32 v0, v18;
	v9 =	vld.idx.msk [tilespmem:v23+s4+$0x0], $0xffff  }
0x21: {  	v15 =	vshll.u32 v13, $0x7;
	v13 =	vshll.u32 v24, $0x7;
	v24 =	vor.u32 v0, v14;
	v25 =	vld.idx.msk [tilespmem:v25+s10+$0x0], $0xffff  }
0x22: {  	v23 =	vor.u32 v0, v15;
	v26 =	vld.idx.msk [tilespmem:v26+s10+$0x0], $0xffff  }
0x23: {  	v27 =	vor.u32 v0, v13;
	v21 =	vld.idx.msk [tilespmem:v21+s10+$0x0], $0xffff  }
0x24: {  	v28 =	vor.u32 v1, v19;
	v20 =	vld.idx.msk [tilespmem:v20+s10+$0x0], $0xffff  }
0x25: {  	v29 =	vor.u32 v1, v17;
	v22 =	vld.idx.msk [tilespmem:v22+s10+$0x0], $0xffff  }
0x26: {  	v30 =	vor.u32 v1, v18;
	v24 =	vld.idx.msk [tilespmem:v24+s10+$0x0], $0xffff  }
0x27: {  	s17 =	simm.s32 $0x8F80;
	v31 =	vor.u32 v1, v16;
	v23 =	vld.idx.msk [tilespmem:v23+s10+$0x0], $0xffff  }
0x28: {  	v32 =	vor.u32 v1, v15;
	v27 =	vld.idx.msk [tilespmem:v27+s10+$0x0], $0xffff;
	[tilespmem:s17+$0x100] =	vst v26  }
0x29: {  	v26 =	vld.idx.msk [tilespmem:v28+s10+$0x0], $0xffff;
	v28 =	vor.u32 v1, v13;
	[tilespmem:s17+$0xFFFFFE80] =	vst v20  }
0x2a: {  	v20 =	vor.u32 v1, v14;
	v29 =	vld.idx.msk [tilespmem:v29+s10+$0x0], $0xffff;
	[tilespmem:s17+$0xFFFFFF00] =	vst v22  }
0x2b: {  	[tilespmem:s17+$0xFFFFFF80] =	vst v21;
	v21 =	vor.u32 v2, v19;
	v22 =	vld.idx.msk [tilespmem:v30+s10+$0x0], $0xffff  }
0x2c: {  	v30 =	vld.idx.msk [tilespmem:v31+s10+$0x0], $0xffff;
	[tilespmem:s17+$0x0] =	vst v23;
	v23 =	vor.u32 v1, v12  }
0x2d: {  	[tilespmem:s17+$0xFFFFFE00] =	vst v27;
	v31 =	vor.u32 v2, v17;
	v32 =	vld.idx.msk [tilespmem:v32+s10+$0x0], $0xffff  }
0x2e: {  	[tilespmem:s17+$0x80] =	vst v24;
	v24 =	vor.u32 v2, v18;
	v27 =	vld.idx.msk [tilespmem:v28+s10+$0x0], $0xffff  }
0x2f: {  	v28 =	vor.u32 v2, v16;
	[tilespmem:s17+$0x110] =	vst v26;
	v20 =	vld.idx.msk [tilespmem:v20+s10+$0x0], $0xffff  }
0x30: {  	[tilespmem:s17+$0x180] =	vst v25;
	v26 =	vor.u32 v2, v15;
	v21 =	vld.idx.msk [tilespmem:v21+s10+$0x0], $0xffff  }
0x31: {  	v25 =	vor.u32 v2, v14;
	[tilespmem:s17+$0xFFFFFE90] =	vst v29;
	v23 =	vld.idx.msk [tilespmem:v23+s10+$0x0], $0xffff  }
0x32: {  	v29 =	vld.idx.msk [tilespmem:v31+s10+$0x0], $0xffff;
	[tilespmem:s17+$0xFFFFFF10] =	vst v22;
	v22 =	vor.u32 v3, v19  }
0x33: {  	v31 =	vor.u32 v2, v13;
	[tilespmem:s17+$0xFFFFFF90] =	vst v30;
	v24 =	vld.idx.msk [tilespmem:v24+s10+$0x0], $0xffff  }
0x34: {  	v30 =	vor.u32 v2, v12;
	[tilespmem:s17+$0x10] =	vst v32;
	v28 =	vld.idx.msk [tilespmem:v28+s10+$0x0], $0xffff  }
0x35: {  	v60 =	vor.u32 v3, v17;
	v26 =	vld.idx.msk [tilespmem:v26+s10+$0x0], $0xffff;
	[tilespmem:s17+$0x90] =	vst v20  }
0x36: {  	v20 =	vor.u32 v3, v18;
	[tilespmem:s17+$0x120] =	vst v21;
	v25 =	vld.idx.msk [tilespmem:v25+s10+$0x0], $0xffff  }
0x37: {  	[tilespmem:s17+$0xFFFFFE10] =	vst v27;
	v21 =	vor.u32 v3, v16;
	v22 =	vld.idx.msk [tilespmem:v22+s10+$0x0], $0xffff  }
0x38: {  	v27 =	vld.idx.msk [tilespmem:v31+s10+$0x0], $0xffff;
	v31 =	vor.u32 v3, v15;
	[tilespmem:s17+$0x190] =	vst v23  }
0x39: {  	[tilespmem:s17+$0xFFFFFEA0] =	vst v29;
	v23 =	vor.u32 v4, v19;
	v29 =	vld.idx.msk [tilespmem:v30+s10+$0x0], $0xffff  }
0x3a: {  	v30 =	vld.idx.msk [tilespmem:v60+s10+$0x0], $0xffff;
	[tilespmem:s17+$0xFFFFFF20] =	vst v24;
	v24 =	vor.u32 v3, v14  }
0x3b: {  	v61 =	vor.u32 v3, v13;
	[tilespmem:s17+$0xFFFFFFA0] =	vst v28;
	v20 =	vld.idx.msk [tilespmem:v20+s10+$0x0], $0xffff  }
0x3c: {  	[tilespmem:s17+$0x20] =	vst v26;
	v26 =	vor.u32 v3, v12;
	v21 =	vld.idx.msk [tilespmem:v21+s10+$0x0], $0xffff  }
0x3d: {  	v28 =	vor.u32 v4, v17;
	v31 =	vld.idx.msk [tilespmem:v31+s10+$0x0], $0xffff;
	[tilespmem:s17+$0x130] =	vst v22  }
0x3e: {  	[tilespmem:s17+$0xA0] =	vst v25;
	v25 =	vor.u32 v4, v16;
	v23 =	vld.idx.msk [tilespmem:v23+s10+$0x0], $0xffff  }
0x3f: {  	v22 =	vor.u32 v4, v18;
	[tilespmem:s17+$0xFFFFFE20] =	vst v27;
	v24 =	vld.idx.msk [tilespmem:v24+s10+$0x0], $0xffff  }
0x40: {  	v27 =	vld.idx.msk [tilespmem:v61+s10+$0x0], $0xffff;
	[tilespmem:s17+$0x1A0] =	vst v29;
	v29 =	vor.u32 v4, v15  }
0x41: {  	v62 =	vor.u32 v5, v19;
	[tilespmem:s17+$0xFFFFFEB0] =	vst v30;
	v26 =	vld.idx.msk [tilespmem:v26+s10+$0x0], $0xffff  }
0x42: {  	v30 =	vor.u32 v4, v13;
	v28 =	vld.idx.msk [tilespmem:v28+s10+$0x0], $0xffff;
	[tilespmem:s17+$0xFFFFFFB0] =	vst v21  }
0x43: {  	[tilespmem:s17+$0xFFFFFF30] =	vst v20;
	v20 =	vor.u32 v4, v14;
	v21 =	vld.idx.msk [tilespmem:v25+s10+$0x0], $0xffff  }
0x44: {  	v25 =	vor.u32 v5, v17;
	v22 =	vld.idx.msk [tilespmem:v22+s10+$0x0], $0xffff;
	[tilespmem:s17+$0x30] =	vst v31  }
0x45: {  	[tilespmem:s17+$0x140] =	vst v23;
	v23 =	vor.u32 v4, v12;
	v29 =	vld.idx.msk [tilespmem:v29+s10+$0x0], $0xffff  }
0x46: {  	v63 =	vor.u32 v5, v18;
	[tilespmem:s17+$0xFFFFFE30] =	vst v27;
	v31 =	vld.idx.msk [tilespmem:v62+s10+$0x0], $0xffff  }
0x47: {  	[tilespmem:s17+$0xB0] =	vst v24;
	v27 =	vld.idx.msk [tilespmem:v30+s10+$0x0], $0xffff;
	v30 =	vor.u32 v5, v16  }
0x48: {  	v24 =	vor.u32 v6, v19;
	[tilespmem:s17+$0xFFFFFEC0] =	vst v28;
	v20 =	vld.idx.msk [tilespmem:v20+s10+$0x0], $0xffff  }
0x49: {  	[tilespmem:s17+$0x1B0] =	vst v26;
	v26 =	vor.u32 v5, v15;
	v33 =	vld.idx.msk [tilespmem:v25+s10+$0x0], $0xffff  }
0x4a: {  	[tilespmem:s17+$0xFFFFFF40] =	vst v22;
	v22 =	vor.u32 v5, v14;
	v28 =	vld.idx.msk [tilespmem:v23+s10+$0x0], $0xffff  }
0x4b: {  	[tilespmem:s17+$0xFFFFFFC0] =	vst v21;
	v23 =	vor.u32 v5, v13;
	v32 =	vld.idx.msk [tilespmem:v63+s10+$0x0], $0xffff  }
0x4c: {  	[tilespmem:s17+$0x150] =	vst v31;
	v31 =	vor.u32 v6, v17;
	v34 =	vld.idx.msk [tilespmem:v30+s10+$0x0], $0xffff  }
0x4d: {  	[tilespmem:s17+$0x40] =	vst v29;
	v21 =	vld.idx.msk [tilespmem:v24+s10+$0x0], $0xffff;
	v24 =	vor.u32 v5, v12  }
0x4e: {  	v35 =	vld.idx.msk [tilespmem:v26+s10+$0x0], $0xffff;
	[tilespmem:s17+$0xC0] =	vst v20;
	v20 =	vor.u32 v7, v19  }
0x4f: {  	[tilespmem:s17+$0xFFFFFE40] =	vst v27;
	v26 =	vor.u32 v6, v18;
	v25 =	vld.idx.msk [tilespmem:v22+s10+$0x0], $0xffff  }
0x50: {  	v36 =	vor.u32 v6, v16;
	[tilespmem:s17+$0xFFFFFED0] =	vst v33;
	v23 =	vld.idx.msk [tilespmem:v23+s10+$0x0], $0xffff  }
0x51: {  	s31 =	simm.s32 $0xC;
	v30 =	vor.u32 v6, v15;
	[tilespmem:s17+$0x1C0] =	vst v28;
	v19 =	vld.idx.msk [tilespmem:v31+s10+$0x0], $0xffff  }
0x52: {  	v27 =	vor.u32 v6, v14;
	v22 =	vld.idx.msk [tilespmem:v24+s10+$0x0], $0xffff;
	[tilespmem:s17+$0x160] =	vst v21;
	v21 =	vmov s31  }
0x53: {  	v29 =	vor.u32 v6, v13;
	[tilespmem:s17+$0xFFFFFF50] =	vst v32;
	v20 =	vld.idx.msk [tilespmem:v20+s10+$0x0], $0xffff;
	v24 =	vand.u32 $0xFFFFFFFC, v21  }
0x54: {  	v28 =	vor.u32 v6, v12;
	[tilespmem:s17+$0xFFFFFFD0] =	vst v34;
	v21 =	vld.idx.msk [tilespmem:v26+s10+$0x0], $0xffff;
	v26 =	vbroadcast v24, $0x0  }
0x55: {  	s20 =	simm.s32 $0xE;
	s18 =	simm.s32 $0x8;
	s19 =	simm.s32 $0x10;
	[tilespmem:s17+$0x50] =	vst v35;
	v24 =	vld.idx.msk [tilespmem:v36+s10+$0x0], $0xffff  }
.LBB2_2:
0x56: {  	p0 =	slt.u32 s19, $0xF8;
	v31 =	vmov s20;
	v17 =	vor.u32 v7, v17;
	v30 =	vld.idx.msk [tilespmem:v30+s10+$0x0], $0xffff;
	[tilespmem:s17+$0xD0] =	vst v25  }
0x57: {  	v18 =	vor.u32 v7, v18;
	v25 =	vand.u32 $0xFFFFFFFE, v31;
	[tilespmem:s17+$0xFFFFFE50] =	vst v23;
	v23 =	vld.idx.msk [tilespmem:v27+s10+$0x0], $0xffff  }
0x58: {  	v16 =	vor.u32 v7, v16;
	v25 =	vbroadcast v25, $0x0;
	v27 =	vld.idx.msk [tilespmem:v29+s10+$0x0], $0xffff;
	[tilespmem:s17+$0x1D0] =	vst v22  }
0x59: {  	[tilespmem:s17+$0x170] =	vst v20;
	v20 =	vld.idx.msk [tilespmem:v28+s10+$0x0], $0xffff  }
0x5a: {  	s20 =	sadd.s32 $0x5, s18;
	v15 =	vor.u32 v7, v15;
	v22 =	vld.idx.msk [tilespmem:v26+s4+$0x0], $0xffff;
	[tilespmem:s17+$0xFFFFFEE0] =	vst v19  }
0x5b: {  	v14 =	vor.u32 v7, v14;
	v19 =	vmov s20;
	v17 =	vld.idx.msk [tilespmem:v17+s10+$0x0], $0xffff;
	[tilespmem:s17+$0xFFFFFF60] =	vst v21  }
0x5c: {  	v13 =	vor.u32 v7, v13;
	v21 =	vmov s18;
	v19 =	vand.u32 $0xFFFFFFFD, v19;
	s18 =	smov.u32 s19;
	v18 =	vld.idx.msk [tilespmem:v18+s10+$0x0], $0xffff;
	[tilespmem:s17+$0xFFFFFFE0] =	vst v24  }
0x5d: {  	v12 =	vor.u32 v7, v12;
	s20 =	sadd.s32 $0x1, s19;
	v21 =	vand.u32 $0xFFFFFFF8, v21;
	v19 =	vbroadcast v19, $0x0;
	v16 =	vld.idx.msk [tilespmem:v16+s10+$0x0], $0xffff;
	[tilespmem:s17+$0x60] =	vst v30  }
0x5e: {  	s21 =	sadd.s32 $0x7, s19;
	v24 =	vmov s20;
	s20 =	sadd.s32 $0x2, s19;
	v21 =	vbroadcast v21, $0x0;
	v25 =	vld.idx.msk [tilespmem:v25+s4+$0x0], $0xffff;
	[tilespmem:s17+$0xE0] =	vst v23  }
0x5f: {  	v26 =	vmov s21;
	v23 =	vand.u32 $0xFFFFFFF9, v24;
	v24 =	vmov s20;
	s20 =	sadd.s32 $0x3, s19;
	[tilespmem:s17+$0xFFFFFE60] =	vst v27;
	v15 =	vld.idx.msk [tilespmem:v15+s10+$0x0], $0xffff  }
0x60: {  	v23 =	vbroadcast v23, $0x0;
	v24 =	vand.u32 $0xFFFFFFFA, v24;
	v27 =	vmov s20;
	v14 =	vld.idx.msk [tilespmem:v14+s10+$0x0], $0xffff;
	[tilespmem:s17+$0x1E0] =	vst v20  }
0x61: {  	v20 =	vbroadcast v24, $0x0;
	v24 =	vand.u32 $0xFFFFFFFB, v27;
	v13 =	vld.idx.msk [tilespmem:v13+s10+$0x0], $0xffff;
	[tilespmem:s17+$0xFFFFFEF0] =	vst v17  }
0x62: {  	v24 =	vbroadcast v24, $0x0;
	[tilespmem:s17+$0xFFFFFF70] =	vst v18;
	v27 =	vld.idx.msk [tilespmem:v12+s10+$0x0], $0xffff  }
0x63: {  	v12 =	vshll.u32 v8, $0x7;
	v28 =	vld.idx.msk [tilespmem:v19+s4+$0x0], $0xffff;
	[tilespmem:s17+$0xFFFFFFF0] =	vst v16  }
0x64: {  	v19 =	vshll.u32 v25, $0x7;
	v25 =	vor.u32 v0, v12;
	v21 =	vld.idx.msk [tilespmem:v21+s4+$0x0], $0xffff  }
0x65: {  	v17 =	vshll.u32 v11, $0x7;
	v8 =	vld.idx.msk [tilespmem:v26+s4+$0x0], $0xffff;
	v26 =	vor.u32 v0, v19;
	[tilespmem:s17+$0x70] =	vst v15  }
0x66: {  	v18 =	vshll.u32 v10, $0x7;
	v11 =	vld.idx.msk [tilespmem:v23+s4+$0x0], $0xffff;
	v23 =	vor.u32 v0, v17;
	[tilespmem:s17+$0xF0] =	vst v14  }
0x67: {  	v16 =	vshll.u32 v9, $0x7;
	v10 =	vld.idx.msk [tilespmem:v20+s4+$0x0], $0xffff;
	v20 =	vor.u32 v0, v18;
	[tilespmem:s17+$0xFFFFFE70] =	vst v13  }
0x68: {  	v15 =	vshll.u32 v22, $0x7;
	v9 =	vld.idx.msk [tilespmem:v24+s4+$0x0], $0xffff;
	v24 =	vor.u32 v0, v16;
	[tilespmem:s17+$0x1F0] =	vst v27  }
0x69: {  	v22 =	vor.u32 v0, v15;
	v14 =	vshll.u32 v28, $0x7;
	v25 =	vld.idx.msk [tilespmem:v25+s10+$0x0], $0xffff  }
0x6a: {  	v13 =	vshll.u32 v21, $0x7;
	v21 =	vor.u32 v0, v14;
	v26 =	vld.idx.msk [tilespmem:v26+s10+$0x0], $0xffff  }
0x6b: {  	v27 =	vor.u32 v0, v13;
	v23 =	vld.idx.msk [tilespmem:v23+s10+$0x0], $0xffff  }
0x6c: {  	v28 =	vor.u32 v1, v19;
	v20 =	vld.idx.msk [tilespmem:v20+s10+$0x0], $0xffff  }
0x6d: {  	v29 =	vor.u32 v1, v17;
	v24 =	vld.idx.msk [tilespmem:v24+s10+$0x0], $0xffff  }
0x6e: {  	v30 =	vor.u32 v1, v18;
	v22 =	vld.idx.msk [tilespmem:v22+s10+$0x0], $0xffff  }
0x6f: {  	v31 =	vor.u32 v1, v16;
	s17 =	sadd.s32 $0x400, s17;
	v21 =	vld.idx.msk [tilespmem:v21+s10+$0x0], $0xffff  }
0x70: {  	v32 =	vor.u32 v1, v15;
	v27 =	vld.idx.msk [tilespmem:v27+s10+$0x0], $0xffff;
	[tilespmem:s17+$0x100] =	vst v26  }
0x71: {  	[tilespmem:s17+$0xFFFFFE80] =	vst v23;
	v23 =	vor.u32 v1, v14;
	v26 =	vld.idx.msk [tilespmem:v28+s10+$0x0], $0xffff  }
0x72: {  	v28 =	vor.u32 v1, v13;
	v29 =	vld.idx.msk [tilespmem:v29+s10+$0x0], $0xffff;
	[tilespmem:s17+$0xFFFFFF00] =	vst v20  }
0x73: {  	v20 =	vld.idx.msk [tilespmem:v30+s10+$0x0], $0xffff;
	[tilespmem:s17+$0xFFFFFF80] =	vst v24;
	v24 =	vor.u32 v2, v19  }
0x74: {  	v30 =	vld.idx.msk [tilespmem:v31+s10+$0x0], $0xffff;
	[tilespmem:s17+$0x0] =	vst v22;
	v22 =	vor.u32 v1, v12  }
0x75: {  	v31 =	vor.u32 v2, v17;
	v32 =	vld.idx.msk [tilespmem:v32+s10+$0x0], $0xffff;
	[tilespmem:s17+$0x80] =	vst v21  }
0x76: {  	v21 =	vor.u32 v2, v18;
	[tilespmem:s17+$0xFFFFFE00] =	vst v27;
	v23 =	vld.idx.msk [tilespmem:v23+s10+$0x0], $0xffff  }
0x77: {  	v27 =	vld.idx.msk [tilespmem:v28+s10+$0x0], $0xffff;
	v28 =	vor.u32 v2, v16;
	[tilespmem:s17+$0x110] =	vst v26  }
0x78: {  	v26 =	vor.u32 v2, v15;
	v24 =	vld.idx.msk [tilespmem:v24+s10+$0x0], $0xffff;
	[tilespmem:s17+$0x180] =	vst v25  }
0x79: {  	v25 =	vor.u32 v2, v14;
	[tilespmem:s17+$0xFFFFFE90] =	vst v29;
	v22 =	vld.idx.msk [tilespmem:v22+s10+$0x0], $0xffff  }
0x7a: {  	v29 =	vld.idx.msk [tilespmem:v31+s10+$0x0], $0xffff;
	[tilespmem:s17+$0xFFFFFF10] =	vst v20;
	v20 =	vor.u32 v3, v19  }
0x7b: {  	v31 =	vor.u32 v2, v13;
	v21 =	vld.idx.msk [tilespmem:v21+s10+$0x0], $0xffff;
	[tilespmem:s17+$0xFFFFFF90] =	vst v30  }
0x7c: {  	v30 =	vor.u32 v2, v12;
	v28 =	vld.idx.msk [tilespmem:v28+s10+$0x0], $0xffff;
	[tilespmem:s17+$0x10] =	vst v32  }
0x7d: {  	v32 =	vor.u32 v3, v17;
	v26 =	vld.idx.msk [tilespmem:v26+s10+$0x0], $0xffff;
	[tilespmem:s17+$0x90] =	vst v23  }
0x7e: {  	v23 =	vor.u32 v3, v18;
	v25 =	vld.idx.msk [tilespmem:v25+s10+$0x0], $0xffff;
	[tilespmem:s17+$0x120] =	vst v24  }
0x7f: {  	v24 =	vor.u32 v3, v16;
	[tilespmem:s17+$0xFFFFFE10] =	vst v27;
	v20 =	vld.idx.msk [tilespmem:v20+s10+$0x0], $0xffff  }
0x80: {  	v27 =	vld.idx.msk [tilespmem:v31+s10+$0x0], $0xffff;
	v31 =	vor.u32 v3, v15;
	[tilespmem:s17+$0x190] =	vst v22  }
0x81: {  	v22 =	vor.u32 v4, v19;
	[tilespmem:s17+$0xFFFFFEA0] =	vst v29;
	v29 =	vld.idx.msk [tilespmem:v30+s10+$0x0], $0xffff  }
0x82: {  	v30 =	vld.idx.msk [tilespmem:v32+s10+$0x0], $0xffff;
	[tilespmem:s17+$0xFFFFFF20] =	vst v21;
	v21 =	vor.u32 v3, v14  }
0x83: {  	v32 =	vor.u32 v3, v13;
	v23 =	vld.idx.msk [tilespmem:v23+s10+$0x0], $0xffff;
	[tilespmem:s17+$0xFFFFFFA0] =	vst v28  }
0x84: {  	v24 =	vld.idx.msk [tilespmem:v24+s10+$0x0], $0xffff;
	[tilespmem:s17+$0x20] =	vst v26;
	v26 =	vor.u32 v3, v12  }
0x85: {  	v28 =	vor.u32 v4, v17;
	v31 =	vld.idx.msk [tilespmem:v31+s10+$0x0], $0xffff;
	[tilespmem:s17+$0x130] =	vst v20  }
0x86: {  	v20 =	vor.u32 v4, v18;
	[tilespmem:s17+$0xA0] =	vst v25;
	v22 =	vld.idx.msk [tilespmem:v22+s10+$0x0], $0xffff  }
0x87: {  	v25 =	vor.u32 v4, v16;
	[tilespmem:s17+$0xFFFFFE20] =	vst v27;
	v21 =	vld.idx.msk [tilespmem:v21+s10+$0x0], $0xffff  }
0x88: {  	v27 =	vld.idx.msk [tilespmem:v32+s10+$0x0], $0xffff;
	v32 =	vor.u32 v5, v19;
	[tilespmem:s17+$0x1A0] =	vst v29  }
0x89: {  	v29 =	vor.u32 v4, v15;
	[tilespmem:s17+$0xFFFFFEB0] =	vst v30;
	v26 =	vld.idx.msk [tilespmem:v26+s10+$0x0], $0xffff  }
0x8a: {  	v28 =	vld.idx.msk [tilespmem:v28+s10+$0x0], $0xffff;
	[tilespmem:s17+$0xFFFFFF30] =	vst v23;
	v23 =	vor.u32 v4, v14  }
0x8b: {  	v30 =	vor.u32 v4, v13;
	v20 =	vld.idx.msk [tilespmem:v20+s10+$0x0], $0xffff;
	[tilespmem:s17+$0xFFFFFFB0] =	vst v24  }
0x8c: {  	v24 =	vld.idx.msk [tilespmem:v25+s10+$0x0], $0xffff;
	[tilespmem:s17+$0x140] =	vst v22;
	v22 =	vor.u32 v4, v12  }
0x8d: {  	v25 =	vor.u32 v5, v17;
	[tilespmem:s17+$0x30] =	vst v31;
	v31 =	vld.idx.msk [tilespmem:v32+s10+$0x0], $0xffff  }
0x8e: {  	v32 =	vor.u32 v5, v18;
	v29 =	vld.idx.msk [tilespmem:v29+s10+$0x0], $0xffff;
	[tilespmem:s17+$0xB0] =	vst v21  }
0x8f: {  	[tilespmem:s17+$0xFFFFFE30] =	vst v27;
	v21 =	vld.idx.msk [tilespmem:v23+s10+$0x0], $0xffff;
	v23 =	vor.u32 v6, v19  }
0x90: {  	v27 =	vld.idx.msk [tilespmem:v30+s10+$0x0], $0xffff;
	v30 =	vor.u32 v5, v16;
	[tilespmem:s17+$0x1B0] =	vst v26  }
0x91: {  	v26 =	vor.u32 v5, v15;
	[tilespmem:s17+$0xFFFFFEC0] =	vst v28;
	v22 =	vld.idx.msk [tilespmem:v22+s10+$0x0], $0xffff  }
0x92: {  	v28 =	vld.idx.msk [tilespmem:v25+s10+$0x0], $0xffff;
	[tilespmem:s17+$0xFFFFFF40] =	vst v20;
	v20 =	vor.u32 v5, v14  }
0x93: {  	v33 =	vor.u32 v5, v13;
	v32 =	vld.idx.msk [tilespmem:v32+s10+$0x0], $0xffff;
	[tilespmem:s17+$0x150] =	vst v31  }
0x94: {  	v31 =	vor.u32 v5, v12;
	[tilespmem:s17+$0xFFFFFFC0] =	vst v24;
	v24 =	vld.idx.msk [tilespmem:v23+s10+$0x0], $0xffff  }
0x95: {  	v34 =	vor.u32 v6, v17;
	v35 =	vld.idx.msk [tilespmem:v30+s10+$0x0], $0xffff;
	[tilespmem:s17+$0x40] =	vst v29  }
0x96: {  	v36 =	vld.idx.msk [tilespmem:v26+s10+$0x0], $0xffff;
	[tilespmem:s17+$0xC0] =	vst v21;
	v21 =	vor.u32 v7, v19  }
0x97: {  	v37 =	vor.u32 v6, v18;
	[tilespmem:s17+$0xFFFFFE40] =	vst v27;
	v25 =	vld.idx.msk [tilespmem:v20+s10+$0x0], $0xffff  }
0x98: {  	v23 =	vld.idx.msk [tilespmem:v33+s10+$0x0], $0xffff;
	v33 =	vor.u32 v6, v16;
	[tilespmem:s17+$0x1C0] =	vst v22  }
.Ltmp0:
0x99: {  	s20 =	sadd.s32 $0x4, s19;
	v30 =	vor.u32 v6, v15;
	[tilespmem:s17+$0xFFFFFED0] =	vst v28;
	v22 =	vld.idx.msk [tilespmem:v31+s10+$0x0], $0xffff;
	(pc) =	sbr.rel @p0 .LBB2_2-.Ltmp0, $4  }
0x9a: {  	v20 =	vmov s20;
	v27 =	vor.u32 v6, v14;
	v19 =	vld.idx.msk [tilespmem:v34+s10+$0x0], $0xffff;
	[tilespmem:s17+$0x160] =	vst v24  }
0x9b: {  	v29 =	vor.u32 v6, v13;
	v24 =	vand.u32 $0xFFFFFFFC, v20;
	[tilespmem:s17+$0xFFFFFF50] =	vst v32;
	v20 =	vld.idx.msk [tilespmem:v21+s10+$0x0], $0xffff  }
0x9c: {  	v28 =	vor.u32 v6, v12;
	v26 =	vbroadcast v24, $0x0;
	v21 =	vld.idx.msk [tilespmem:v37+s10+$0x0], $0xffff;
	[tilespmem:s17+$0xFFFFFFD0] =	vst v35  }
0x9d: {  	s19 =	sadd.s32 $0x8, s19;
	s20 =	sadd.s32 $0x6, s18;
	v24 =	vld.idx.msk [tilespmem:v33+s10+$0x0], $0xffff;
	[tilespmem:s17+$0x50] =	vst v36  }
0x9e: {  	_ =	sdelay $0x3  }
0x9f: {  	v31 =	vmov s20;
	v30 =	vld.idx.msk [tilespmem:v30+s10+$0x0], $0xffff;
	[tilespmem:s17+$0xD0] =	vst v25;
	v17 =	vor.u32 v7, v17  }
0xa0: {  	v18 =	vor.u32 v7, v18;
	[tilespmem:s17+$0x1D0] =	vst v22;
	v22 =	vmov s18;
	v26 =	vld.idx.msk [tilespmem:v26+s4+$0x0], $0xffff;
	v31 =	vand.u32 $0xFFFFFFFE, v31  }
0xa1: {  	s19 =	sadd.s32 $0x5, s18;
	[tilespmem:s17+$0xFFFFFE50] =	vst v23;
	v16 =	vor.u32 v7, v16;
	v23 =	vld.idx.msk [tilespmem:v27+s10+$0x0], $0xffff;
	v22 =	vand.u32 $0xFFFFFFF8, v22;
	v31 =	vbroadcast v31, $0x0  }
0xa2: {  	v25 =	vmov s19;
	v27 =	vld.idx.msk [tilespmem:v29+s10+$0x0], $0xffff;
	v22 =	vbroadcast v22, $0x0  }
0xa3: {  	v28 =	vld.idx.msk [tilespmem:v28+s10+$0x0], $0xffff;
	[tilespmem:s17+$0xFFFFFEE0] =	vst v19;
	v25 =	vand.u32 $0xFFFFFFFD, v25  }
0xa4: {  	v19 =	vor.u32 v7, v15;
	v25 =	vbroadcast v25, $0x0;
	[tilespmem:s17+$0xFFFFFF60] =	vst v21;
	v17 =	vld.idx.msk [tilespmem:v17+s10+$0x0], $0xffff  }
0xa5: {  	[tilespmem:s17+$0xFFFFFFE0] =	vst v24;
	v18 =	vld.idx.msk [tilespmem:v18+s10+$0x0], $0xffff  }
0xa6: {  	v14 =	vor.u32 v7, v14;
	v16 =	vld.idx.msk [tilespmem:v16+s10+$0x0], $0xffff  }
0xa7: {  	v11 =	vshll.u32 v11, $0x7;
	[tilespmem:s17+$0x170] =	vst v20;
	v20 =	vor.u32 v7, v12;
	v35 =	vld.idx.msk [tilespmem:v31+s4+$0x0], $0xffff  }
0xa8: {  	v24 =	vor.u32 v0, v11;
	[tilespmem:s17+$0x60] =	vst v30;
	v22 =	vld.idx.msk [tilespmem:v22+s4+$0x0], $0xffff  }
0xa9: {  	[tilespmem:s17+$0xE0] =	vst v23;
	v19 =	vld.idx.msk [tilespmem:v19+s10+$0x0], $0xffff  }
0xaa: {  	v13 =	vor.u32 v7, v13;
	v9 =	vshll.u32 v9, $0x7;
	[tilespmem:s17+$0x1E0] =	vst v28;
	v21 =	vld.idx.msk [tilespmem:v25+s4+$0x0], $0xffff  }
0xab: {  	v12 =	vshll.u32 v26, $0x7;
	v25 =	vld.idx.msk [tilespmem:v14+s10+$0x0], $0xffff;
	[tilespmem:s17+$0xFFFFFEF0] =	vst v17;
	v17 =	vor.u32 v0, v9  }
0xac: {  	[tilespmem:s17+$0xFFFFFF70] =	vst v18;
	v18 =	vld.idx.msk [tilespmem:v20+s10+$0x0], $0xffff;
	v20 =	vor.u32 v0, v12;
	v15 =	vshll.u32 v35, $0x7  }
0xad: {  	v10 =	vshll.u32 v10, $0x7;
	v14 =	vshll.u32 v22, $0x7;
	v22 =	vld.idx.msk [tilespmem:v24+s10+$0x0], $0xffff;
	v23 =	vor.u32 v0, v15  }
0xae: {  	[tilespmem:s17+$0xFFFFFE60] =	vst v27;
	v27 =	vor.u32 v0, v10  }
0xaf: {  	v36 =	vld.idx.msk [tilespmem:v13+s10+$0x0], $0xffff;
	[tilespmem:s17+$0x70] =	vst v19;
	v13 =	vshll.u32 v21, $0x7;
	v19 =	vor.u32 v0, v14  }
0xb0: {  	[tilespmem:s17+$0xFFFFFFF0] =	vst v16;
	v16 =	vor.u32 v0, v13;
	v17 =	vld.idx.msk [tilespmem:v17+s10+$0x0], $0xffff  }
0xb1: {  	s25 =	sadd.s32 $0x400, s17;
	[tilespmem:s17+$0x1F0] =	vst v18;
	v18 =	vor.u32 v1, v11;
	v20 =	vld.idx.msk [tilespmem:v20+s10+$0x0], $0xffff  }
0xb2: {  	v8 =	vshll.u32 v8, $0x7;
	[tilespmem:s25+$0xFFFFFE80] =	vst v22;
	v22 =	vor.u32 v1, v12;
	v21 =	vld.idx.msk [tilespmem:v23+s10+$0x0], $0xffff  }
0xb3: {  	[tilespmem:s17+$0xF0] =	vst v25;
	v25 =	vor.u32 v0, v8;
	v23 =	vld.idx.msk [tilespmem:v27+s10+$0x0], $0xffff  }
0xb4: {  	v24 =	vor.u32 v1, v15;
	v19 =	vld.idx.msk [tilespmem:v19+s10+$0x0], $0xffff  }
0xb5: {  	v26 =	vor.u32 v1, v10;
	v16 =	vld.idx.msk [tilespmem:v16+s10+$0x0], $0xffff;
	[tilespmem:s25+$0xFFFFFF80] =	vst v17  }
0xb6: {  	v17 =	vld.idx.msk [tilespmem:v18+s10+$0x0], $0xffff;
	[tilespmem:s25+$0x0] =	vst v20;
	v20 =	vor.u32 v1, v14  }
0xb7: {  	v22 =	vld.idx.msk [tilespmem:v22+s10+$0x0], $0xffff;
	[tilespmem:s25+$0x100] =	vst v21  }
0xb8: {  	v21 =	vor.u32 v1, v9;
	[tilespmem:s25+$0xFFFFFF00] =	vst v23;
	v23 =	vld.idx.msk [tilespmem:v25+s10+$0x0], $0xffff  }
0xb9: {  	v25 =	vor.u32 v1, v13;
	v24 =	vld.idx.msk [tilespmem:v24+s10+$0x0], $0xffff  }
0xba: {  	[tilespmem:s25+$0xFFFFFE00] =	vst v19;
	v19 =	vor.u32 v2, v11;
	v26 =	vld.idx.msk [tilespmem:v26+s10+$0x0], $0xffff  }
0xbb: {  	[tilespmem:s25+$0xFFFFFE90] =	vst v17;
	v17 =	vld.idx.msk [tilespmem:v20+s10+$0x0], $0xffff;
	v20 =	vor.u32 v2, v12  }
0xbc: {  	v18 =	vor.u32 v2, v15;
	[tilespmem:s25+$0x80] =	vst v16  }
0xbd: {  	[tilespmem:s25+$0x10] =	vst v22;
	v16 =	vld.idx.msk [tilespmem:v21+s10+$0x0], $0xffff  }
0xbe: {  	v21 =	vor.u32 v1, v8;
	v25 =	vld.idx.msk [tilespmem:v25+s10+$0x0], $0xffff;
	[tilespmem:s25+$0x180] =	vst v23  }
0xbf: {  	v22 =	vor.u32 v2, v14;
	v19 =	vld.idx.msk [tilespmem:v19+s10+$0x0], $0xffff;
	[tilespmem:s25+$0x110] =	vst v24  }
0xc0: {  	v24 =	vor.u32 v2, v10;
	[tilespmem:s25+$0xFFFFFF10] =	vst v26;
	v20 =	vld.idx.msk [tilespmem:v20+s10+$0x0], $0xffff  }
0xc1: {  	v23 =	vor.u32 v2, v9;
	[tilespmem:s25+$0xFFFFFE10] =	vst v17;
	v18 =	vld.idx.msk [tilespmem:v18+s10+$0x0], $0xffff  }
0xc2: {  	v26 =	vor.u32 v3, v15;
	[tilespmem:s25+$0xFFFFFF90] =	vst v16  }
0xc3: {  	v21 =	vld.idx.msk [tilespmem:v21+s10+$0x0], $0xffff;
	v16 =	vor.u32 v2, v13;
	[tilespmem:s25+$0x90] =	vst v25  }
0xc4: {  	v25 =	vor.u32 v2, v8;
	[tilespmem:s25+$0xFFFFFEA0] =	vst v19;
	v19 =	vld.idx.msk [tilespmem:v22+s10+$0x0], $0xffff  }
0xc5: {  	v24 =	vld.idx.msk [tilespmem:v24+s10+$0x0], $0xffff;
	[tilespmem:s25+$0x20] =	vst v20;
	v20 =	vor.u32 v3, v14  }
0xc6: {  	v23 =	vld.idx.msk [tilespmem:v23+s10+$0x0], $0xffff;
	[tilespmem:s25+$0x120] =	vst v18;
	v18 =	vor.u32 v3, v11  }
0xc7: {  	v17 =	vor.u32 v3, v10;
	v26 =	vld.idx.msk [tilespmem:v26+s10+$0x0], $0xffff  }
0xc8: {  	v22 =	vor.u32 v4, v15;
	[tilespmem:s25+$0x190] =	vst v21;
	v16 =	vld.idx.msk [tilespmem:v16+s10+$0x0], $0xffff  }
0xc9: {  	v21 =	vor.u32 v3, v9;
	[tilespmem:s25+$0xFFFFFE20] =	vst v19;
	v25 =	vld.idx.msk [tilespmem:v25+s10+$0x0], $0xffff  }
0xca: {  	[tilespmem:s25+$0xFFFFFF20] =	vst v24;
	v24 =	vor.u32 v3, v12;
	v20 =	vld.idx.msk [tilespmem:v20+s10+$0x0], $0xffff  }
0xcb: {  	[tilespmem:s25+$0xFFFFFFA0] =	vst v23;
	v18 =	vld.idx.msk [tilespmem:v18+s10+$0x0], $0xffff  }
0xcc: {  	v23 =	vor.u32 v3, v13;
	v17 =	vld.idx.msk [tilespmem:v17+s10+$0x0], $0xffff;
	[tilespmem:s25+$0x130] =	vst v26  }
0xcd: {  	[tilespmem:s17+$0xFFFFFE70] =	vst v36;
	v26 =	vor.u32 v3, v8;
	v22 =	vld.idx.msk [tilespmem:v22+s10+$0x0], $0xffff  }
0xce: {  	v21 =	vld.idx.msk [tilespmem:v21+s10+$0x0], $0xffff;
	[tilespmem:s25+$0xA0] =	vst v16;
	v16 =	vor.u32 v4, v11  }
0xcf: {  	v19 =	vld.idx.msk [tilespmem:v24+s10+$0x0], $0xffff;
	v24 =	vor.u32 v4, v10;
	[tilespmem:s25+$0x1A0] =	vst v25  }
0xd0: {  	v25 =	vor.u32 v5, v15;
	[tilespmem:s25+$0xFFFFFE30] =	vst v20  }
0xd1: {  	v23 =	vld.idx.msk [tilespmem:v23+s10+$0x0], $0xffff;
	[tilespmem:s25+$0xFFFFFEB0] =	vst v18;
	v18 =	vor.u32 v4, v9  }
0xd2: {  	[tilespmem:s25+$0xFFFFFF30] =	vst v17;
	v17 =	vor.u32 v4, v12;
	v26 =	vld.idx.msk [tilespmem:v26+s10+$0x0], $0xffff  }
0xd3: {  	[tilespmem:s25+$0xFFFFFFB0] =	vst v21;
	v16 =	vld.idx.msk [tilespmem:v16+s10+$0x0], $0xffff;
	v21 =	vor.u32 v4, v13  }
0xd4: {  	[tilespmem:s25+$0x140] =	vst v22;
	v22 =	vor.u32 v4, v14;
	v24 =	vld.idx.msk [tilespmem:v24+s10+$0x0], $0xffff  }
0xd5: {  	[tilespmem:s25+$0x30] =	vst v19;
	v19 =	vor.u32 v4, v8;
	v25 =	vld.idx.msk [tilespmem:v25+s10+$0x0], $0xffff  }
0xd6: {  	[tilespmem:s25+$0xB0] =	vst v23;
	v23 =	vor.u32 v5, v11;
	v18 =	vld.idx.msk [tilespmem:v18+s10+$0x0], $0xffff  }
0xd7: {  	v20 =	vor.u32 v6, v15;
	v17 =	vld.idx.msk [tilespmem:v17+s10+$0x0], $0xffff;
	[tilespmem:s25+$0x1B0] =	vst v26  }
0xd8: {  	v26 =	vor.u32 v5, v10;
	v21 =	vld.idx.msk [tilespmem:v21+s10+$0x0], $0xffff;
	[tilespmem:s25+$0xFFFFFEC0] =	vst v16  }
0xd9: {  	v16 =	vld.idx.msk [tilespmem:v22+s10+$0x0], $0xffff;
	v22 =	vor.u32 v5, v9;
	[tilespmem:s25+$0xFFFFFF40] =	vst v24  }
0xda: {  	v24 =	vor.u32 v5, v12;
	v19 =	vld.idx.msk [tilespmem:v19+s10+$0x0], $0xffff;
	[tilespmem:s25+$0x150] =	vst v25  }
0xdb: {  	v23 =	vld.idx.msk [tilespmem:v23+s10+$0x0], $0xffff;
	v25 =	vor.u32 v5, v13;
	[tilespmem:s25+$0xFFFFFFC0] =	vst v18  }
0xdc: {  	v18 =	vor.u32 v5, v14;
	v20 =	vld.idx.msk [tilespmem:v20+s10+$0x0], $0xffff;
	[tilespmem:s25+$0x40] =	vst v17  }
0xdd: {  	v17 =	vld.idx.msk [tilespmem:v26+s10+$0x0], $0xffff;
	v26 =	vor.u32 v5, v8;
	[tilespmem:s25+$0xC0] =	vst v21  }
0xde: {  	v15 =	vor.u32 v7, v15;
	v21 =	vld.idx.msk [tilespmem:v22+s10+$0x0], $0xffff;
	[tilespmem:s25+$0xFFFFFE40] =	vst v16  }
0xdf: {  	v16 =	vor.u32 v6, v11;
	v22 =	vld.idx.msk [tilespmem:v24+s10+$0x0], $0xffff;
	[tilespmem:s25+$0x1C0] =	vst v19  }
0xe0: {  	v19 =	vor.u32 v6, v10;
	v24 =	vld.idx.msk [tilespmem:v25+s10+$0x0], $0xffff;
	[tilespmem:s25+$0xFFFFFED0] =	vst v23  }
0xe1: {  	v23 =	vor.u32 v6, v9;
	v18 =	vld.idx.msk [tilespmem:v18+s10+$0x0], $0xffff;
	[tilespmem:s25+$0x160] =	vst v20  }
0xe2: {  	v20 =	vor.u32 v6, v12;
	v25 =	vld.idx.msk [tilespmem:v26+s10+$0x0], $0xffff;
	[tilespmem:s25+$0xFFFFFF50] =	vst v17  }
0xe3: {  	v17 =	vor.u32 v6, v13;
	v15 =	vld.idx.msk [tilespmem:v15+s10+$0x0], $0xffff;
	[tilespmem:s25+$0xFFFFFFD0] =	vst v21  }
0xe4: {  	v16 =	vld.idx.msk [tilespmem:v16+s10+$0x0], $0xffff;
	v21 =	vor.u32 v6, v14;
	[tilespmem:s25+$0x50] =	vst v22  }
0xe5: {  	v19 =	vld.idx.msk [tilespmem:v19+s10+$0x0], $0xffff;
	v22 =	vor.u32 v6, v8;
	[tilespmem:s25+$0xD0] =	vst v24  }
0xe6: {  	v11 =	vor.u32 v7, v11;
	v23 =	vld.idx.msk [tilespmem:v23+s10+$0x0], $0xffff;
	[tilespmem:s25+$0xFFFFFE50] =	vst v18  }
0xe7: {  	v10 =	vor.u32 v7, v10;
	v18 =	vld.idx.msk [tilespmem:v20+s10+$0x0], $0xffff;
	[tilespmem:s25+$0x1D0] =	vst v25  }
0xe8: {  	v9 =	vor.u32 v7, v9;
	v17 =	vld.idx.msk [tilespmem:v17+s10+$0x0], $0xffff;
	[tilespmem:s25+$0x170] =	vst v15  }
0xe9: {  	v12 =	vor.u32 v7, v12;
	v15 =	vld.idx.msk [tilespmem:v21+s10+$0x0], $0xffff;
	[tilespmem:s25+$0xFFFFFEE0] =	vst v16  }
0xea: {  	v13 =	vor.u32 v7, v13;
	v16 =	vld.idx.msk [tilespmem:v22+s10+$0x0], $0xffff;
	[tilespmem:s25+$0xFFFFFF60] =	vst v19  }
0xeb: {  	v14 =	vor.u32 v7, v14;
	v11 =	vld.idx.msk [tilespmem:v11+s10+$0x0], $0xffff;
	[tilespmem:s25+$0xFFFFFFE0] =	vst v23  }
0xec: {  	v8 =	vor.u32 v7, v8;
	v10 =	vld.idx.msk [tilespmem:v10+s10+$0x0], $0xffff;
	[tilespmem:s25+$0x60] =	vst v18  }
0xed: {  	v9 =	vld.idx.msk [tilespmem:v9+s10+$0x0], $0xffff;
	[tilespmem:s25+$0xE0] =	vst v17  }
0xee: {  	v12 =	vld.idx.msk [tilespmem:v12+s10+$0x0], $0xffff;
	[tilespmem:s25+$0xFFFFFE60] =	vst v15  }
0xef: {  	v13 =	vld.idx.msk [tilespmem:v13+s10+$0x0], $0xffff;
	[tilespmem:s25+$0x1E0] =	vst v16  }
0xf0: {  	s29 =	simm.s32 $0x106;
	v14 =	vld.idx.msk [tilespmem:v14+s10+$0x0], $0xffff;
	[tilespmem:s25+$0xFFFFFEF0] =	vst v11  }
0xf1: {  	s26 =	simm.s32 $0x100;
	s28 =	simm.s32 $0x101;
	v11 =	vmov s29;
	[tilespmem:s25+$0xFFFFFF70] =	vst v10;
	v8 =	vld.idx.msk [tilespmem:v8+s10+$0x0], $0xffff  }
0xf2: {  	s30 =	simm.s32 $0x107;
	v10 =	vmov s26;
	[tilespmem:s25+$0xFFFFFFF0] =	vst v9;
	v9 =	vmov s28;
	v11 =	vand.u32 $0xFFFFFFFE, v11  }
0xf3: {  	s31 =	simm.s32 $0x102;
	v10 =	vand.u32 $0xFFFFFFF8, v10;
	[tilespmem:s25+$0x70] =	vst v12;
	v12 =	vmov s30;
	v11 =	vbroadcast v11, $0x0  }
0xf4: {  	s22 =	simm.s32 $0x105;
	v9 =	vand.u32 $0xFFFFFFF9, v9;
	v10 =	vbroadcast v10, $0x0;
	[tilespmem:s25+$0xF0] =	vst v13;
	v13 =	vmov s31  }
0xf5: {  	s20 =	simm.s32 $0x103;
	v15 =	vmov s22;
	v9 =	vbroadcast v9, $0x0;
	v13 =	vand.u32 $0xFFFFFFFA, v13;
	[tilespmem:s25+$0xFFFFFE70] =	vst v14  }
0xf6: {  	s21 =	simm.s32 $0x104;
	v15 =	vand.u32 $0xFFFFFFFD, v15;
	v14 =	vmov s20;
	[tilespmem:s25+$0x1F0] =	vst v8;
	v8 =	vbroadcast v13, $0x0  }
0xf7: {  	v15 =	vbroadcast v15, $0x0;
	v13 =	vand.u32 $0xFFFFFFFB, v14;
	v14 =	vmov s21;
	[hbm4b:s7+s4] =	stream.linear.scatter [tilespmem:s12], [sflag:$0x1], $0x8000, $0x38;
	[tilespmem:$0x18D80] =	vst v63  }
0xf8: {  	s23 =	simm.s32 $0x108;
	s24 =	simm.s32 $0x109;
	v13 =	vbroadcast v13, $0x0;
	v14 =	vand.u32 $0xFFFFFFFC, v14;
	v12 =	vld.idx.msk [tilespmem:v12+s4+$0x0], $0xffff  }
0xf9: {  	v17 =	vmov s24;
	v16 =	vmov s23;
	v14 =	vbroadcast v14, $0x0;
	v11 =	vld.idx.msk [tilespmem:v11+s4+$0x0], $0xffff  }
0xfa: {  	v17 =	vand.u32 $0xFFFFFFF9, v17;
	v16 =	vand.u32 $0xFFFFFFF8, v16;
	s26 =	simm.s32 $0x10A;
	s25 =	simm.s32 $0x10F;
	v10 =	vld.idx.msk [tilespmem:v10+s4+$0x0], $0xffff  }
0xfb: {  	v16 =	vbroadcast v16, $0x0;
	v19 =	vmov s26;
	v18 =	vmov s25;
	v9 =	vld.idx.msk [tilespmem:v9+s4+$0x0], $0xffff  }
0xfc: {  	v21 =	vbroadcast v17, $0x0;
	v20 =	vld.idx.msk [tilespmem:v8+s4+$0x0], $0xffff;
	v8 =	vand.u32 $0xFFFFFFFA, v19  }
0xfd: {  	v23 =	vld.idx.msk [tilespmem:v15+s4+$0x0], $0xffff;
	v22 =	vbroadcast v8, $0x0  }
0xfe: {  	v13 =	vld.idx.msk [tilespmem:v13+s4+$0x0], $0xffff;
	v12 =	vshll.u32 v12, $0x7  }
0xff: {  	v19 =	vshll.u32 v11, $0x7;
	v14 =	vld.idx.msk [tilespmem:v14+s4+$0x0], $0xffff;
	v24 =	vor.u32 v0, v12  }
0x100: {  	v8 =	vld.idx.msk [tilespmem:v18+s4+$0x0], $0xffff;
	v17 =	vshll.u32 v10, $0x7;
	v25 =	vor.u32 v0, v19  }
0x101: {  	v11 =	vld.idx.msk [tilespmem:v16+s4+$0x0], $0xffff;
	v18 =	vshll.u32 v9, $0x7;
	v26 =	vor.u32 v0, v17  }
0x102: {  	v10 =	vld.idx.msk [tilespmem:v21+s4+$0x0], $0xffff;
	v21 =	vor.u32 v0, v18;
	v16 =	vshll.u32 v20, $0x7  }
0x103: {  	v20 =	vor.u32 v0, v16;
	v15 =	vshll.u32 v13, $0x7;
	v9 =	vld.idx.msk [tilespmem:v22+s4+$0x0], $0xffff  }
0x104: {  	v22 =	vor.u32 v0, v15;
	v14 =	vshll.u32 v14, $0x7;
	v24 =	vld.idx.msk [tilespmem:v24+s10+$0x0], $0xffff  }
0x105: {  	v13 =	vshll.u32 v23, $0x7;
	v23 =	vld.idx.msk [tilespmem:v25+s10+$0x0], $0xffff;
	v27 =	vor.u32 v0, v14  }
0x106: {  	v25 =	vld.idx.msk [tilespmem:v26+s10+$0x0], $0xffff;
	v26 =	vor.u32 v0, v13  }
0x107: {  	v37 =	vor.u32 v1, v19;
	v21 =	vld.idx.msk [tilespmem:v21+s10+$0x0], $0xffff  }
0x108: {  	v38 =	vor.u32 v1, v17;
	v20 =	vld.idx.msk [tilespmem:v20+s10+$0x0], $0xffff  }
0x109: {  	s17 =	simm.s32 $0x10D80;
	v39 =	vor.u32 v1, v18;
	v22 =	vld.idx.msk [tilespmem:v22+s10+$0x0], $0xffff  }
0x10a: {  	v40 =	vor.u32 v1, v16;
	[tilespmem:s17+$0x300] =	vst v23;
	v27 =	vld.idx.msk [tilespmem:v27+s10+$0x0], $0xffff  }
0x10b: {  	v32 =	vor.u32 v1, v15;
	[tilespmem:s17+$0x380] =	vst v24;
	v26 =	vld.idx.msk [tilespmem:v26+s10+$0x0], $0xffff  }
0x10c: {  	v23 =	vor.u32 v1, v14;
	[tilespmem:s17+$0x0] =	vst v25;
	v25 =	vld.idx.msk [tilespmem:v37+s10+$0x0], $0xffff  }
0x10d: {  	[tilespmem:s17+$0x80] =	vst v21;
	v21 =	vor.u32 v1, v13;
	v41 =	vld.idx.msk [tilespmem:v38+s10+$0x0], $0xffff  }
0x10e: {  	v44 =	vor.u32 v2, v17;
	v42 =	vld.idx.msk [tilespmem:v39+s10+$0x0], $0xffff;
	[tilespmem:s17+$0x100] =	vst v20  }
0x10f: {  	v20 =	vor.u32 v2, v19;
	v43 =	vld.idx.msk [tilespmem:v40+s10+$0x0], $0xffff;
	[tilespmem:s17+$0x180] =	vst v22  }
0x110: {  	v22 =	vor.u32 v1, v12;
	v32 =	vld.idx.msk [tilespmem:v32+s10+$0x0], $0xffff;
	[tilespmem:s17+$0x200] =	vst v27  }
0x111: {  	v27 =	vor.u32 v2, v18;
	[tilespmem:s17+$0x280] =	vst v26;
	v23 =	vld.idx.msk [tilespmem:v23+s10+$0x0], $0xffff  }
0x112: {  	v26 =	vor.u32 v2, v16;
	v21 =	vld.idx.msk [tilespmem:v21+s10+$0x0], $0xffff;
	[tilespmem:s17+$0x10] =	vst v41  }
0x113: {  	[tilespmem:s17+$0x310] =	vst v25;
	v25 =	vor.u32 v2, v15;
	v28 =	vld.idx.msk [tilespmem:v44+s10+$0x0], $0xffff  }
0x114: {  	v24 =	vor.u32 v2, v14;
	[tilespmem:s17+$0x90] =	vst v42;
	v20 =	vld.idx.msk [tilespmem:v20+s10+$0x0], $0xffff  }
0x115: {  	v46 =	vor.u32 v2, v13;
	v22 =	vld.idx.msk [tilespmem:v22+s10+$0x0], $0xffff;
	[tilespmem:s17+$0x110] =	vst v43  }
0x116: {  	v48 =	vor.u32 v3, v17;
	v27 =	vld.idx.msk [tilespmem:v27+s10+$0x0], $0xffff;
	[tilespmem:s17+$0x190] =	vst v32  }
0x117: {  	v45 =	vor.u32 v3, v19;
	v26 =	vld.idx.msk [tilespmem:v26+s10+$0x0], $0xffff;
	[tilespmem:s17+$0x210] =	vst v23  }
0x118: {  	v47 =	vor.u32 v2, v12;
	v25 =	vld.idx.msk [tilespmem:v25+s10+$0x0], $0xffff;
	[tilespmem:s17+$0x290] =	vst v21  }
0x119: {  	v23 =	vor.u32 v3, v18;
	v24 =	vld.idx.msk [tilespmem:v24+s10+$0x0], $0xffff;
	[tilespmem:s17+$0x20] =	vst v28  }
0x11a: {  	v49 =	vor.u32 v3, v15;
	v30 =	vld.idx.msk [tilespmem:v46+s10+$0x0], $0xffff;
	[tilespmem:s17+$0x320] =	vst v20  }
0x11b: {  	v20 =	vor.u32 v3, v16;
	v51 =	vld.idx.msk [tilespmem:v48+s10+$0x0], $0xffff;
	[tilespmem:s17+$0x390] =	vst v22  }
0x11c: {  	v52 =	vor.u32 v4, v17;
	v21 =	vld.idx.msk [tilespmem:v45+s10+$0x0], $0xffff;
	[tilespmem:s17+$0xA0] =	vst v27  }
0x11d: {  	v22 =	vor.u32 v4, v19;
	v50 =	vld.idx.msk [tilespmem:v47+s10+$0x0], $0xffff;
	[tilespmem:s17+$0x120] =	vst v26  }
0x11e: {  	v27 =	vor.u32 v3, v14;
	v23 =	vld.idx.msk [tilespmem:v23+s10+$0x0], $0xffff;
	[tilespmem:s17+$0x1A0] =	vst v25  }
0x11f: {  	v26 =	vor.u32 v3, v13;
	v29 =	vld.idx.msk [tilespmem:v49+s10+$0x0], $0xffff;
	[tilespmem:s17+$0x220] =	vst v24  }
0x120: {  	v25 =	vor.u32 v3, v12;
	v20 =	vld.idx.msk [tilespmem:v20+s10+$0x0], $0xffff;
	[tilespmem:s17+$0x30] =	vst v51  }
0x121: {  	v54 =	vor.u32 v4, v15;
	[tilespmem:s17+$0x330] =	vst v21;
	v31 =	vld.idx.msk [tilespmem:v52+s10+$0x0], $0xffff  }
0x122: {  	[tilespmem:s17+$0x2A0] =	vst v30;
	v21 =	vor.u32 v4, v18;
	v22 =	vld.idx.msk [tilespmem:v22+s10+$0x0], $0xffff  }
0x123: {  	v24 =	vor.u32 v4, v16;
	v27 =	vld.idx.msk [tilespmem:v27+s10+$0x0], $0xffff;
	[tilespmem:s17+$0x3A0] =	vst v50  }
0x124: {  	v55 =	vor.u32 v5, v17;
	v26 =	vld.idx.msk [tilespmem:v26+s10+$0x0], $0xffff;
	[tilespmem:s17+$0xB0] =	vst v23  }
0x125: {  	v53 =	vor.u32 v5, v19;
	v25 =	vld.idx.msk [tilespmem:v25+s10+$0x0], $0xffff;
	[tilespmem:s17+$0x1B0] =	vst v29  }
0x126: {  	v23 =	vor.u32 v4, v14;
	[tilespmem:s17+$0x130] =	vst v20;
	v28 =	vld.idx.msk [tilespmem:v54+s10+$0x0], $0xffff  }
0x127: {  	v20 =	vor.u32 v4, v13;
	v21 =	vld.idx.msk [tilespmem:v21+s10+$0x0], $0xffff;
	[tilespmem:s17+$0x40] =	vst v31  }
0x128: {  	v24 =	vld.idx.msk [tilespmem:v24+s10+$0x0], $0xffff;
	[tilespmem:s17+$0x340] =	vst v22;
	v22 =	vor.u32 v4, v12  }
0x129: {  	v57 =	vor.u32 v5, v18;
	[tilespmem:s17+$0x230] =	vst v27;
	v31 =	vld.idx.msk [tilespmem:v55+s10+$0x0], $0xffff  }
0x12a: {  	v56 =	vld.idx.msk [tilespmem:v53+s10+$0x0], $0xffff;
	[tilespmem:s17+$0x3B0] =	vst v25;
	v25 =	vor.u32 v5, v15  }
0x12b: {  	[tilespmem:s17+$0x2B0] =	vst v26;
	v26 =	vor.u32 v6, v19;
	v23 =	vld.idx.msk [tilespmem:v23+s10+$0x0], $0xffff  }
0x12c: {  	v59 =	vor.u32 v6, v17;
	v20 =	vld.idx.msk [tilespmem:v20+s10+$0x0], $0xffff;
	[tilespmem:s17+$0x1C0] =	vst v28  }
0x12d: {  	v27 =	vor.u32 v5, v16;
	[tilespmem:s17+$0xC0] =	vst v21;
	v22 =	vld.idx.msk [tilespmem:v22+s10+$0x0], $0xffff  }
0x12e: {  	v21 =	vor.u32 v5, v14;
	[tilespmem:s17+$0x140] =	vst v24;
	v30 =	vld.idx.msk [tilespmem:v57+s10+$0x0], $0xffff  }
0x12f: {  	v58 =	vor.u32 v5, v13;
	[tilespmem:s17+$0x350] =	vst v56;
	v25 =	vld.idx.msk [tilespmem:v25+s10+$0x0], $0xffff  }
0x130: {  	[tilespmem:s17+$0x50] =	vst v31;
	v24 =	vld.idx.msk [tilespmem:v26+s10+$0x0], $0xffff;
	v26 =	vor.u32 v5, v12  }
0x131: {  	[tilespmem:s17+$0x240] =	vst v23;
	v23 =	vor.u32 v6, v18;
	v29 =	vld.idx.msk [tilespmem:v59+s10+$0x0], $0xffff  }
0x132: {  	v34 =	vor.u32 v7, v17;
	v27 =	vld.idx.msk [tilespmem:v27+s10+$0x0], $0xffff;
	[tilespmem:s17+$0x2C0] =	vst v20  }
0x133: {  	v19 =	vor.u32 v7, v19;
	v60 =	vld.idx.msk [tilespmem:v21+s10+$0x0], $0xffff;
	[tilespmem:s17+$0x3C0] =	vst v22  }
0x134: {  	v20 =	vor.u32 v6, v16;
	v32 =	vld.idx.msk [tilespmem:v58+s10+$0x0], $0xffff;
	[tilespmem:s17+$0xD0] =	vst v30  }
0x135: {  	s28 =	simm.s32 $0x10B;
	v21 =	vor.u32 v6, v15;
	[tilespmem:s17+$0x1D0] =	vst v25;
	v22 =	vld.idx.msk [tilespmem:v26+s10+$0x0], $0xffff  }
0x136: {  	v33 =	vld.idx.msk [tilespmem:v23+s10+$0x0], $0xffff;
	v23 =	vor.u32 v6, v12;
	[tilespmem:s17+$0x60] =	vst v29;
	v26 =	vmov s28  }
0x137: {  	v61 =	vor.u32 v6, v14;
	v25 =	vor.u32 v7, v16;
	[tilespmem:s17+$0x360] =	vst v24;
	v16 =	vld.idx.msk [tilespmem:v34+s10+$0x0], $0xffff;
	v24 =	vand.u32 $0xFFFFFFFB, v26  }
0x138: {  	s29 =	simm.s32 $0x10E;
	[tilespmem:s17+$0x150] =	vst v27;
	v26 =	vor.u32 v6, v13;
	v62 =	vld.idx.msk [tilespmem:v19+s10+$0x0], $0xffff;
	v24 =	vbroadcast v24, $0x0  }
0x139: {  	v17 =	vmov s29;
	v27 =	vld.idx.msk [tilespmem:v20+s10+$0x0], $0xffff  }
0x13a: {  	v63 =	vor.u32 v7, v18;
	v20 =	vand.u32 $0xFFFFFFFE, v17;
	v21 =	vld.idx.msk [tilespmem:v21+s10+$0x0], $0xffff;
	[tilespmem:s17+$0x3D0] =	vst v22  }
0x13b: {  	[tilespmem:s17+$0x250] =	vst v60;
	v17 =	vld.idx.msk [tilespmem:v23+s10+$0x0], $0xffff;
	v23 =	vbroadcast v20, $0x0  }
0x13c: {  	[tilespmem:s17+$0x2D0] =	vst v32;
	v19 =	vld.idx.msk [tilespmem:v61+s10+$0x0], $0xffff  }
0x13d: {  	s30 =	simm.s32 $0x10C;
	[tilespmem:s17+$0xE0] =	vst v33;
	v22 =	vor.u32 v7, v15;
	v18 =	vld.idx.msk [tilespmem:v26+s10+$0x0], $0xffff  }
0x13e: {  	s31 =	simm.s32 $0x10D;
	v15 =	vmov s30;
	[tilespmem:s17+$0x370] =	vst v62;
	v20 =	vld.idx.msk [tilespmem:v24+s4+$0x0], $0xffff;
	v24 =	vor.u32 v7, v14  }
0x13f: {  	s18 =	simm.s32 $0x8;
	v13 =	vor.u32 v7, v13;
	v15 =	vand.u32 $0xFFFFFFFC, v15;
	v26 =	vmov s31;
	[tilespmem:s17+$0x160] =	vst v27;
	v14 =	vld.idx.msk [tilespmem:v63+s10+$0x0], $0xffff  }
.LBB2_4:
0x140: {  	s20 =	sadd.s32 $0x108, s18;
	v15 =	vbroadcast v15, $0x0;
	v26 =	vand.u32 $0xFFFFFFFD, v26;
	v25 =	vld.idx.msk [tilespmem:v25+s10+$0x0], $0xffff;
	[tilespmem:s17+$0x1E0] =	vst v21;
	v12 =	vor.u32 v7, v12;
	s19 =	smov.u32 s18  }
0x141: {  	s21 =	sadd.s32 $0x10F, s18;
	v21 =	vmov s20;
	s20 =	sadd.s32 $0x109, s18;
	v26 =	vbroadcast v26, $0x0;
	v23 =	vld.idx.msk [tilespmem:v23+s4+$0x0], $0xffff;
	[tilespmem:s17+$0x260] =	vst v19  }
0x142: {  	v27 =	vmov s21;
	v19 =	vand.u32 $0xFFFFFFF8, v21;
	v21 =	vmov s20;
	s20 =	sadd.s32 $0x10A, s18;
	v22 =	vld.idx.msk [tilespmem:v22+s10+$0x0], $0xffff;
	[tilespmem:s17+$0x2E0] =	vst v18  }
0x143: {  	v18 =	vbroadcast v19, $0x0;
	v19 =	vand.u32 $0xFFFFFFF9, v21;
	v21 =	vmov s20;
	v24 =	vld.idx.msk [tilespmem:v24+s10+$0x0], $0xffff;
	[tilespmem:s17+$0x3E0] =	vst v17  }
0x144: {  	v28 =	vbroadcast v19, $0x0;
	v17 =	vand.u32 $0xFFFFFFFA, v21;
	[tilespmem:s17+$0x70] =	vst v16;
	v13 =	vld.idx.msk [tilespmem:v13+s10+$0x0], $0xffff  }
0x145: {  	v21 =	vbroadcast v17, $0x0;
	[tilespmem:s17+$0xF0] =	vst v14;
	v14 =	vld.idx.msk [tilespmem:v12+s10+$0x0], $0xffff  }
0x146: {  	v12 =	vshll.u32 v8, $0x7;
	v29 =	vld.idx.msk [tilespmem:v15+s4+$0x0], $0xffff;
	[tilespmem:s17+$0x170] =	vst v25  }
0x147: {  	v19 =	vshll.u32 v23, $0x7;
	v23 =	vor.u32 v0, v12;
	v25 =	vld.idx.msk [tilespmem:v26+s4+$0x0], $0xffff  }
0x148: {  	v16 =	vshll.u32 v11, $0x7;
	v26 =	vor.u32 v0, v19;
	v8 =	vld.idx.msk [tilespmem:v27+s4+$0x0], $0xffff;
	[tilespmem:s17+$0x1F0] =	vst v22  }
0x149: {  	v17 =	vshll.u32 v10, $0x7;
	v22 =	vor.u32 v0, v16;
	v11 =	vld.idx.msk [tilespmem:v18+s4+$0x0], $0xffff;
	[tilespmem:s17+$0x270] =	vst v24  }
0x14a: {  	v24 =	vor.u32 v0, v17;
	v18 =	vshll.u32 v9, $0x7;
	v10 =	vld.idx.msk [tilespmem:v28+s4+$0x0], $0xffff;
	[tilespmem:s17+$0x2F0] =	vst v13  }
0x14b: {  	v15 =	vshll.u32 v20, $0x7;
	v9 =	vld.idx.msk [tilespmem:v21+s4+$0x0], $0xffff;
	v21 =	vor.u32 v0, v18;
	[tilespmem:s17+$0x3F0] =	vst v14  }
0x14c: {  	v20 =	vor.u32 v0, v15;
	v14 =	vshll.u32 v29, $0x7;
	v23 =	vld.idx.msk [tilespmem:v23+s10+$0x0], $0xffff  }
0x14d: {  	v27 =	vor.u32 v0, v14;
	v13 =	vshll.u32 v25, $0x7;
	v25 =	vld.idx.msk [tilespmem:v26+s10+$0x0], $0xffff  }
0x14e: {  	v26 =	vor.u32 v0, v13;
	v22 =	vld.idx.msk [tilespmem:v22+s10+$0x0], $0xffff  }
0x14f: {  	v28 =	vor.u32 v1, v19;
	v24 =	vld.idx.msk [tilespmem:v24+s10+$0x0], $0xffff  }
0x150: {  	v29 =	vor.u32 v1, v16;
	v21 =	vld.idx.msk [tilespmem:v21+s10+$0x0], $0xffff  }
0x151: {  	v30 =	vor.u32 v1, v17;
	v20 =	vld.idx.msk [tilespmem:v20+s10+$0x0], $0xffff  }
0x152: {  	v31 =	vor.u32 v1, v18;
	s17 =	sadd.s32 $0x400, s17;
	v27 =	vld.idx.msk [tilespmem:v27+s10+$0x0], $0xffff  }
0x153: {  	v32 =	vor.u32 v1, v15;
	v26 =	vld.idx.msk [tilespmem:v26+s10+$0x0], $0xffff;
	[tilespmem:s17+$0x300] =	vst v25  }
0x154: {  	[tilespmem:s17+$0x0] =	vst v22;
	v22 =	vor.u32 v1, v14;
	v25 =	vld.idx.msk [tilespmem:v28+s10+$0x0], $0xffff  }
0x155: {  	v28 =	vld.idx.msk [tilespmem:v29+s10+$0x0], $0xffff;
	[tilespmem:s17+$0x80] =	vst v24;
	v24 =	vor.u32 v1, v13  }
0x156: {  	v29 =	vld.idx.msk [tilespmem:v30+s10+$0x0], $0xffff;
	[tilespmem:s17+$0x100] =	vst v21;
	v21 =	vor.u32 v2, v19  }
0x157: {  	v30 =	vld.idx.msk [tilespmem:v31+s10+$0x0], $0xffff;
	[tilespmem:s17+$0x180] =	vst v20;
	v20 =	vor.u32 v1, v12  }
0x158: {  	v31 =	vor.u32 v2, v16;
	v32 =	vld.idx.msk [tilespmem:v32+s10+$0x0], $0xffff;
	[tilespmem:s17+$0x200] =	vst v27  }
0x159: {  	v27 =	vor.u32 v2, v17;
	v22 =	vld.idx.msk [tilespmem:v22+s10+$0x0], $0xffff;
	[tilespmem:s17+$0x280] =	vst v26  }
0x15a: {  	v26 =	vor.u32 v2, v18;
	v24 =	vld.idx.msk [tilespmem:v24+s10+$0x0], $0xffff;
	[tilespmem:s17+$0x310] =	vst v25  }
0x15b: {  	v25 =	vor.u32 v2, v15;
	v21 =	vld.idx.msk [tilespmem:v21+s10+$0x0], $0xffff;
	[tilespmem:s17+$0x380] =	vst v23  }
0x15c: {  	v23 =	vor.u32 v2, v14;
	[tilespmem:s17+$0x10] =	vst v28;
	v20 =	vld.idx.msk [tilespmem:v20+s10+$0x0], $0xffff  }
0x15d: {  	v28 =	vld.idx.msk [tilespmem:v31+s10+$0x0], $0xffff;
	[tilespmem:s17+$0x90] =	vst v29;
	v29 =	vor.u32 v3, v19  }
0x15e: {  	v27 =	vld.idx.msk [tilespmem:v27+s10+$0x0], $0xffff;
	[tilespmem:s17+$0x110] =	vst v30;
	v30 =	vor.u32 v2, v13  }
0x15f: {  	v31 =	vor.u32 v2, v12;
	v26 =	vld.idx.msk [tilespmem:v26+s10+$0x0], $0xffff;
	[tilespmem:s17+$0x190] =	vst v32  }
0x160: {  	v32 =	vor.u32 v3, v16;
	v25 =	vld.idx.msk [tilespmem:v25+s10+$0x0], $0xffff;
	[tilespmem:s17+$0x210] =	vst v22  }
0x161: {  	v22 =	vor.u32 v3, v17;
	v23 =	vld.idx.msk [tilespmem:v23+s10+$0x0], $0xffff;
	[tilespmem:s17+$0x320] =	vst v21  }
0x162: {  	v21 =	vor.u32 v3, v18;
	[tilespmem:s17+$0x290] =	vst v24;
	v24 =	vld.idx.msk [tilespmem:v29+s10+$0x0], $0xffff  }
0x163: {  	v29 =	vor.u32 v3, v15;
	v30 =	vld.idx.msk [tilespmem:v30+s10+$0x0], $0xffff;
	[tilespmem:s17+$0x390] =	vst v20  }
0x164: {  	v20 =	vor.u32 v4, v19;
	[tilespmem:s17+$0x20] =	vst v28;
	v28 =	vld.idx.msk [tilespmem:v31+s10+$0x0], $0xffff  }
0x165: {  	v31 =	vld.idx.msk [tilespmem:v32+s10+$0x0], $0xffff;
	[tilespmem:s17+$0xA0] =	vst v27;
	v27 =	vor.u32 v3, v14  }
0x166: {  	v22 =	vld.idx.msk [tilespmem:v22+s10+$0x0], $0xffff;
	[tilespmem:s17+$0x120] =	vst v26;
	v26 =	vor.u32 v3, v13  }
0x167: {  	v21 =	vld.idx.msk [tilespmem:v21+s10+$0x0], $0xffff;
	[tilespmem:s17+$0x1A0] =	vst v25;
	v25 =	vor.u32 v3, v12  }
0x168: {  	v32 =	vor.u32 v4, v16;
	v29 =	vld.idx.msk [tilespmem:v29+s10+$0x0], $0xffff;
	[tilespmem:s17+$0x330] =	vst v24  }
0x169: {  	v24 =	vor.u32 v4, v17;
	[tilespmem:s17+$0x220] =	vst v23;
	v20 =	vld.idx.msk [tilespmem:v20+s10+$0x0], $0xffff  }
0x16a: {  	v23 =	vor.u32 v4, v18;
	v27 =	vld.idx.msk [tilespmem:v27+s10+$0x0], $0xffff;
	[tilespmem:s17+$0x2A0] =	vst v30  }
0x16b: {  	v30 =	vor.u32 v5, v19;
	v26 =	vld.idx.msk [tilespmem:v26+s10+$0x0], $0xffff;
	[tilespmem:s17+$0x3A0] =	vst v28  }
0x16c: {  	v28 =	vor.u32 v4, v15;
	[tilespmem:s17+$0x30] =	vst v31;
	v25 =	vld.idx.msk [tilespmem:v25+s10+$0x0], $0xffff  }
0x16d: {  	v31 =	vld.idx.msk [tilespmem:v32+s10+$0x0], $0xffff;
	[tilespmem:s17+$0xB0] =	vst v22;
	v22 =	vor.u32 v4, v14  }
0x16e: {  	v24 =	vld.idx.msk [tilespmem:v24+s10+$0x0], $0xffff;
	[tilespmem:s17+$0x130] =	vst v21;
	v21 =	vor.u32 v4, v13  }
0x16f: {  	v23 =	vld.idx.msk [tilespmem:v23+s10+$0x0], $0xffff;
	[tilespmem:s17+$0x340] =	vst v20;
	v20 =	vor.u32 v4, v12  }
0x170: {  	v32 =	vor.u32 v5, v16;
	[tilespmem:s17+$0x1B0] =	vst v29;
	v29 =	vld.idx.msk [tilespmem:v30+s10+$0x0], $0xffff  }
0x171: {  	v30 =	vor.u32 v5, v17;
	v28 =	vld.idx.msk [tilespmem:v28+s10+$0x0], $0xffff;
	[tilespmem:s17+$0x230] =	vst v27  }
0x172: {  	v22 =	vld.idx.msk [tilespmem:v22+s10+$0x0], $0xffff;
	[tilespmem:s17+$0x2B0] =	vst v26;
	v26 =	vor.u32 v6, v19  }
0x173: {  	v27 =	vor.u32 v5, v18;
	v21 =	vld.idx.msk [tilespmem:v21+s10+$0x0], $0xffff;
	[tilespmem:s17+$0x3B0] =	vst v25  }
0x174: {  	v25 =	vor.u32 v5, v15;
	[tilespmem:s17+$0x40] =	vst v31;
	v20 =	vld.idx.msk [tilespmem:v20+s10+$0x0], $0xffff  }
0x175: {  	v31 =	vld.idx.msk [tilespmem:v32+s10+$0x0], $0xffff;
	[tilespmem:s17+$0xC0] =	vst v24;
	v24 =	vor.u32 v5, v14  }
0x176: {  	v32 =	vor.u32 v5, v13;
	v30 =	vld.idx.msk [tilespmem:v30+s10+$0x0], $0xffff;
	[tilespmem:s17+$0x350] =	vst v29  }
0x177: {  	[tilespmem:s17+$0x140] =	vst v23;
	v23 =	vld.idx.msk [tilespmem:v26+s10+$0x0], $0xffff;
	v26 =	vor.u32 v5, v12  }
0x178: {  	v29 =	vor.u32 v6, v16;
	v27 =	vld.idx.msk [tilespmem:v27+s10+$0x0], $0xffff;
	[tilespmem:s17+$0x1C0] =	vst v28  }
0x179: {  	v19 =	vor.u32 v7, v19;
	v25 =	vld.idx.msk [tilespmem:v25+s10+$0x0], $0xffff;
	[tilespmem:s17+$0x240] =	vst v22  }
0x17a: {  	v22 =	vor.u32 v6, v17;
	v24 =	vld.idx.msk [tilespmem:v24+s10+$0x0], $0xffff;
	[tilespmem:s17+$0x2C0] =	vst v21  }
0x17b: {  	v21 =	vor.u32 v6, v18;
	v28 =	vld.idx.msk [tilespmem:v32+s10+$0x0], $0xffff;
	[tilespmem:s17+$0x3C0] =	vst v20  }
0x17c: {  	s20 =	sadd.s32 $0x10B, s18;
	v20 =	vor.u32 v6, v15;
	[tilespmem:s17+$0x50] =	vst v31;
	v26 =	vld.idx.msk [tilespmem:v26+s10+$0x0], $0xffff  }
0x17d: {  	v32 =	vor.u32 v6, v14;
	v31 =	vmov s20;
	v29 =	vld.idx.msk [tilespmem:v29+s10+$0x0], $0xffff;
	[tilespmem:s17+$0x360] =	vst v23  }
0x17e: {  	v23 =	vand.u32 $0xFFFFFFFB, v31;
	[tilespmem:s17+$0xD0] =	vst v30;
	v30 =	vor.u32 v6, v13;
	v31 =	vld.idx.msk [tilespmem:v19+s10+$0x0], $0xffff  }
0x17f: {  	v33 =	vbroadcast v23, $0x0;
	v34 =	vld.idx.msk [tilespmem:v22+s10+$0x0], $0xffff;
	[tilespmem:s17+$0x150] =	vst v27;
	v22 =	vor.u32 v6, v12  }
0x180: {  	s18 =	sadd.s32 $0x8, s18;
	s20 =	sadd.s32 $0x10E, s19;
	v27 =	vld.idx.msk [tilespmem:v21+s10+$0x0], $0xffff;
	[tilespmem:s17+$0x1D0] =	vst v25  }
0x181: {  	p0 =	slt.u32 s18, $0xF8;
	v16 =	vor.u32 v7, v16;
	v19 =	vmov s20;
	v21 =	vld.idx.msk [tilespmem:v20+s10+$0x0], $0xffff;
	[tilespmem:s17+$0x250] =	vst v24  }
0x182: {  	v35 =	vor.u32 v7, v17;
	v20 =	vand.u32 $0xFFFFFFFE, v19;
	v19 =	vld.idx.msk [tilespmem:v32+s10+$0x0], $0xffff;
	[tilespmem:s17+$0x2D0] =	vst v28  }
.Ltmp1:
0x183: {  	v25 =	vor.u32 v7, v18;
	v23 =	vbroadcast v20, $0x0;
	v18 =	vld.idx.msk [tilespmem:v30+s10+$0x0], $0xffff;
	[tilespmem:s17+$0x3D0] =	vst v26;
	(pc) =	sbr.rel @p0 .LBB2_4-.Ltmp1, $4  }
0x184: {  	[tilespmem:s17+$0x370] =	vst v31;
	v17 =	vld.idx.msk [tilespmem:v22+s10+$0x0], $0xffff  }
0x185: {  	s20 =	sadd.s32 $0x10C, s19;
	v22 =	vor.u32 v7, v15;
	v20 =	vld.idx.msk [tilespmem:v33+s4+$0x0], $0xffff;
	[tilespmem:s17+$0x60] =	vst v29  }
0x186: {  	s19 =	sadd.s32 $0x10D, s19;
	v24 =	vor.u32 v7, v14;
	v15 =	vmov s20;
	v16 =	vld.idx.msk [tilespmem:v16+s10+$0x0], $0xffff;
	[tilespmem:s17+$0xE0] =	vst v34  }
0x187: {  	v13 =	vor.u32 v7, v13;
	v26 =	vmov s19;
	v15 =	vand.u32 $0xFFFFFFFC, v15;
	v14 =	vld.idx.msk [tilespmem:v35+s10+$0x0], $0xffff;
	[tilespmem:s17+$0x160] =	vst v27  }
0x188: {  	_ =	sdelay $0x3  }
0x189: {  	v15 =	vbroadcast v15, $0x0;
	v23 =	vld.idx.msk [tilespmem:v23+s4+$0x0], $0xffff;
	v62 =	vor.u32 v7, v12  }
0x18a: {  	v26 =	vand.u32 $0xFFFFFFFD, v26;
	v25 =	vld.idx.msk [tilespmem:v25+s10+$0x0], $0xffff;
	[tilespmem:s17+$0x1E0] =	vst v21;
	v11 =	vshll.u32 v11, $0x7  }
0x18b: {  	[tilespmem:s17+$0x260] =	vst v19;
	v26 =	vbroadcast v26, $0x0;
	v22 =	vld.idx.msk [tilespmem:v22+s10+$0x0], $0xffff;
	v28 =	vor.u32 v0, v11  }
0x18c: {  	[tilespmem:s17+$0x2E0] =	vst v18;
	v10 =	vshll.u32 v10, $0x7;
	v24 =	vld.idx.msk [tilespmem:v24+s10+$0x0], $0xffff  }
0x18d: {  	v9 =	vshll.u32 v9, $0x7;
	[tilespmem:s17+$0x3E0] =	vst v17;
	v29 =	vor.u32 v0, v10;
	v30 =	vld.idx.msk [tilespmem:v13+s10+$0x0], $0xffff  }
0x18e: {  	v31 =	vor.u32 v0, v9;
	v12 =	vshll.u32 v20, $0x7;
	v32 =	vld.idx.msk [tilespmem:v62+s10+$0x0], $0xffff  }
0x18f: {  	v8 =	vshll.u32 v8, $0x7;
	[tilespmem:s17+$0x70] =	vst v16;
	v33 =	vor.u32 v0, v12;
	v27 =	vld.idx.msk [tilespmem:v15+s4+$0x0], $0xffff  }
0x190: {  	v38 =	vor.u32 v0, v8;
	[tilespmem:s17+$0xF0] =	vst v14;
	v15 =	vshll.u32 v23, $0x7;
	v18 =	vld.idx.msk [tilespmem:v28+s10+$0x0], $0xffff  }
0x191: {  	[tilespmem:s17+$0x170] =	vst v25;
	v63 =	vld.idx.msk [tilespmem:v26+s4+$0x0], $0xffff;
	v23 =	vor.u32 v0, v15  }
0x192: {  	v40 =	vor.u32 v1, v11;
	[tilespmem:s17+$0x1F0] =	vst v22;
	v17 =	vld.idx.msk [tilespmem:v29+s10+$0x0], $0xffff  }
0x193: {  	v41 =	vor.u32 v1, v10;
	[tilespmem:s17+$0x270] =	vst v24;
	v39 =	vld.idx.msk [tilespmem:v31+s10+$0x0], $0xffff  }
0x194: {  	v42 =	vor.u32 v1, v9;
	[tilespmem:s17+$0x2F0] =	vst v30;
	v21 =	vld.idx.msk [tilespmem:v33+s10+$0x0], $0xffff  }
0x195: {  	s31 =	sadd.s32 $0x400, s17;
	v43 =	vor.u32 v1, v12;
	v44 =	vld.idx.msk [tilespmem:v38+s10+$0x0], $0xffff;
	[tilespmem:s17+$0x3F0] =	vst v32;
	v13 =	vshll.u32 v27, $0x7  }
0x196: {  	[tilespmem:s31+$0x0] =	vst v18;
	v34 =	vor.u32 v0, v13;
	v14 =	vshll.u32 v63, $0x7;
	v35 =	vld.idx.msk [tilespmem:v23+s10+$0x0], $0xffff  }
0x197: {  	[tilespmem:s31+$0x80] =	vst v17;
	v46 =	vld.idx.msk [tilespmem:v40+s10+$0x0], $0xffff;
	v36 =	vor.u32 v0, v14  }
0x198: {  	v37 =	vor.u32 v1, v15;
	[tilespmem:s31+$0x100] =	vst v39;
	v26 =	vld.idx.msk [tilespmem:v41+s10+$0x0], $0xffff  }
0x199: {  	v51 =	vor.u32 v2, v10;
	v19 =	vld.idx.msk [tilespmem:v42+s10+$0x0], $0xffff;
	[tilespmem:s31+$0x180] =	vst v21  }
0x19a: {  	v52 =	vor.u32 v2, v9;
	[tilespmem:s31+$0x380] =	vst v44;
	v18 =	vld.idx.msk [tilespmem:v43+s10+$0x0], $0xffff  }
0x19b: {  	v54 =	vor.u32 v2, v12;
	v25 =	vld.idx.msk [tilespmem:v34+s10+$0x0], $0xffff;
	[tilespmem:s31+$0x300] =	vst v35  }
0x19c: {  	v49 =	vor.u32 v1, v8;
	[tilespmem:s31+$0x10] =	vst v46;
	v22 =	vld.idx.msk [tilespmem:v36+s10+$0x0], $0xffff  }
0x19d: {  	v45 =	vor.u32 v1, v13;
	[tilespmem:s31+$0x90] =	vst v26;
	v23 =	vld.idx.msk [tilespmem:v37+s10+$0x0], $0xffff  }
0x19e: {  	v50 =	vor.u32 v2, v11;
	[tilespmem:s31+$0x110] =	vst v19;
	v57 =	vld.idx.msk [tilespmem:v51+s10+$0x0], $0xffff  }
0x19f: {  	v47 =	vor.u32 v2, v15;
	v17 =	vld.idx.msk [tilespmem:v52+s10+$0x0], $0xffff;
	[tilespmem:s31+$0x190] =	vst v18  }
0x1a0: {  	v48 =	vor.u32 v1, v14;
	v21 =	vld.idx.msk [tilespmem:v54+s10+$0x0], $0xffff;
	[tilespmem:s31+$0x200] =	vst v25  }
0x1a1: {  	v61 =	vor.u32 v3, v10;
	v25 =	vld.idx.msk [tilespmem:v49+s10+$0x0], $0xffff;
	[tilespmem:s31+$0x280] =	vst v22  }
0x1a2: {  	v29 =	vor.u32 v3, v12;
	[tilespmem:s31+$0x310] =	vst v23;
	v24 =	vld.idx.msk [tilespmem:v45+s10+$0x0], $0xffff  }
0x1a3: {  	v62 =	vor.u32 v3, v9;
	v22 =	vld.idx.msk [tilespmem:v50+s10+$0x0], $0xffff;
	[tilespmem:s31+$0xA0] =	vst v57  }
0x1a4: {  	v59 =	vor.u32 v2, v8;
	[tilespmem:s31+$0x120] =	vst v17;
	v20 =	vld.idx.msk [tilespmem:v47+s10+$0x0], $0xffff  }
0x1a5: {  	v56 =	vor.u32 v2, v13;
	v53 =	vld.idx.msk [tilespmem:v48+s10+$0x0], $0xffff;
	[tilespmem:s31+$0x1A0] =	vst v21  }
0x1a6: {  	v60 =	vor.u32 v3, v11;
	v16 =	vld.idx.msk [tilespmem:v61+s10+$0x0], $0xffff;
	[tilespmem:s31+$0x390] =	vst v25  }
0x1a7: {  	v55 =	vor.u32 v3, v15;
	v18 =	vld.idx.msk [tilespmem:v29+s10+$0x0], $0xffff;
	[tilespmem:s31+$0x210] =	vst v24  }
0x1a8: {  	v58 =	vor.u32 v2, v14;
	v25 =	vld.idx.msk [tilespmem:v62+s10+$0x0], $0xffff;
	[tilespmem:s31+$0x20] =	vst v22  }
0x1a9: {  	v35 =	vor.u32 v4, v10;
	v24 =	vld.idx.msk [tilespmem:v59+s10+$0x0], $0xffff;
	[tilespmem:s31+$0x320] =	vst v20  }
0x1aa: {  	v38 =	vor.u32 v4, v12;
	[tilespmem:s31+$0x290] =	vst v53;
	v19 =	vld.idx.msk [tilespmem:v56+s10+$0x0], $0xffff  }
0x1ab: {  	v37 =	vor.u32 v4, v9;
	v30 =	vld.idx.msk [tilespmem:v60+s10+$0x0], $0xffff;
	[tilespmem:s31+$0xB0] =	vst v16  }
0x1ac: {  	v31 =	vor.u32 v3, v13;
	v26 =	vld.idx.msk [tilespmem:v55+s10+$0x0], $0xffff;
	[tilespmem:s31+$0x1B0] =	vst v18  }
0x1ad: {  	v33 =	vor.u32 v3, v8;
	v63 =	vld.idx.msk [tilespmem:v58+s10+$0x0], $0xffff;
	[tilespmem:s31+$0x130] =	vst v25  }
0x1ae: {  	v34 =	vor.u32 v4, v11;
	v22 =	vld.idx.msk [tilespmem:v35+s10+$0x0], $0xffff;
	[tilespmem:s31+$0x3A0] =	vst v24  }
0x1af: {  	v28 =	vor.u32 v4, v15;
	v16 =	vld.idx.msk [tilespmem:v38+s10+$0x0], $0xffff;
	[tilespmem:s31+$0x220] =	vst v19  }
0x1b0: {  	v32 =	vor.u32 v3, v14;
	v17 =	vld.idx.msk [tilespmem:v37+s10+$0x0], $0xffff;
	[tilespmem:s31+$0x30] =	vst v30  }
0x1b1: {  	v44 =	vor.u32 v5, v10;
	[tilespmem:s31+$0x330] =	vst v26;
	v20 =	vld.idx.msk [tilespmem:v31+s10+$0x0], $0xffff  }
0x1b2: {  	v46 =	vor.u32 v5, v12;
	[tilespmem:s31+$0x2A0] =	vst v63;
	v26 =	vld.idx.msk [tilespmem:v33+s10+$0x0], $0xffff  }
0x1b3: {  	v45 =	vor.u32 v5, v9;
	v19 =	vld.idx.msk [tilespmem:v34+s10+$0x0], $0xffff;
	[tilespmem:s31+$0xC0] =	vst v22  }
0x1b4: {  	v39 =	vor.u32 v4, v13;
	v23 =	vld.idx.msk [tilespmem:v28+s10+$0x0], $0xffff;
	[tilespmem:s31+$0x1C0] =	vst v16  }
0x1b5: {  	v41 =	vor.u32 v4, v8;
	v21 =	vld.idx.msk [tilespmem:v32+s10+$0x0], $0xffff;
	[tilespmem:s31+$0x140] =	vst v17  }
0x1b6: {  	v42 =	vor.u32 v5, v11;
	v49 =	vld.idx.msk [tilespmem:v44+s10+$0x0], $0xffff;
	[tilespmem:s31+$0x230] =	vst v20  }
0x1b7: {  	v36 =	vor.u32 v5, v15;
	v22 =	vld.idx.msk [tilespmem:v46+s10+$0x0], $0xffff;
	[tilespmem:s31+$0x3B0] =	vst v26  }
0x1b8: {  	v40 =	vor.u32 v4, v14;
	[tilespmem:s31+$0x40] =	vst v19;
	v19 =	vld.idx.msk [tilespmem:v45+s10+$0x0], $0xffff  }
0x1b9: {  	v54 =	vor.u32 v6, v12;
	[tilespmem:s31+$0x340] =	vst v23;
	v25 =	vld.idx.msk [tilespmem:v39+s10+$0x0], $0xffff  }
0x1ba: {  	v52 =	vor.u32 v6, v10;
	[tilespmem:s31+$0x2B0] =	vst v21;
	v18 =	vld.idx.msk [tilespmem:v41+s10+$0x0], $0xffff  }
0x1bb: {  	v53 =	vor.u32 v6, v9;
	v20 =	vld.idx.msk [tilespmem:v42+s10+$0x0], $0xffff;
	[tilespmem:s31+$0xD0] =	vst v49  }
0x1bc: {  	v47 =	vor.u32 v5, v13;
	v24 =	vld.idx.msk [tilespmem:v36+s10+$0x0], $0xffff;
	[tilespmem:s31+$0x1D0] =	vst v22  }
0x1bd: {  	v50 =	vor.u32 v5, v8;
	v23 =	vld.idx.msk [tilespmem:v40+s10+$0x0], $0xffff;
	[tilespmem:s31+$0x150] =	vst v19  }
0x1be: {  	v51 =	vor.u32 v6, v11;
	v60 =	vld.idx.msk [tilespmem:v54+s10+$0x0], $0xffff;
	[tilespmem:s31+$0x240] =	vst v25  }
0x1bf: {  	v48 =	vor.u32 v5, v14;
	[tilespmem:s31+$0x3C0] =	vst v18;
	v18 =	vld.idx.msk [tilespmem:v52+s10+$0x0], $0xffff  }
0x1c0: {  	v43 =	vor.u32 v6, v15;
	[tilespmem:s31+$0x50] =	vst v20;
	v20 =	vld.idx.msk [tilespmem:v53+s10+$0x0], $0xffff  }
0x1c1: {  	v12 =	vor.u32 v7, v12;
	[tilespmem:s31+$0x350] =	vst v24;
	v24 =	vld.idx.msk [tilespmem:v47+s10+$0x0], $0xffff  }
0x1c2: {  	v10 =	vor.u32 v7, v10;
	[tilespmem:s31+$0x2C0] =	vst v23;
	v55 =	vld.idx.msk [tilespmem:v50+s10+$0x0], $0xffff  }
0x1c3: {  	v56 =	vor.u32 v6, v13;
	v57 =	vld.idx.msk [tilespmem:v51+s10+$0x0], $0xffff;
	[tilespmem:s31+$0x1E0] =	vst v60  }
0x1c4: {  	v59 =	vor.u32 v6, v8;
	v17 =	vld.idx.msk [tilespmem:v48+s10+$0x0], $0xffff;
	[tilespmem:s31+$0xE0] =	vst v18  }
0x1c5: {  	v58 =	vor.u32 v6, v14;
	v21 =	vld.idx.msk [tilespmem:v43+s10+$0x0], $0xffff;
	[tilespmem:s31+$0x160] =	vst v20  }
0x1c6: {  	v9 =	vor.u32 v7, v9;
	v12 =	vld.idx.msk [tilespmem:v12+s10+$0x0], $0xffff;
	[tilespmem:s31+$0x250] =	vst v24  }
0x1c7: {  	v11 =	vor.u32 v7, v11;
	[tilespmem:s31+$0x3D0] =	vst v55;
	v10 =	vld.idx.msk [tilespmem:v10+s10+$0x0], $0xffff  }
0x1c8: {  	v15 =	vor.u32 v7, v15;
	[tilespmem:s31+$0x60] =	vst v57;
	v16 =	vld.idx.msk [tilespmem:v56+s10+$0x0], $0xffff  }
0x1c9: {  	v13 =	vor.u32 v7, v13;
	[tilespmem:s31+$0x2D0] =	vst v17;
	v62 =	vld.idx.msk [tilespmem:v59+s10+$0x0], $0xffff  }
0x1ca: {  	v8 =	vor.u32 v7, v8;
	[tilespmem:s31+$0x360] =	vst v21;
	v61 =	vld.idx.msk [tilespmem:v58+s10+$0x0], $0xffff  }
0x1cb: {  	v14 =	vor.u32 v7, v14;
	v9 =	vld.idx.msk [tilespmem:v9+s10+$0x0], $0xffff;
	[tilespmem:s31+$0x1F0] =	vst v12  }
0x1cc: {  	v11 =	vld.idx.msk [tilespmem:v11+s10+$0x0], $0xffff;
	[tilespmem:s31+$0xF0] =	vst v10  }
0x1cd: {  	v15 =	vld.idx.msk [tilespmem:v15+s10+$0x0], $0xffff;
	[tilespmem:s31+$0x260] =	vst v16  }
0x1ce: {  	[tilespmem:s31+$0x3E0] =	vst v62;
	v13 =	vld.idx.msk [tilespmem:v13+s10+$0x0], $0xffff  }
0x1cf: {  	[tilespmem:s31+$0x2E0] =	vst v61;
	v8 =	vld.idx.msk [tilespmem:v8+s10+$0x0], $0xffff  }
0x1d0: {  	[tilespmem:s31+$0x170] =	vst v9;
	v63 =	vld.idx.msk [tilespmem:v14+s10+$0x0], $0xffff  }
0x1d1: {  	[tilespmem:s31+$0x70] =	vst v11  }
0x1d2: {  	[tilespmem:s31+$0x370] =	vst v15  }
0x1d3: {  	[tilespmem:s31+$0x270] =	vst v13  }
0x1d4: {  	[tilespmem:s31+$0x3F0] =	vst v8  }
0x1d5: {  	s18 =	simm.s32 $0x0;
	s17 =	simm.s32 $0x0;
	[tilespmem:s31+$0x2F0] =	vst v63  }
0x1d6: {  	[hbm4b:s8+s17] =	stream.linear.scatter [tilespmem:s13], [sflag:$0x2], $0x8000, $0x38;
	[tilespmem:$0x18D80] =	vst v63  }
.LBB2_6:
0x1d7: {  	s19 =	sadd.s32 $0xFFFFFFF8, s17  }
0x1d8: {  	s20 =	sadd.s32 $0x20E, s19  }
0x1d9: {  	s29 =	sadd.s32 $0x208, s19;
	v8 =	vmov s20  }
0x1da: {  	s30 =	sadd.s32 $0x209, s19;
	v9 =	vmov s29;
	v8 =	vand.u32 $0xFFFFFFFE, v8  }
0x1db: {  	v10 =	vmov s30;
	v9 =	vand.u32 $0xFFFFFFF8, v9;
	v8 =	vbroadcast v8, $0x0  }
0x1dc: {  	s21 =	sadd.s32 $0x20A, s19;
	v10 =	vand.u32 $0xFFFFFFF9, v10;
	v9 =	vbroadcast v9, $0x0  }
0x1dd: {  	s31 =	sadd.s32 $0x20B, s19;
	v11 =	vmov s21;
	v10 =	vbroadcast v10, $0x0  }
0x1de: {  	_ =	swait.ge [sflag:s14], $0x8000;
	s22 =	sadd.s32 $0x20C, s19;
	v12 =	vmov s31;
	v11 =	vand.u32 $0xFFFFFFFA, v11  }
0x1df: {  	[sflag:s14] =	ssyncset.done $0x0;
	v13 =	vmov s22;
	v12 =	vand.u32 $0xFFFFFFFB, v12;
	v11 =	vbroadcast v11, $0x0  }
0x1e0: {  	s23 =	sadd.s32 $0x20D, s19;
	[sflag:s14] =	ssyncadd.s32 $0xFFFF8000;
	v13 =	vand.u32 $0xFFFFFFFC, v13;
	v12 =	vbroadcast v12, $0x0  }
0x1e1: {  	v14 =	vmov s23;
	v13 =	vbroadcast v13, $0x0;
	v8 =	vld.idx.msk [tilespmem:v8+s4+$0x0], $0xffff  }
0x1e2: {  	s19 =	sadd.s32 $0x20F, s19;
	v14 =	vand.u32 $0xFFFFFFFD, v14;
	v9 =	vld.idx.msk [tilespmem:v9+s4+$0x0], $0xffff  }
0x1e3: {  	v17 =	vmov s19;
	v16 =	vbroadcast v14, $0x0;
	v10 =	vld.idx.msk [tilespmem:v10+s4+$0x0], $0xffff;
	_ =	sdelay $0x1  }
0x1e4: {  	v11 =	vld.idx.msk [tilespmem:v11+s4+$0x0], $0xffff  }
0x1e5: {  	v18 =	vld.idx.msk [tilespmem:v12+s4+$0x0], $0xffff  }
0x1e6: {  	v19 =	vld.idx.msk [tilespmem:v13+s4+$0x0], $0xffff;
	v15 =	vshll.u32 v8, $0x7  }
0x1e7: {  	v14 =	vshll.u32 v9, $0x7;
	v13 =	vshll.u32 v10, $0x7;
	v10 =	vld.idx.msk [tilespmem:v17+s4+$0x0], $0xffff;
	v8 =	vor.u32 v0, v15  }
0x1e8: {  	v16 =	vld.idx.msk [tilespmem:v16+s4+$0x0], $0xffff;
	v20 =	vor.u32 v0, v14  }
0x1e9: {  	v12 =	vshll.u32 v11, $0x7;
	v17 =	vor.u32 v0, v13  }
0x1ea: {  	v9 =	vshll.u32 v18, $0x7;
	v21 =	vor.u32 v0, v12  }
0x1eb: {  	v11 =	vshll.u32 v19, $0x7;
	v22 =	vor.u32 v0, v9  }
0x1ec: {  	v23 =	vor.u32 v0, v11;
	v10 =	vshll.u32 v10, $0x7;
	v18 =	vld.idx.msk [tilespmem:v8+s10+$0x0], $0xffff  }
0x1ed: {  	v8 =	vshll.u32 v16, $0x7;
	v16 =	vld.idx.msk [tilespmem:v20+s10+$0x0], $0xffff;
	v24 =	vor.u32 v0, v10  }
0x1ee: {  	v19 =	vor.u32 v1, v15;
	v17 =	vld.idx.msk [tilespmem:v17+s10+$0x0], $0xffff  }
0x1ef: {  	v21 =	vld.idx.msk [tilespmem:v21+s10+$0x0], $0xffff;
	v20 =	vor.u32 v0, v8  }
0x1f0: {  	s20 =	simm.s32 $0x8F80;
	v25 =	vor.u32 v1, v14;
	v22 =	vld.idx.msk [tilespmem:v22+s10+$0x0], $0xffff  }
0x1f1: {  	v26 =	vor.u32 v1, v12;
	v23 =	vld.idx.msk [tilespmem:v23+s10+$0x0], $0xffff;
	[tilespmem:s20+$0x100] =	vst v18  }
0x1f2: {  	v28 =	vor.u32 v1, v9;
	[tilespmem:s20+$0xFFFFFE00] =	vst v16;
	v16 =	vld.idx.msk [tilespmem:v24+s10+$0x0], $0xffff  }
0x1f3: {  	v18 =	vor.u32 v1, v13;
	v19 =	vld.idx.msk [tilespmem:v19+s10+$0x0], $0xffff  }
0x1f4: {  	v24 =	vor.u32 v1, v11;
	[tilespmem:s20+$0xFFFFFE80] =	vst v17;
	v20 =	vld.idx.msk [tilespmem:v20+s10+$0x0], $0xffff  }
0x1f5: {  	v27 =	vor.u32 v2, v15;
	[tilespmem:s20+$0xFFFFFF00] =	vst v21;
	v17 =	vld.idx.msk [tilespmem:v25+s10+$0x0], $0xffff  }
0x1f6: {  	[tilespmem:s20+$0xFFFFFF80] =	vst v22;
	v25 =	vor.u32 v1, v8;
	v26 =	vld.idx.msk [tilespmem:v26+s10+$0x0], $0xffff  }
0x1f7: {  	v21 =	vor.u32 v1, v10;
	[tilespmem:s20+$0x0] =	vst v23;
	v23 =	vld.idx.msk [tilespmem:v28+s10+$0x0], $0xffff  }
0x1f8: {  	v28 =	vor.u32 v2, v12;
	v18 =	vld.idx.msk [tilespmem:v18+s10+$0x0], $0xffff;
	[tilespmem:s20+$0x110] =	vst v19  }
0x1f9: {  	v19 =	vor.u32 v2, v14;
	[tilespmem:s20+$0x80] =	vst v20;
	v20 =	vld.idx.msk [tilespmem:v24+s10+$0x0], $0xffff  }
0x1fa: {  	[tilespmem:s20+$0x180] =	vst v16;
	v22 =	vld.idx.msk [tilespmem:v27+s10+$0x0], $0xffff;
	v27 =	vor.u32 v2, v13  }
0x1fb: {  	[tilespmem:s20+$0xFFFFFE10] =	vst v17;
	v16 =	vld.idx.msk [tilespmem:v25+s10+$0x0], $0xffff;
	v25 =	vor.u32 v2, v9  }
0x1fc: {  	v17 =	vld.idx.msk [tilespmem:v21+s10+$0x0], $0xffff;
	v21 =	vor.u32 v2, v11;
	[tilespmem:s20+$0xFFFFFF10] =	vst v26  }
0x1fd: {  	v24 =	vor.u32 v3, v15;
	[tilespmem:s20+$0xFFFFFF90] =	vst v23;
	v23 =	vld.idx.msk [tilespmem:v28+s10+$0x0], $0xffff  }
0x1fe: {  	[tilespmem:s20+$0xFFFFFE90] =	vst v18;
	v18 =	vld.idx.msk [tilespmem:v19+s10+$0x0], $0xffff  }
0x1ff: {  	v19 =	vor.u32 v2, v8;
	[tilespmem:s20+$0x10] =	vst v20;
	v27 =	vld.idx.msk [tilespmem:v27+s10+$0x0], $0xffff  }
0x200: {  	[tilespmem:s20+$0x120] =	vst v22;
	v22 =	vor.u32 v2, v10;
	v20 =	vld.idx.msk [tilespmem:v25+s10+$0x0], $0xffff  }
0x201: {  	v26 =	vor.u32 v3, v14;
	[tilespmem:s20+$0x90] =	vst v16;
	v16 =	vld.idx.msk [tilespmem:v21+s10+$0x0], $0xffff  }
0x202: {  	[tilespmem:s20+$0x190] =	vst v17;
	v21 =	vor.u32 v3, v12;
	v24 =	vld.idx.msk [tilespmem:v24+s10+$0x0], $0xffff  }
0x203: {  	v28 =	vor.u32 v3, v13;
	[tilespmem:s20+$0xFFFFFF20] =	vst v23  }
0x204: {  	v25 =	vor.u32 v4, v15;
	v17 =	vld.idx.msk [tilespmem:v19+s10+$0x0], $0xffff;
	[tilespmem:s20+$0xFFFFFE20] =	vst v18  }
0x205: {  	v19 =	vor.u32 v3, v9;
	v18 =	vld.idx.msk [tilespmem:v22+s10+$0x0], $0xffff;
	[tilespmem:s20+$0xFFFFFEA0] =	vst v27  }
0x206: {  	v22 =	vor.u32 v3, v11;
	v26 =	vld.idx.msk [tilespmem:v26+s10+$0x0], $0xffff;
	[tilespmem:s20+$0xFFFFFFA0] =	vst v20  }
0x207: {  	v20 =	vld.idx.msk [tilespmem:v21+s10+$0x0], $0xffff;
	[tilespmem:s20+$0x130] =	vst v24;
	v24 =	vor.u32 v3, v8  }
0x208: {  	v23 =	vld.idx.msk [tilespmem:v28+s10+$0x0], $0xffff;
	v28 =	vor.u32 v4, v14  }
0x209: {  	v27 =	vor.u32 v3, v10;
	[tilespmem:s20+$0x20] =	vst v16;
	v25 =	vld.idx.msk [tilespmem:v25+s10+$0x0], $0xffff  }
0x20a: {  	v21 =	vor.u32 v5, v15;
	v16 =	vld.idx.msk [tilespmem:v19+s10+$0x0], $0xffff;
	[tilespmem:s20+$0xA0] =	vst v17  }
0x20b: {  	v19 =	vor.u32 v4, v13;
	v17 =	vld.idx.msk [tilespmem:v22+s10+$0x0], $0xffff;
	[tilespmem:s20+$0x1A0] =	vst v18  }
0x20c: {  	v22 =	vor.u32 v4, v12;
	[tilespmem:s20+$0xFFFFFE30] =	vst v26;
	v18 =	vld.idx.msk [tilespmem:v24+s10+$0x0], $0xffff  }
0x20d: {  	v24 =	vor.u32 v4, v9;
	[tilespmem:s20+$0xFFFFFEB0] =	vst v23;
	v23 =	vld.idx.msk [tilespmem:v28+s10+$0x0], $0xffff  }
0x20e: {  	[tilespmem:s20+$0x140] =	vst v25;
	v25 =	vld.idx.msk [tilespmem:v27+s10+$0x0], $0xffff;
	v27 =	vor.u32 v4, v11  }
0x20f: {  	v26 =	vor.u32 v4, v8;
	[tilespmem:s20+$0xFFFFFF30] =	vst v20;
	v21 =	vld.idx.msk [tilespmem:v21+s10+$0x0], $0xffff  }
0x210: {  	v28 =	vor.u32 v4, v10;
	v19 =	vld.idx.msk [tilespmem:v19+s10+$0x0], $0xffff;
	[tilespmem:s20+$0xFFFFFFB0] =	vst v16  }
0x211: {  	v20 =	vor.u32 v6, v15;
	v16 =	vld.idx.msk [tilespmem:v22+s10+$0x0], $0xffff;
	[tilespmem:s20+$0x30] =	vst v17  }
0x212: {  	v22 =	vor.u32 v5, v14;
	v17 =	vld.idx.msk [tilespmem:v24+s10+$0x0], $0xffff;
	[tilespmem:s20+$0xB0] =	vst v18  }
0x213: {  	v24 =	vor.u32 v5, v13;
	[tilespmem:s20+$0xFFFFFE40] =	vst v23;
	v18 =	vld.idx.msk [tilespmem:v27+s10+$0x0], $0xffff  }
0x214: {  	v27 =	vor.u32 v5, v12;
	v26 =	vld.idx.msk [tilespmem:v26+s10+$0x0], $0xffff;
	[tilespmem:s20+$0x1B0] =	vst v25  }
0x215: {  	[tilespmem:s20+$0x150] =	vst v21;
	v21 =	vor.u32 v5, v9;
	v23 =	vld.idx.msk [tilespmem:v28+s10+$0x0], $0xffff  }
0x216: {  	v25 =	vor.u32 v5, v11;
	v20 =	vld.idx.msk [tilespmem:v20+s10+$0x0], $0xffff;
	[tilespmem:s20+$0xFFFFFEC0] =	vst v19  }
0x217: {  	v15 =	vor.u32 v7, v15;
	v19 =	vld.idx.msk [tilespmem:v22+s10+$0x0], $0xffff;
	[tilespmem:s20+$0xFFFFFF40] =	vst v16  }
0x218: {  	v22 =	vor.u32 v5, v8;
	v16 =	vld.idx.msk [tilespmem:v24+s10+$0x0], $0xffff;
	[tilespmem:s20+$0xFFFFFFC0] =	vst v17  }
0x219: {  	v24 =	vor.u32 v5, v10;
	v17 =	vld.idx.msk [tilespmem:v27+s10+$0x0], $0xffff;
	[tilespmem:s20+$0x40] =	vst v18  }
0x21a: {  	v27 =	vor.u32 v6, v14;
	[tilespmem:s20+$0xC0] =	vst v26;
	v18 =	vld.idx.msk [tilespmem:v21+s10+$0x0], $0xffff  }
0x21b: {  	v21 =	vor.u32 v6, v13;
	v25 =	vld.idx.msk [tilespmem:v25+s10+$0x0], $0xffff;
	[tilespmem:s20+$0x160] =	vst v20  }
0x21c: {  	[tilespmem:s20+$0x1C0] =	vst v23;
	v20 =	vor.u32 v6, v12;
	v26 =	vld.idx.msk [tilespmem:v15+s10+$0x0], $0xffff  }
0x21d: {  	s24 =	sadd.s32 $0x0, s17;
	v23 =	vor.u32 v6, v11;
	v22 =	vld.idx.msk [tilespmem:v22+s10+$0x0], $0xffff;
	[tilespmem:s20+$0xFFFFFE50] =	vst v19  }
0x21e: {  	s25 =	sadd.s32 $0x20E, s24;
	v15 =	vor.u32 v6, v9;
	v19 =	vld.idx.msk [tilespmem:v24+s10+$0x0], $0xffff;
	[tilespmem:s20+$0xFFFFFED0] =	vst v16  }
0x21f: {  	v24 =	vor.u32 v6, v8;
	v16 =	vmov s25;
	v27 =	vld.idx.msk [tilespmem:v27+s10+$0x0], $0xffff;
	[tilespmem:s20+$0xFFFFFF50] =	vst v17  }
0x220: {  	v28 =	vor.u32 v6, v10;
	v16 =	vand.u32 $0xFFFFFFFE, v16;
	v17 =	vld.idx.msk [tilespmem:v21+s10+$0x0], $0xffff;
	[tilespmem:s20+$0xFFFFFFD0] =	vst v18  }
0x221: {  	v14 =	vor.u32 v7, v14;
	v16 =	vbroadcast v16, $0x0;
	[tilespmem:s20+$0x50] =	vst v25;
	v18 =	vld.idx.msk [tilespmem:v20+s10+$0x0], $0xffff  }
0x222: {  	s26 =	sadd.s32 $0x208, s24;
	v23 =	vld.idx.msk [tilespmem:v23+s10+$0x0], $0xffff  }
0x223: {  	s28 =	sadd.s32 $0x209, s24;
	v13 =	vor.u32 v7, v13;
	v11 =	vor.u32 v7, v11;
	v20 =	vmov s26;
	v15 =	vld.idx.msk [tilespmem:v15+s10+$0x0], $0xffff;
	[tilespmem:s20+$0xD0] =	vst v22  }
0x224: {  	s22 =	sadd.s32 $0x20A, s24;
	v12 =	vor.u32 v7, v12;
	v21 =	vmov s28;
	v20 =	vand.u32 $0xFFFFFFF8, v20;
	v24 =	vld.idx.msk [tilespmem:v24+s10+$0x0], $0xffff;
	[tilespmem:s20+$0x1D0] =	vst v19  }
0x225: {  	s29 =	sadd.s32 $0x20B, s24;
	v21 =	vand.u32 $0xFFFFFFF9, v21;
	v22 =	vmov s22;
	v20 =	vbroadcast v20, $0x0;
	[tilespmem:s20+$0xFFFFFE60] =	vst v27;
	v25 =	vld.idx.msk [tilespmem:v28+s10+$0x0], $0xffff  }
0x226: {  	s30 =	sadd.s32 $0x20C, s24;
	v21 =	vbroadcast v21, $0x0;
	v19 =	vmov s29;
	v22 =	vand.u32 $0xFFFFFFFA, v22;
	v28 =	vld.idx.msk [tilespmem:v14+s10+$0x0], $0xffff  }
0x227: {  	s31 =	sadd.s32 $0x20D, s24;
	v27 =	vmov s30;
	v19 =	vand.u32 $0xFFFFFFFB, v19;
	v22 =	vbroadcast v22, $0x0;
	[tilespmem:s20+$0xFFFFFEE0] =	vst v17;
	v16 =	vld.idx.msk [tilespmem:v16+s4+$0x0], $0xffff  }
0x228: {  	v14 =	vmov s31;
	v27 =	vand.u32 $0xFFFFFFFC, v27;
	v19 =	vbroadcast v19, $0x0;
	[tilespmem:s20+$0xFFFFFF60] =	vst v18;
	v18 =	vld.idx.msk [tilespmem:v13+s10+$0x0], $0xffff  }
0x229: {  	v14 =	vand.u32 $0xFFFFFFFD, v14;
	v17 =	vbroadcast v27, $0x0;
	[tilespmem:s20+$0x60] =	vst v23;
	v27 =	vld.idx.msk [tilespmem:v12+s10+$0x0], $0xffff  }
0x22a: {  	v30 =	vor.u32 v7, v8;
	v13 =	vbroadcast v14, $0x0;
	v8 =	vld.idx.msk [tilespmem:v11+s10+$0x0], $0xffff  }
0x22b: {  	v14 =	vld.idx.msk [tilespmem:v20+s4+$0x0], $0xffff  }
0x22c: {  	s19 =	sadd.s32 $0x20F, s24;
	v9 =	vor.u32 v7, v9;
	v21 =	vld.idx.msk [tilespmem:v21+s4+$0x0], $0xffff  }
0x22d: {  	v20 =	vmov s19;
	v22 =	vld.idx.msk [tilespmem:v22+s4+$0x0], $0xffff  }
0x22e: {  	v19 =	vld.idx.msk [tilespmem:v19+s4+$0x0], $0xffff;
	v12 =	vshll.u32 v16, $0x7  }
0x22f: {  	v17 =	vld.idx.msk [tilespmem:v17+s4+$0x0], $0xffff;
	v29 =	vor.u32 v0, v12  }
0x230: {  	v32 =	vor.u32 v7, v10;
	[tilespmem:s20+$0xFFFFFFE0] =	vst v15;
	v31 =	vld.idx.msk [tilespmem:v13+s4+$0x0], $0xffff;
	v13 =	vshll.u32 v14, $0x7  }
0x231: {  	v9 =	vld.idx.msk [tilespmem:v9+s10+$0x0], $0xffff;
	v14 =	vshll.u32 v21, $0x7;
	v23 =	vor.u32 v0, v13  }
0x232: {  	[tilespmem:s20+$0xE0] =	vst v24;
	v20 =	vld.idx.msk [tilespmem:v20+s4+$0x0], $0xffff;
	v21 =	vor.u32 v0, v14;
	v15 =	vshll.u32 v22, $0x7  }
0x233: {  	v10 =	vld.idx.msk [tilespmem:v30+s10+$0x0], $0xffff;
	v22 =	vor.u32 v0, v15;
	v16 =	vshll.u32 v19, $0x7  }
0x234: {  	[tilespmem:s20+$0x1E0] =	vst v25;
	v19 =	vld.idx.msk [tilespmem:v29+s10+$0x0], $0xffff;
	v24 =	vor.u32 v0, v16  }
0x235: {  	v11 =	vld.idx.msk [tilespmem:v32+s10+$0x0], $0xffff;
	v30 =	vshll.u32 v17, $0x7;
	v17 =	vor.u32 v1, v12  }
0x236: {  	v25 =	vor.u32 v0, v30;
	v29 =	vshll.u32 v31, $0x7;
	v23 =	vld.idx.msk [tilespmem:v23+s10+$0x0], $0xffff  }
0x237: {  	[tilespmem:s20+$0x170] =	vst v26;
	v26 =	vor.u32 v0, v29;
	v31 =	vshll.u32 v20, $0x7;
	v20 =	vld.idx.msk [tilespmem:v21+s10+$0x0], $0xffff  }
0x238: {  	s21 =	simm.s32 $0x9380;
	[tilespmem:s20+$0xFFFFFE70] =	vst v28;
	v21 =	vor.u32 v0, v31;
	v22 =	vld.idx.msk [tilespmem:v22+s10+$0x0], $0xffff  }
0x239: {  	v28 =	vor.u32 v1, v13;
	v24 =	vld.idx.msk [tilespmem:v24+s10+$0x0], $0xffff;
	[tilespmem:s21+$0x100] =	vst v19  }
0x23a: {  	[tilespmem:s20+$0xFFFFFEF0] =	vst v18;
	v18 =	vor.u32 v1, v14;
	v17 =	vld.idx.msk [tilespmem:v17+s10+$0x0], $0xffff  }
0x23b: {  	[tilespmem:s20+$0xFFFFFF70] =	vst v27;
	v19 =	vor.u32 v1, v15;
	v25 =	vld.idx.msk [tilespmem:v25+s10+$0x0], $0xffff  }
0x23c: {  	v27 =	vor.u32 v1, v16;
	[tilespmem:s21+$0xFFFFFE00] =	vst v23;
	v23 =	vld.idx.msk [tilespmem:v26+s10+$0x0], $0xffff  }
0x23d: {  	v26 =	vor.u32 v2, v12;
	[tilespmem:s21+$0xFFFFFE80] =	vst v20;
	v20 =	vld.idx.msk [tilespmem:v21+s10+$0x0], $0xffff  }
0x23e: {  	v21 =	vor.u32 v1, v30;
	v28 =	vld.idx.msk [tilespmem:v28+s10+$0x0], $0xffff;
	[tilespmem:s21+$0xFFFFFF00] =	vst v22  }
0x23f: {  	v22 =	vor.u32 v1, v29;
	v18 =	vld.idx.msk [tilespmem:v18+s10+$0x0], $0xffff;
	[tilespmem:s21+$0xFFFFFF80] =	vst v24  }
0x240: {  	v24 =	vor.u32 v1, v31;
	v19 =	vld.idx.msk [tilespmem:v19+s10+$0x0], $0xffff;
	[tilespmem:s21+$0x110] =	vst v17  }
0x241: {  	v17 =	vor.u32 v2, v13;
	[tilespmem:s21+$0x0] =	vst v25;
	v27 =	vld.idx.msk [tilespmem:v27+s10+$0x0], $0xffff  }
0x242: {  	v25 =	vld.idx.msk [tilespmem:v26+s10+$0x0], $0xffff;
	v26 =	vor.u32 v2, v14;
	[tilespmem:s21+$0x80] =	vst v23  }
0x243: {  	v21 =	vld.idx.msk [tilespmem:v21+s10+$0x0], $0xffff;
	[tilespmem:s21+$0x180] =	vst v20;
	v20 =	vor.u32 v2, v15  }
0x244: {  	v23 =	vor.u32 v3, v12;
	[tilespmem:s21+$0xFFFFFE10] =	vst v28;
	v22 =	vld.idx.msk [tilespmem:v22+s10+$0x0], $0xffff  }
0x245: {  	v28 =	vor.u32 v2, v16;
	[tilespmem:s21+$0xFFFFFE90] =	vst v18;
	v18 =	vld.idx.msk [tilespmem:v24+s10+$0x0], $0xffff  }
0x246: {  	v24 =	vor.u32 v2, v30;
	[tilespmem:s21+$0xFFFFFF10] =	vst v19;
	v17 =	vld.idx.msk [tilespmem:v17+s10+$0x0], $0xffff  }
0x247: {  	v19 =	vor.u32 v2, v29;
	[tilespmem:s21+$0xFFFFFF90] =	vst v27;
	v26 =	vld.idx.msk [tilespmem:v26+s10+$0x0], $0xffff  }
0x248: {  	v27 =	vor.u32 v3, v13;
	[tilespmem:s21+$0x120] =	vst v25;
	v20 =	vld.idx.msk [tilespmem:v20+s10+$0x0], $0xffff  }
0x249: {  	v25 =	vor.u32 v2, v31;
	[tilespmem:s21+$0x10] =	vst v21;
	v23 =	vld.idx.msk [tilespmem:v23+s10+$0x0], $0xffff  }
0x24a: {  	v21 =	vld.idx.msk [tilespmem:v28+s10+$0x0], $0xffff;
	[tilespmem:s21+$0x90] =	vst v22;
	v28 =	vor.u32 v3, v14  }
0x24b: {  	v22 =	vor.u32 v4, v12;
	v24 =	vld.idx.msk [tilespmem:v24+s10+$0x0], $0xffff;
	[tilespmem:s21+$0x190] =	vst v18  }
0x24c: {  	v18 =	vor.u32 v3, v15;
	[tilespmem:s21+$0xFFFFFE20] =	vst v17;
	v17 =	vld.idx.msk [tilespmem:v19+s10+$0x0], $0xffff  }
0x24d: {  	v19 =	vor.u32 v3, v16;
	v27 =	vld.idx.msk [tilespmem:v27+s10+$0x0], $0xffff;
	[tilespmem:s21+$0xFFFFFEA0] =	vst v26  }
0x24e: {  	v25 =	vld.idx.msk [tilespmem:v25+s10+$0x0], $0xffff;
	v26 =	vor.u32 v3, v30;
	[tilespmem:s21+$0xFFFFFF20] =	vst v20  }
0x24f: {  	[tilespmem:s21+$0x130] =	vst v23;
	v23 =	vor.u32 v3, v29;
	v28 =	vld.idx.msk [tilespmem:v28+s10+$0x0], $0xffff  }
0x250: {  	[tilespmem:s21+$0xFFFFFFA0] =	vst v21;
	v20 =	vld.idx.msk [tilespmem:v22+s10+$0x0], $0xffff;
	v22 =	vor.u32 v3, v31  }
0x251: {  	v18 =	vld.idx.msk [tilespmem:v18+s10+$0x0], $0xffff;
	[tilespmem:s21+$0x20] =	vst v24;
	v24 =	vor.u32 v4, v13  }
0x252: {  	v21 =	vor.u32 v5, v12;
	v19 =	vld.idx.msk [tilespmem:v19+s10+$0x0], $0xffff;
	[tilespmem:s21+$0xA0] =	vst v17  }
0x253: {  	v17 =	vor.u32 v4, v14;
	[tilespmem:s21+$0xFFFFFE30] =	vst v27;
	v26 =	vld.idx.msk [tilespmem:v26+s10+$0x0], $0xffff  }
0x254: {  	v27 =	vor.u32 v4, v16;
	[tilespmem:s21+$0x1A0] =	vst v25;
	v23 =	vld.idx.msk [tilespmem:v23+s10+$0x0], $0xffff  }
0x255: {  	v25 =	vor.u32 v4, v15;
	[tilespmem:s21+$0x140] =	vst v20;
	v20 =	vld.idx.msk [tilespmem:v22+s10+$0x0], $0xffff  }
0x256: {  	[tilespmem:s21+$0xFFFFFEB0] =	vst v28;
	v22 =	vor.u32 v4, v30;
	v24 =	vld.idx.msk [tilespmem:v24+s10+$0x0], $0xffff  }
0x257: {  	v28 =	vor.u32 v4, v29;
	[tilespmem:s21+$0xFFFFFF30] =	vst v18;
	v21 =	vld.idx.msk [tilespmem:v21+s10+$0x0], $0xffff  }
0x258: {  	v17 =	vld.idx.msk [tilespmem:v17+s10+$0x0], $0xffff;
	[tilespmem:s21+$0xFFFFFFB0] =	vst v19;
	v19 =	vor.u32 v4, v31  }
0x259: {  	v18 =	vor.u32 v6, v12;
	v36 =	vld.idx.msk [tilespmem:v27+s10+$0x0], $0xffff;
	[tilespmem:s21+$0x30] =	vst v26  }
0x25a: {  	v44 =	vor.u32 v7, v12;
	v33 =	vor.u32 v5, v13;
	v63 =	vld.idx.msk [tilespmem:v25+s10+$0x0], $0xffff;
	[tilespmem:s21+$0xB0] =	vst v23  }
0x25b: {  	v35 =	vor.u32 v5, v14;
	v37 =	vor.u32 v5, v15;
	v39 =	vld.idx.msk [tilespmem:v22+s10+$0x0], $0xffff;
	[tilespmem:s21+$0x1B0] =	vst v20  }
0x25c: {  	v38 =	vor.u32 v5, v16;
	v40 =	vor.u32 v5, v30;
	v41 =	vld.idx.msk [tilespmem:v28+s10+$0x0], $0xffff;
	[tilespmem:s21+$0xFFFFFE40] =	vst v24  }
0x25d: {  	v12 =	vor.u32 v7, v31;
	v27 =	vor.u32 v5, v29;
	[tilespmem:s21+$0x150] =	vst v21;
	v43 =	vld.idx.msk [tilespmem:v19+s10+$0x0], $0xffff  }
0x25e: {  	v26 =	vor.u32 v6, v13;
	v25 =	vor.u32 v6, v14;
	[tilespmem:s21+$0xFFFFFEC0] =	vst v17;
	v42 =	vld.idx.msk [tilespmem:v18+s10+$0x0], $0xffff  }
0x25f: {  	v23 =	vor.u32 v6, v16;
	v28 =	vor.u32 v5, v31;
	v34 =	vld.idx.msk [tilespmem:v33+s10+$0x0], $0xffff;
	[tilespmem:s21+$0xFFFFFFC0] =	vst v36  }
0x260: {  	v24 =	vor.u32 v6, v15;
	v22 =	vor.u32 v6, v30;
	v35 =	vld.idx.msk [tilespmem:v35+s10+$0x0], $0xffff;
	[tilespmem:s21+$0xFFFFFF40] =	vst v63  }
0x261: {  	v20 =	vor.u32 v6, v31;
	v21 =	vor.u32 v6, v29;
	v32 =	vld.idx.msk [tilespmem:v38+s10+$0x0], $0xffff;
	[tilespmem:s21+$0x40] =	vst v39  }
0x262: {  	v19 =	vor.u32 v7, v13;
	v17 =	vor.u32 v7, v14;
	v33 =	vld.idx.msk [tilespmem:v37+s10+$0x0], $0xffff;
	[tilespmem:s21+$0xC0] =	vst v41  }
0x263: {  	s19 =	sshll.u32 s18, $0x1;
	v18 =	vor.u32 v7, v15;
	v15 =	vor.u32 v7, v16;
	v16 =	vld.idx.msk [tilespmem:v40+s10+$0x0], $0xffff;
	[tilespmem:s21+$0x160] =	vst v42  }
0x264: {  	s23 =	simm.s32 $0x8;
	s22 =	sadd.s32 $0x2, s19;
	v14 =	vor.u32 v7, v30;
	v13 =	vor.u32 v7, v29;
	[tilespmem:s21+$0x1C0] =	vst v43;
	v29 =	vld.idx.msk [tilespmem:v44+s10+$0x0], $0xffff  }
.LBB2_7:
0x265: {  	s24 =	sadd.s32 s23, s17;
	s23 =	sadd.s32 $0x8, s23;
	[tilespmem:s21+$0xFFFFFE50] =	vst v34;
	v27 =	vld.idx.msk [tilespmem:v27+s10+$0x0], $0xffff  }
0x266: {  	s25 =	sadd.s32 $0x208, s24;
	s26 =	sadd.s32 $0x20E, s24;
	p0 =	slt.u32 s23, $0xF8;
	[tilespmem:s21+$0xFFFFFED0] =	vst v35;
	v28 =	vld.idx.msk [tilespmem:v28+s10+$0x0], $0xffff  }
0x267: {  	s28 =	sadd.s32 $0x20A, s24;
	s29 =	sadd.s32 $0x20B, s24;
	v30 =	vmov s25;
	s25 =	sadd.s32 $0x209, s24;
	v31 =	vmov s26;
	v26 =	vld.idx.msk [tilespmem:v26+s10+$0x0], $0xffff;
	[tilespmem:s21+$0xFFFFFF50] =	vst v33  }
0x268: {  	v34 =	vmov s28;
	s26 =	sadd.s32 $0x20D, s24;
	v33 =	vmov s25;
	s25 =	sadd.s32 $0x20C, s24;
	v31 =	vand.u32 $0xFFFFFFFE, v31;
	s24 =	sadd.s32 $0x20F, s24;
	v25 =	vld.idx.msk [tilespmem:v25+s10+$0x0], $0xffff;
	[tilespmem:s21+$0xFFFFFFD0] =	vst v32  }
0x269: {  	v32 =	vmov s29;
	v35 =	vmov s25;
	v31 =	vbroadcast v31, $0x0;
	v24 =	vld.idx.msk [tilespmem:v24+s10+$0x0], $0xffff;
	[tilespmem:s21+$0x50] =	vst v16  }
0x26a: {  	v16 =	vand.u32 $0xFFFFFFF8, v30;
	v30 =	vand.u32 $0xFFFFFFF9, v33;
	v33 =	vmov s26;
	v23 =	vld.idx.msk [tilespmem:v23+s10+$0x0], $0xffff;
	[tilespmem:s21+$0x170] =	vst v29  }
0x26b: {  	v32 =	vand.u32 $0xFFFFFFFB, v32;
	v29 =	vand.u32 $0xFFFFFFFA, v34;
	v34 =	vand.u32 $0xFFFFFFFC, v35;
	v22 =	vld.idx.msk [tilespmem:v22+s10+$0x0], $0xffff;
	[tilespmem:s21+$0xD0] =	vst v27  }
0x26c: {  	v16 =	vbroadcast v16, $0x0;
	v27 =	vbroadcast v30, $0x0;
	v30 =	vand.u32 $0xFFFFFFFD, v33;
	v21 =	vld.idx.msk [tilespmem:v21+s10+$0x0], $0xffff;
	[tilespmem:s21+$0x1D0] =	vst v28  }
0x26d: {  	v28 =	vbroadcast v29, $0x0;
	v29 =	vbroadcast v32, $0x0;
	v32 =	vmov s24;
	[tilespmem:s21+$0xFFFFFE60] =	vst v26;
	v20 =	vld.idx.msk [tilespmem:v20+s10+$0x0], $0xffff  }
0x26e: {  	v30 =	vbroadcast v30, $0x0;
	v26 =	vbroadcast v34, $0x0;
	v19 =	vld.idx.msk [tilespmem:v19+s10+$0x0], $0xffff;
	[tilespmem:s21+$0xFFFFFEE0] =	vst v25  }
0x26f: {  	v25 =	vld.idx.msk [tilespmem:v31+s4+$0x0], $0xffff;
	[tilespmem:s21+$0xFFFFFF60] =	vst v24  }
0x270: {  	v17 =	vld.idx.msk [tilespmem:v17+s10+$0x0], $0xffff;
	[tilespmem:s21+$0xFFFFFFE0] =	vst v23  }
0x271: {  	v18 =	vld.idx.msk [tilespmem:v18+s10+$0x0], $0xffff;
	[tilespmem:s21+$0x60] =	vst v22  }
0x272: {  	v22 =	vld.idx.msk [tilespmem:v16+s4+$0x0], $0xffff;
	[tilespmem:s21+$0xE0] =	vst v21  }
0x273: {  	v21 =	vld.idx.msk [tilespmem:v27+s4+$0x0], $0xffff;
	[tilespmem:s21+$0x1E0] =	vst v20  }
0x274: {  	v20 =	vld.idx.msk [tilespmem:v28+s4+$0x0], $0xffff;
	[tilespmem:s21+$0xFFFFFE70] =	vst v19  }
0x275: {  	v16 =	vshll.u32 v25, $0x7;
	v19 =	vld.idx.msk [tilespmem:v29+s4+$0x0], $0xffff;
	[tilespmem:s20+$0xFFFFFFF0] =	vst v9  }
0x276: {  	v24 =	vor.u32 v0, v16;
	v23 =	vld.idx.msk [tilespmem:v26+s4+$0x0], $0xffff;
	[tilespmem:s21+$0xFFFFFEF0] =	vst v17  }
0x277: {  	v17 =	vld.idx.msk [tilespmem:v30+s4+$0x0], $0xffff;
	[tilespmem:s21+$0xFFFFFF70] =	vst v18  }
0x278: {  	v18 =	vshll.u32 v22, $0x7;
	v22 =	vld.idx.msk [tilespmem:v32+s4+$0x0], $0xffff;
	[tilespmem:s20+$0x70] =	vst v8  }
0x279: {  	v25 =	vor.u32 v0, v18;
	v26 =	vor.u32 v1, v18;
	v29 =	vshll.u32 v21, $0x7;
	v9 =	vld.idx.msk [tilespmem:v15+s10+$0x0], $0xffff;
	[tilespmem:s20+$0xF0] =	vst v10  }
0x27a: {  	v15 =	vor.u32 v0, v29;
	v21 =	vor.u32 v1, v29;
	v30 =	vshll.u32 v20, $0x7;
	v8 =	vld.idx.msk [tilespmem:v14+s10+$0x0], $0xffff;
	[tilespmem:s20+$0x1F0] =	vst v11;
	s20 =	smov.u32 s21  }
0x27b: {  	v14 =	vor.u32 v0, v30;
	v20 =	vor.u32 v1, v30;
	v31 =	vshll.u32 v19, $0x7;
	v19 =	vld.idx.msk [tilespmem:v24+s10+$0x0], $0xffff  }
0x27c: {  	v24 =	vor.u32 v0, v31;
	v27 =	vor.u32 v1, v31;
	v32 =	vshll.u32 v23, $0x7;
	v10 =	vld.idx.msk [tilespmem:v13+s10+$0x0], $0xffff  }
0x27d: {  	v13 =	vor.u32 v0, v32;
	v33 =	vshll.u32 v17, $0x7;
	v17 =	vor.u32 v1, v16;
	v11 =	vld.idx.msk [tilespmem:v12+s10+$0x0], $0xffff  }
0x27e: {  	v23 =	vor.u32 v1, v32;
	v34 =	vshll.u32 v22, $0x7;
	v12 =	vld.idx.msk [tilespmem:v25+s10+$0x0], $0xffff;
	v25 =	vor.u32 v0, v33  }
0x27f: {  	v22 =	vor.u32 v1, v33;
	v28 =	vor.u32 v0, v34;
	v35 =	vor.u32 v1, v34;
	v15 =	vld.idx.msk [tilespmem:v15+s10+$0x0], $0xffff  }
0x280: {  	v36 =	vor.u32 v2, v18;
	v37 =	vor.u32 v2, v29;
	v38 =	vor.u32 v2, v30;
	s21 =	sadd.s32 $0x400, s21;
	v14 =	vld.idx.msk [tilespmem:v14+s10+$0x0], $0xffff  }
0x281: {  	v39 =	vor.u32 v2, v31;
	v40 =	vor.u32 v2, v32;
	v24 =	vld.idx.msk [tilespmem:v24+s10+$0x0], $0xffff;
	[tilespmem:s21+$0x100] =	vst v19  }
0x282: {  	v41 =	vor.u32 v3, v18;
	v42 =	vor.u32 v2, v33;
	v43 =	vor.u32 v2, v34;
	v17 =	vld.idx.msk [tilespmem:v17+s10+$0x0], $0xffff  }
0x283: {  	v44 =	vor.u32 v3, v29;
	v45 =	vor.u32 v3, v30;
	v46 =	vor.u32 v3, v31;
	v13 =	vld.idx.msk [tilespmem:v13+s10+$0x0], $0xffff  }
0x284: {  	v47 =	vor.u32 v3, v32;
	v19 =	vor.u32 v2, v16;
	[tilespmem:s21+$0xFFFFFE00] =	vst v12;
	v12 =	vld.idx.msk [tilespmem:v25+s10+$0x0], $0xffff  }
0x285: {  	v48 =	vor.u32 v3, v33;
	v49 =	vor.u32 v3, v34;
	[tilespmem:s21+$0xFFFFFE80] =	vst v15;
	v15 =	vld.idx.msk [tilespmem:v28+s10+$0x0], $0xffff  }
0x286: {  	v50 =	vor.u32 v4, v18;
	v51 =	vor.u32 v4, v29;
	v25 =	vld.idx.msk [tilespmem:v26+s10+$0x0], $0xffff;
	[tilespmem:s21+$0xFFFFFF00] =	vst v14  }
0x287: {  	v52 =	vor.u32 v4, v30;
	v53 =	vor.u32 v4, v31;
	v14 =	vld.idx.msk [tilespmem:v21+s10+$0x0], $0xffff;
	[tilespmem:s21+$0xFFFFFF80] =	vst v24  }
0x288: {  	v54 =	vor.u32 v4, v32;
	v55 =	vor.u32 v4, v33;
	v20 =	vld.idx.msk [tilespmem:v20+s10+$0x0], $0xffff;
	[tilespmem:s21+$0x110] =	vst v17  }
0x289: {  	v56 =	vor.u32 v5, v18;
	v57 =	vor.u32 v4, v34;
	[tilespmem:s21+$0x0] =	vst v13;
	v13 =	vld.idx.msk [tilespmem:v19+s10+$0x0], $0xffff  }
0x28a: {  	v58 =	vor.u32 v5, v29;
	v59 =	vor.u32 v5, v30;
	v17 =	vld.idx.msk [tilespmem:v27+s10+$0x0], $0xffff;
	[tilespmem:s21+$0x80] =	vst v12  }
0x28b: {  	v60 =	vor.u32 v5, v31;
	v19 =	vor.u32 v3, v16;
	v12 =	vld.idx.msk [tilespmem:v23+s10+$0x0], $0xffff;
	[tilespmem:s21+$0x180] =	vst v15  }
0x28c: {  	v61 =	vor.u32 v5, v32;
	v27 =	vor.u32 v5, v33;
	[tilespmem:s21+$0xFFFFFE10] =	vst v25;
	v15 =	vld.idx.msk [tilespmem:v22+s10+$0x0], $0xffff  }
0x28d: {  	v28 =	vor.u32 v5, v34;
	v26 =	vor.u32 v6, v18;
	[tilespmem:s21+$0xFFFFFE90] =	vst v14;
	v35 =	vld.idx.msk [tilespmem:v35+s10+$0x0], $0xffff  }
0x28e: {  	v24 =	vor.u32 v6, v30;
	v25 =	vor.u32 v6, v29;
	v36 =	vld.idx.msk [tilespmem:v36+s10+$0x0], $0xffff;
	[tilespmem:s21+$0xFFFFFF10] =	vst v20  }
0x28f: {  	v23 =	vor.u32 v6, v31;
	v22 =	vor.u32 v6, v32;
	v37 =	vld.idx.msk [tilespmem:v37+s10+$0x0], $0xffff;
	[tilespmem:s21+$0x120] =	vst v13  }
0x290: {  	v21 =	vor.u32 v6, v33;
	v20 =	vor.u32 v6, v34;
	[tilespmem:s21+$0xFFFFFF90] =	vst v17;
	v62 =	vld.idx.msk [tilespmem:v19+s10+$0x0], $0xffff  }
0x291: {  	v19 =	vor.u32 v7, v18;
	v17 =	vor.u32 v7, v29;
	v29 =	vld.idx.msk [tilespmem:v38+s10+$0x0], $0xffff;
	[tilespmem:s21+$0x10] =	vst v12  }
0x292: {  	v18 =	vor.u32 v7, v30;
	v38 =	vor.u32 v4, v16;
	v30 =	vld.idx.msk [tilespmem:v39+s10+$0x0], $0xffff;
	[tilespmem:s21+$0x90] =	vst v15  }
0x293: {  	v14 =	vor.u32 v7, v32;
	v15 =	vor.u32 v7, v31;
	v31 =	vld.idx.msk [tilespmem:v40+s10+$0x0], $0xffff;
	[tilespmem:s21+$0x190] =	vst v35  }
0x294: {  	v13 =	vor.u32 v7, v33;
	v12 =	vor.u32 v7, v34;
	[tilespmem:s21+$0xFFFFFE20] =	vst v36;
	v32 =	vld.idx.msk [tilespmem:v42+s10+$0x0], $0xffff  }
0x295: {  	[tilespmem:s21+$0xFFFFFEA0] =	vst v37;
	v33 =	vld.idx.msk [tilespmem:v43+s10+$0x0], $0xffff  }
0x296: {  	v34 =	vld.idx.msk [tilespmem:v41+s10+$0x0], $0xffff;
	[tilespmem:s21+$0x130] =	vst v62  }
0x297: {  	[tilespmem:s21+$0xFFFFFF20] =	vst v29;
	v29 =	vld.idx.msk [tilespmem:v38+s10+$0x0], $0xffff  }
0x298: {  	v35 =	vld.idx.msk [tilespmem:v44+s10+$0x0], $0xffff;
	[tilespmem:s21+$0xFFFFFFA0] =	vst v30  }
0x299: {  	v30 =	vld.idx.msk [tilespmem:v45+s10+$0x0], $0xffff;
	[tilespmem:s21+$0x20] =	vst v31;
	v31 =	vor.u32 v5, v16  }
0x29a: {  	v36 =	vld.idx.msk [tilespmem:v46+s10+$0x0], $0xffff;
	[tilespmem:s21+$0xA0] =	vst v32  }
0x29b: {  	v32 =	vld.idx.msk [tilespmem:v47+s10+$0x0], $0xffff;
	[tilespmem:s21+$0x1A0] =	vst v33  }
0x29c: {  	[tilespmem:s21+$0xFFFFFE30] =	vst v34;
	v33 =	vld.idx.msk [tilespmem:v48+s10+$0x0], $0xffff  }
0x29d: {  	[tilespmem:s21+$0x140] =	vst v29;
	v29 =	vld.idx.msk [tilespmem:v49+s10+$0x0], $0xffff  }
0x29e: {  	[tilespmem:s21+$0xFFFFFEB0] =	vst v35;
	v31 =	vld.idx.msk [tilespmem:v31+s10+$0x0], $0xffff  }
0x29f: {  	v34 =	vld.idx.msk [tilespmem:v50+s10+$0x0], $0xffff;
	[tilespmem:s21+$0xFFFFFF30] =	vst v30  }
0x2a0: {  	v35 =	vor.u32 v6, v16;
	v30 =	vld.idx.msk [tilespmem:v51+s10+$0x0], $0xffff;
	[tilespmem:s21+$0xFFFFFFB0] =	vst v36  }
0x2a1: {  	v36 =	vld.idx.msk [tilespmem:v52+s10+$0x0], $0xffff;
	[tilespmem:s21+$0x30] =	vst v32  }
0x2a2: {  	v32 =	vld.idx.msk [tilespmem:v53+s10+$0x0], $0xffff;
	[tilespmem:s21+$0xB0] =	vst v33  }
0x2a3: {  	v37 =	vld.idx.msk [tilespmem:v54+s10+$0x0], $0xffff;
	[tilespmem:s21+$0x1B0] =	vst v29  }
0x2a4: {  	v29 =	vld.idx.msk [tilespmem:v55+s10+$0x0], $0xffff;
	[tilespmem:s21+$0x150] =	vst v31  }
0x2a5: {  	[tilespmem:s21+$0xFFFFFE40] =	vst v34;
	v31 =	vld.idx.msk [tilespmem:v35+s10+$0x0], $0xffff  }
0x2a6: {  	[tilespmem:s21+$0xFFFFFEC0] =	vst v30;
	v30 =	vld.idx.msk [tilespmem:v57+s10+$0x0], $0xffff  }
0x2a7: {  	v34 =	vld.idx.msk [tilespmem:v56+s10+$0x0], $0xffff;
	[tilespmem:s21+$0xFFFFFF40] =	vst v36;
	v36 =	vor.u32 v7, v16  }
.Ltmp2:
0x2a8: {  	v35 =	vld.idx.msk [tilespmem:v58+s10+$0x0], $0xffff;
	[tilespmem:s21+$0xFFFFFFC0] =	vst v32;
	(pc) =	sbr.rel @p0 .LBB2_7-.Ltmp2, $4  }
0x2a9: {  	v33 =	vld.idx.msk [tilespmem:v59+s10+$0x0], $0xffff;
	[tilespmem:s21+$0x40] =	vst v37  }
0x2aa: {  	v32 =	vld.idx.msk [tilespmem:v60+s10+$0x0], $0xffff;
	[tilespmem:s21+$0xC0] =	vst v29  }
0x2ab: {  	v16 =	vld.idx.msk [tilespmem:v61+s10+$0x0], $0xffff;
	[tilespmem:s21+$0x160] =	vst v31  }
0x2ac: {  	v29 =	vld.idx.msk [tilespmem:v36+s10+$0x0], $0xffff;
	[tilespmem:s21+$0x1C0] =	vst v30  }
0x2ad: {  	[tilespmem:s21+$0xFFFFFE50] =	vst v34  }
0x2ae: {  	[tilespmem:s21+$0xFFFFFED0] =	vst v35  }
0x2af: {  	[tilespmem:s20+$0xFFFFFFF0] =	vst v9  }
0x2b0: {  	[tilespmem:s20+$0x70] =	vst v8  }
0x2b1: {  	[tilespmem:s20+$0xF0] =	vst v10  }
0x2b2: {  	v27 =	vld.idx.msk [tilespmem:v27+s10+$0x0], $0xffff;
	[tilespmem:s20+$0x1F0] =	vst v11  }
0x2b3: {  	v28 =	vld.idx.msk [tilespmem:v28+s10+$0x0], $0xffff;
	[tilespmem:s21+$0xFFFFFF50] =	vst v33  }
0x2b4: {  	v26 =	vld.idx.msk [tilespmem:v26+s10+$0x0], $0xffff;
	[tilespmem:s21+$0xFFFFFFD0] =	vst v32  }
0x2b5: {  	v25 =	vld.idx.msk [tilespmem:v25+s10+$0x0], $0xffff;
	[tilespmem:s21+$0x50] =	vst v16  }
0x2b6: {  	v16 =	vld.idx.msk [tilespmem:v24+s10+$0x0], $0xffff;
	[tilespmem:s21+$0x170] =	vst v29  }
0x2b7: {  	v23 =	vld.idx.msk [tilespmem:v23+s10+$0x0], $0xffff;
	[tilespmem:s21+$0xD0] =	vst v27  }
0x2b8: {  	v22 =	vld.idx.msk [tilespmem:v22+s10+$0x0], $0xffff;
	[tilespmem:s21+$0x1D0] =	vst v28  }
0x2b9: {  	v21 =	vld.idx.msk [tilespmem:v21+s10+$0x0], $0xffff;
	[tilespmem:s21+$0xFFFFFE60] =	vst v26  }
0x2ba: {  	v20 =	vld.idx.msk [tilespmem:v20+s10+$0x0], $0xffff;
	[tilespmem:s21+$0xFFFFFEE0] =	vst v25  }
0x2bb: {  	v19 =	vld.idx.msk [tilespmem:v19+s10+$0x0], $0xffff;
	[tilespmem:s21+$0xFFFFFF60] =	vst v16  }
0x2bc: {  	[tilespmem:s21+$0xFFFFFFE0] =	vst v23;
	v16 =	vld.idx.msk [tilespmem:v17+s10+$0x0], $0xffff  }
0x2bd: {  	[tilespmem:s21+$0x60] =	vst v22;
	v17 =	vld.idx.msk [tilespmem:v18+s10+$0x0], $0xffff  }
0x2be: {  	v9 =	vld.idx.msk [tilespmem:v15+s10+$0x0], $0xffff;
	[tilespmem:s21+$0xE0] =	vst v21  }
0x2bf: {  	[tilespmem:s21+$0x1E0] =	vst v20;
	v8 =	vld.idx.msk [tilespmem:v13+s10+$0x0], $0xffff  }
0x2c0: {  	[tilespmem:s21+$0xFFFFFE70] =	vst v19;
	v10 =	vld.idx.msk [tilespmem:v12+s10+$0x0], $0xffff  }
0x2c1: {  	s23 =	sadd.s32 $0xFFFFFFF8, s17;
	v14 =	vld.idx.msk [tilespmem:v14+s10+$0x0], $0xffff;
	[tilespmem:s21+$0xFFFFFEF0] =	vst v16  }
0x2c2: {  	s25 =	sadd.s32 $0x308, s23;
	[tilespmem:s21+$0xFFFFFF70] =	vst v17  }
0x2c3: {  	s22 =	sadd.s32 s5, s22;
	s24 =	sadd.s32 $0x30E, s23;
	[tilespmem:s21+$0xFFFFFFF0] =	vst v9;
	v9 =	vmov s25  }
0x2c4: {  	s20 =	sshll.u32 s22, $0xC;
	s26 =	sadd.s32 $0x309, s23;
	v9 =	vand.u32 $0xFFFFFFF8, v9;
	[tilespmem:s21+$0xF0] =	vst v8;
	v8 =	vmov s24  }
0x2c5: {  	s28 =	sadd.s32 $0x30A, s23;
	s20 =	sand.u32 $0x1FFFE000, s20;
	v9 =	vbroadcast v9, $0x0;
	[tilespmem:s21+$0x1F0] =	vst v10;
	v10 =	vmov s26;
	v8 =	vand.u32 $0xFFFFFFFE, v8  }
0x2c6: {  	s29 =	sadd.s32 $0x30B, s23;
	s30 =	sadd.s32 $0x30C, s23;
	v11 =	vmov s28;
	s20 =	sadd.s32 s3, s20;
	[tilespmem:s21+$0x70] =	vst v14;
	v10 =	vand.u32 $0xFFFFFFF9, v10;
	v8 =	vbroadcast v8, $0x0  }
0x2c7: {  	v11 =	vand.u32 $0xFFFFFFFA, v11;
	v12 =	vmov s29;
	[hbm4b:s20+s4] =	stream.linear.scatter [tilespmem:s12], [sflag:$0x1], $0x8000, $0x38;
	v10 =	vbroadcast v10, $0x0;
	[tilespmem:$0x18D80] =	vst v63  }
0x2c8: {  	v11 =	vbroadcast v11, $0x0;
	v13 =	vmov s30;
	v12 =	vand.u32 $0xFFFFFFFB, v12;
	_ =	swait.ge [sflag:s15], $0x8000  }
0x2c9: {  	v13 =	vand.u32 $0xFFFFFFFC, v13;
	v12 =	vbroadcast v12, $0x0;
	[sflag:s15] =	ssyncset.done $0x0  }
0x2ca: {  	s31 =	sadd.s32 $0x30D, s23;
	v13 =	vbroadcast v13, $0x0;
	[sflag:s15] =	ssyncadd.s32 $0xFFFF8000  }
0x2cb: {  	v14 =	vmov s31;
	v9 =	vld.idx.msk [tilespmem:v9+s4+$0x0], $0xffff  }
0x2cc: {  	s23 =	sadd.s32 $0x30F, s23;
	v14 =	vand.u32 $0xFFFFFFFD, v14;
	v8 =	vld.idx.msk [tilespmem:v8+s4+$0x0], $0xffff  }
0x2cd: {  	v17 =	vmov s23;
	v16 =	vbroadcast v14, $0x0;
	v10 =	vld.idx.msk [tilespmem:v10+s4+$0x0], $0xffff  }
0x2ce: {  	v11 =	vld.idx.msk [tilespmem:v11+s4+$0x0], $0xffff  }
0x2cf: {  	v18 =	vld.idx.msk [tilespmem:v12+s4+$0x0], $0xffff  }
0x2d0: {  	v19 =	vld.idx.msk [tilespmem:v13+s4+$0x0], $0xffff  }
0x2d1: {  	v15 =	vshll.u32 v8, $0x7  }
0x2d2: {  	v14 =	vshll.u32 v9, $0x7;
	v13 =	vshll.u32 v10, $0x7;
	v10 =	vld.idx.msk [tilespmem:v17+s4+$0x0], $0xffff;
	v8 =	vor.u32 v0, v15  }
0x2d3: {  	v16 =	vld.idx.msk [tilespmem:v16+s4+$0x0], $0xffff;
	v12 =	vshll.u32 v11, $0x7;
	v20 =	vor.u32 v0, v14  }
0x2d4: {  	v9 =	vshll.u32 v18, $0x7;
	v21 =	vor.u32 v0, v12  }
0x2d5: {  	v11 =	vshll.u32 v19, $0x7;
	v22 =	vor.u32 v0, v9  }
0x2d6: {  	v23 =	vor.u32 v0, v11  }
0x2d7: {  	v17 =	vor.u32 v0, v13;
	v10 =	vshll.u32 v10, $0x7;
	v18 =	vld.idx.msk [tilespmem:v8+s10+$0x0], $0xffff  }
0x2d8: {  	v8 =	vshll.u32 v16, $0x7;
	v16 =	vld.idx.msk [tilespmem:v20+s10+$0x0], $0xffff;
	v24 =	vor.u32 v0, v10  }
0x2d9: {  	v19 =	vor.u32 v1, v15;
	v21 =	vld.idx.msk [tilespmem:v21+s10+$0x0], $0xffff  }
0x2da: {  	v22 =	vld.idx.msk [tilespmem:v22+s10+$0x0], $0xffff;
	v20 =	vor.u32 v0, v8  }
0x2db: {  	s20 =	simm.s32 $0x11170;
	v26 =	vor.u32 v1, v12;
	v23 =	vld.idx.msk [tilespmem:v23+s10+$0x0], $0xffff  }
0x2dc: {  	v25 =	vor.u32 v1, v14;
	v17 =	vld.idx.msk [tilespmem:v17+s10+$0x0], $0xffff;
	[tilespmem:s20+$0xFFFFFF10] =	vst v18  }
0x2dd: {  	v28 =	vor.u32 v1, v9;
	[tilespmem:s20+$0xFFFFFC10] =	vst v16;
	v16 =	vld.idx.msk [tilespmem:v24+s10+$0x0], $0xffff  }
0x2de: {  	v18 =	vor.u32 v1, v13;
	v19 =	vld.idx.msk [tilespmem:v19+s10+$0x0], $0xffff  }
0x2df: {  	[tilespmem:s20+$0xFFFFFD10] =	vst v21;
	v24 =	vor.u32 v1, v11;
	v20 =	vld.idx.msk [tilespmem:v20+s10+$0x0], $0xffff  }
0x2e0: {  	v27 =	vor.u32 v2, v15;
	[tilespmem:s20+$0xFFFFFD90] =	vst v22;
	v26 =	vld.idx.msk [tilespmem:v26+s10+$0x0], $0xffff  }
0x2e1: {  	[tilespmem:s20+$0xFFFFFC90] =	vst v17;
	v17 =	vld.idx.msk [tilespmem:v25+s10+$0x0], $0xffff;
	v25 =	vor.u32 v1, v8  }
0x2e2: {  	v21 =	vor.u32 v1, v10;
	[tilespmem:s20+$0xFFFFFE10] =	vst v23;
	v23 =	vld.idx.msk [tilespmem:v28+s10+$0x0], $0xffff  }
0x2e3: {  	v28 =	vor.u32 v2, v12;
	v18 =	vld.idx.msk [tilespmem:v18+s10+$0x0], $0xffff;
	[tilespmem:s20+$0xFFFFFF20] =	vst v19  }
0x2e4: {  	v19 =	vor.u32 v2, v14;
	[tilespmem:s20+$0xFFFFFE90] =	vst v20;
	v20 =	vld.idx.msk [tilespmem:v24+s10+$0x0], $0xffff  }
0x2e5: {  	[tilespmem:s20+$0xFFFFFD20] =	vst v26;
	v22 =	vld.idx.msk [tilespmem:v27+s10+$0x0], $0xffff;
	v27 =	vor.u32 v2, v13  }
0x2e6: {  	[tilespmem:s20+$0xFFFFFF90] =	vst v16;
	v16 =	vld.idx.msk [tilespmem:v25+s10+$0x0], $0xffff;
	v25 =	vor.u32 v2, v9  }
0x2e7: {  	[tilespmem:s20+$0xFFFFFC20] =	vst v17;
	v17 =	vld.idx.msk [tilespmem:v21+s10+$0x0], $0xffff;
	v21 =	vor.u32 v2, v11  }
0x2e8: {  	[tilespmem:s20+$0xFFFFFDA0] =	vst v23;
	v23 =	vld.idx.msk [tilespmem:v28+s10+$0x0], $0xffff;
	v24 =	vor.u32 v3, v15  }
0x2e9: {  	[tilespmem:s20+$0xFFFFFCA0] =	vst v18;
	v18 =	vld.idx.msk [tilespmem:v19+s10+$0x0], $0xffff  }
0x2ea: {  	v19 =	vor.u32 v2, v8;
	[tilespmem:s20+$0xFFFFFE20] =	vst v20;
	v27 =	vld.idx.msk [tilespmem:v27+s10+$0x0], $0xffff  }
0x2eb: {  	[tilespmem:s20+$0xFFFFFF30] =	vst v22;
	v22 =	vor.u32 v2, v10;
	v20 =	vld.idx.msk [tilespmem:v25+s10+$0x0], $0xffff  }
0x2ec: {  	v26 =	vor.u32 v3, v14;
	[tilespmem:s20+$0xFFFFFEA0] =	vst v16;
	v16 =	vld.idx.msk [tilespmem:v21+s10+$0x0], $0xffff  }
0x2ed: {  	[tilespmem:s20+$0xFFFFFD30] =	vst v23;
	v21 =	vor.u32 v3, v12;
	v24 =	vld.idx.msk [tilespmem:v24+s10+$0x0], $0xffff  }
0x2ee: {  	v28 =	vor.u32 v3, v13;
	[tilespmem:s20+$0xFFFFFFA0] =	vst v17  }
0x2ef: {  	v25 =	vor.u32 v4, v15;
	v17 =	vld.idx.msk [tilespmem:v19+s10+$0x0], $0xffff;
	[tilespmem:s20+$0xFFFFFC30] =	vst v18  }
0x2f0: {  	v19 =	vor.u32 v3, v9;
	v18 =	vld.idx.msk [tilespmem:v22+s10+$0x0], $0xffff;
	[tilespmem:s20+$0xFFFFFCB0] =	vst v27  }
0x2f1: {  	v22 =	vor.u32 v3, v11;
	v26 =	vld.idx.msk [tilespmem:v26+s10+$0x0], $0xffff;
	[tilespmem:s20+$0xFFFFFDB0] =	vst v20  }
0x2f2: {  	v20 =	vld.idx.msk [tilespmem:v21+s10+$0x0], $0xffff;
	[tilespmem:s20+$0xFFFFFF40] =	vst v24;
	v24 =	vor.u32 v3, v8  }
0x2f3: {  	v23 =	vld.idx.msk [tilespmem:v28+s10+$0x0], $0xffff;
	v28 =	vor.u32 v4, v14  }
0x2f4: {  	v27 =	vor.u32 v3, v10;
	[tilespmem:s20+$0xFFFFFE30] =	vst v16;
	v25 =	vld.idx.msk [tilespmem:v25+s10+$0x0], $0xffff  }
0x2f5: {  	v21 =	vor.u32 v5, v15;
	v16 =	vld.idx.msk [tilespmem:v19+s10+$0x0], $0xffff;
	[tilespmem:s20+$0xFFFFFEB0] =	vst v17  }
0x2f6: {  	v19 =	vor.u32 v4, v13;
	v17 =	vld.idx.msk [tilespmem:v22+s10+$0x0], $0xffff;
	[tilespmem:s20+$0xFFFFFFB0] =	vst v18  }
0x2f7: {  	v22 =	vor.u32 v4, v12;
	[tilespmem:s20+$0xFFFFFC40] =	vst v26;
	v18 =	vld.idx.msk [tilespmem:v24+s10+$0x0], $0xffff  }
0x2f8: {  	v24 =	vor.u32 v4, v9;
	[tilespmem:s20+$0xFFFFFCC0] =	vst v23;
	v23 =	vld.idx.msk [tilespmem:v28+s10+$0x0], $0xffff  }
0x2f9: {  	[tilespmem:s20+$0xFFFFFF50] =	vst v25;
	v25 =	vld.idx.msk [tilespmem:v27+s10+$0x0], $0xffff;
	v27 =	vor.u32 v4, v11  }
0x2fa: {  	v26 =	vor.u32 v4, v8;
	[tilespmem:s20+$0xFFFFFD40] =	vst v20;
	v21 =	vld.idx.msk [tilespmem:v21+s10+$0x0], $0xffff  }
0x2fb: {  	v28 =	vor.u32 v4, v10;
	v19 =	vld.idx.msk [tilespmem:v19+s10+$0x0], $0xffff;
	[tilespmem:s20+$0xFFFFFDC0] =	vst v16  }
0x2fc: {  	v20 =	vor.u32 v6, v15;
	v16 =	vld.idx.msk [tilespmem:v22+s10+$0x0], $0xffff;
	[tilespmem:s20+$0xFFFFFE40] =	vst v17  }
0x2fd: {  	v22 =	vor.u32 v5, v14;
	v17 =	vld.idx.msk [tilespmem:v24+s10+$0x0], $0xffff;
	[tilespmem:s20+$0xFFFFFEC0] =	vst v18  }
0x2fe: {  	v24 =	vor.u32 v5, v13;
	[tilespmem:s20+$0xFFFFFC50] =	vst v23;
	v18 =	vld.idx.msk [tilespmem:v27+s10+$0x0], $0xffff  }
0x2ff: {  	v27 =	vor.u32 v5, v12;
	v26 =	vld.idx.msk [tilespmem:v26+s10+$0x0], $0xffff;
	[tilespmem:s20+$0xFFFFFFC0] =	vst v25  }
0x300: {  	[tilespmem:s20+$0xFFFFFF60] =	vst v21;
	v21 =	vor.u32 v5, v9;
	v23 =	vld.idx.msk [tilespmem:v28+s10+$0x0], $0xffff  }
0x301: {  	v25 =	vor.u32 v5, v11;
	v20 =	vld.idx.msk [tilespmem:v20+s10+$0x0], $0xffff;
	[tilespmem:s20+$0xFFFFFCD0] =	vst v19  }
0x302: {  	v15 =	vor.u32 v7, v15;
	v19 =	vld.idx.msk [tilespmem:v22+s10+$0x0], $0xffff;
	[tilespmem:s20+$0xFFFFFD50] =	vst v16  }
0x303: {  	v22 =	vor.u32 v5, v8;
	v16 =	vld.idx.msk [tilespmem:v24+s10+$0x0], $0xffff;
	[tilespmem:s20+$0xFFFFFDD0] =	vst v17  }
0x304: {  	v24 =	vor.u32 v5, v10;
	v17 =	vld.idx.msk [tilespmem:v27+s10+$0x0], $0xffff;
	[tilespmem:s20+$0xFFFFFE50] =	vst v18  }
0x305: {  	v27 =	vor.u32 v6, v14;
	[tilespmem:s20+$0xFFFFFED0] =	vst v26;
	v18 =	vld.idx.msk [tilespmem:v21+s10+$0x0], $0xffff  }
0x306: {  	v21 =	vor.u32 v6, v13;
	v25 =	vld.idx.msk [tilespmem:v25+s10+$0x0], $0xffff;
	[tilespmem:s20+$0xFFFFFF70] =	vst v20  }
0x307: {  	[tilespmem:s20+$0xFFFFFFD0] =	vst v23;
	v20 =	vor.u32 v6, v12;
	v26 =	vld.idx.msk [tilespmem:v15+s10+$0x0], $0xffff  }
0x308: {  	s24 =	sadd.s32 $0x0, s17;
	v23 =	vor.u32 v6, v11;
	v22 =	vld.idx.msk [tilespmem:v22+s10+$0x0], $0xffff;
	[tilespmem:s20+$0xFFFFFC60] =	vst v19  }
0x309: {  	s25 =	sadd.s32 $0x30E, s24;
	v15 =	vor.u32 v6, v9;
	v19 =	vld.idx.msk [tilespmem:v24+s10+$0x0], $0xffff;
	[tilespmem:s20+$0xFFFFFCE0] =	vst v16  }
0x30a: {  	v24 =	vor.u32 v6, v8;
	v16 =	vmov s25;
	v27 =	vld.idx.msk [tilespmem:v27+s10+$0x0], $0xffff;
	[tilespmem:s20+$0xFFFFFD60] =	vst v17  }
0x30b: {  	v28 =	vor.u32 v6, v10;
	v16 =	vand.u32 $0xFFFFFFFE, v16;
	v17 =	vld.idx.msk [tilespmem:v21+s10+$0x0], $0xffff;
	[tilespmem:s20+$0xFFFFFDE0] =	vst v18  }
0x30c: {  	v14 =	vor.u32 v7, v14;
	v16 =	vbroadcast v16, $0x0;
	[tilespmem:s20+$0xFFFFFE60] =	vst v25;
	v18 =	vld.idx.msk [tilespmem:v20+s10+$0x0], $0xffff  }
0x30d: {  	s26 =	sadd.s32 $0x308, s24;
	v23 =	vld.idx.msk [tilespmem:v23+s10+$0x0], $0xffff  }
0x30e: {  	s28 =	sadd.s32 $0x309, s24;
	v13 =	vor.u32 v7, v13;
	v11 =	vor.u32 v7, v11;
	v20 =	vmov s26;
	v15 =	vld.idx.msk [tilespmem:v15+s10+$0x0], $0xffff;
	[tilespmem:s20+$0xFFFFFEE0] =	vst v22  }
0x30f: {  	s23 =	sadd.s32 $0x30A, s24;
	v12 =	vor.u32 v7, v12;
	v21 =	vmov s28;
	v20 =	vand.u32 $0xFFFFFFF8, v20;
	v24 =	vld.idx.msk [tilespmem:v24+s10+$0x0], $0xffff;
	[tilespmem:s20+$0xFFFFFFE0] =	vst v19  }
0x310: {  	s29 =	sadd.s32 $0x30B, s24;
	v21 =	vand.u32 $0xFFFFFFF9, v21;
	v22 =	vmov s23;
	v20 =	vbroadcast v20, $0x0;
	[tilespmem:s20+$0xFFFFFC70] =	vst v27;
	v25 =	vld.idx.msk [tilespmem:v28+s10+$0x0], $0xffff  }
0x311: {  	s30 =	sadd.s32 $0x30C, s24;
	v21 =	vbroadcast v21, $0x0;
	v19 =	vmov s29;
	v22 =	vand.u32 $0xFFFFFFFA, v22;
	v28 =	vld.idx.msk [tilespmem:v14+s10+$0x0], $0xffff  }
0x312: {  	s31 =	sadd.s32 $0x30D, s24;
	v27 =	vmov s30;
	v19 =	vand.u32 $0xFFFFFFFB, v19;
	v22 =	vbroadcast v22, $0x0;
	[tilespmem:s20+$0xFFFFFCF0] =	vst v17;
	v16 =	vld.idx.msk [tilespmem:v16+s4+$0x0], $0xffff  }
0x313: {  	v14 =	vmov s31;
	v27 =	vand.u32 $0xFFFFFFFC, v27;
	v19 =	vbroadcast v19, $0x0;
	[tilespmem:s20+$0xFFFFFD70] =	vst v18;
	v18 =	vld.idx.msk [tilespmem:v13+s10+$0x0], $0xffff  }
0x314: {  	v14 =	vand.u32 $0xFFFFFFFD, v14;
	v17 =	vbroadcast v27, $0x0;
	[tilespmem:s20+$0xFFFFFE70] =	vst v23;
	v27 =	vld.idx.msk [tilespmem:v12+s10+$0x0], $0xffff  }
0x315: {  	v30 =	vor.u32 v7, v8;
	v13 =	vbroadcast v14, $0x0;
	v8 =	vld.idx.msk [tilespmem:v11+s10+$0x0], $0xffff  }
0x316: {  	v14 =	vld.idx.msk [tilespmem:v20+s4+$0x0], $0xffff  }
0x317: {  	s21 =	sadd.s32 $0x30F, s24;
	v9 =	vor.u32 v7, v9;
	v21 =	vld.idx.msk [tilespmem:v21+s4+$0x0], $0xffff  }
0x318: {  	v20 =	vmov s21;
	v22 =	vld.idx.msk [tilespmem:v22+s4+$0x0], $0xffff  }
0x319: {  	v19 =	vld.idx.msk [tilespmem:v19+s4+$0x0], $0xffff;
	v12 =	vshll.u32 v16, $0x7  }
0x31a: {  	v17 =	vld.idx.msk [tilespmem:v17+s4+$0x0], $0xffff;
	v29 =	vor.u32 v0, v12  }
0x31b: {  	v60 =	vor.u32 v7, v10;
	[tilespmem:s20+$0xFFFFFDF0] =	vst v15;
	v31 =	vld.idx.msk [tilespmem:v13+s4+$0x0], $0xffff;
	v13 =	vshll.u32 v14, $0x7  }
0x31c: {  	v9 =	vld.idx.msk [tilespmem:v9+s10+$0x0], $0xffff;
	v14 =	vshll.u32 v21, $0x7;
	v23 =	vor.u32 v0, v13  }
0x31d: {  	[tilespmem:s20+$0xFFFFFEF0] =	vst v24;
	v20 =	vld.idx.msk [tilespmem:v20+s4+$0x0], $0xffff;
	v21 =	vor.u32 v0, v14;
	v15 =	vshll.u32 v22, $0x7  }
0x31e: {  	v10 =	vld.idx.msk [tilespmem:v30+s10+$0x0], $0xffff;
	v22 =	vor.u32 v0, v15;
	v16 =	vshll.u32 v19, $0x7  }
0x31f: {  	[tilespmem:s20+$0xFFFFFFF0] =	vst v25;
	v19 =	vld.idx.msk [tilespmem:v29+s10+$0x0], $0xffff;
	v24 =	vor.u32 v0, v16  }
0x320: {  	v11 =	vld.idx.msk [tilespmem:v60+s10+$0x0], $0xffff;
	v30 =	vshll.u32 v17, $0x7;
	v17 =	vor.u32 v1, v12  }
0x321: {  	v25 =	vor.u32 v0, v30;
	v29 =	vshll.u32 v31, $0x7;
	v23 =	vld.idx.msk [tilespmem:v23+s10+$0x0], $0xffff  }
0x322: {  	[tilespmem:s20+$0xFFFFFF80] =	vst v26;
	v26 =	vor.u32 v0, v29;
	v31 =	vshll.u32 v20, $0x7;
	v20 =	vld.idx.msk [tilespmem:v21+s10+$0x0], $0xffff  }
0x323: {  	s21 =	simm.s32 $0x11570;
	[tilespmem:s20+$0xFFFFFC80] =	vst v28;
	v21 =	vor.u32 v0, v31;
	v22 =	vld.idx.msk [tilespmem:v22+s10+$0x0], $0xffff  }
0x324: {  	v28 =	vor.u32 v1, v13;
	v24 =	vld.idx.msk [tilespmem:v24+s10+$0x0], $0xffff;
	[tilespmem:s21+$0xFFFFFF10] =	vst v19  }
0x325: {  	[tilespmem:s20+$0xFFFFFD00] =	vst v18;
	v18 =	vor.u32 v1, v14;
	v17 =	vld.idx.msk [tilespmem:v17+s10+$0x0], $0xffff  }
0x326: {  	[tilespmem:s20+$0xFFFFFD80] =	vst v27;
	v19 =	vor.u32 v1, v15;
	v25 =	vld.idx.msk [tilespmem:v25+s10+$0x0], $0xffff  }
0x327: {  	v27 =	vor.u32 v1, v16;
	[tilespmem:s21+$0xFFFFFC10] =	vst v23;
	v23 =	vld.idx.msk [tilespmem:v26+s10+$0x0], $0xffff  }
0x328: {  	v26 =	vor.u32 v2, v12;
	[tilespmem:s21+$0xFFFFFC90] =	vst v20;
	v20 =	vld.idx.msk [tilespmem:v21+s10+$0x0], $0xffff  }
0x329: {  	v21 =	vor.u32 v1, v30;
	v28 =	vld.idx.msk [tilespmem:v28+s10+$0x0], $0xffff;
	[tilespmem:s21+$0xFFFFFD10] =	vst v22  }
0x32a: {  	v22 =	vor.u32 v1, v29;
	v18 =	vld.idx.msk [tilespmem:v18+s10+$0x0], $0xffff;
	[tilespmem:s21+$0xFFFFFD90] =	vst v24  }
0x32b: {  	v24 =	vor.u32 v1, v31;
	v19 =	vld.idx.msk [tilespmem:v19+s10+$0x0], $0xffff;
	[tilespmem:s21+$0xFFFFFF20] =	vst v17  }
0x32c: {  	v17 =	vor.u32 v2, v13;
	[tilespmem:s21+$0xFFFFFE10] =	vst v25;
	v27 =	vld.idx.msk [tilespmem:v27+s10+$0x0], $0xffff  }
0x32d: {  	v25 =	vld.idx.msk [tilespmem:v26+s10+$0x0], $0xffff;
	v26 =	vor.u32 v2, v14;
	[tilespmem:s21+$0xFFFFFE90] =	vst v23  }
0x32e: {  	v21 =	vld.idx.msk [tilespmem:v21+s10+$0x0], $0xffff;
	[tilespmem:s21+$0xFFFFFF90] =	vst v20;
	v20 =	vor.u32 v2, v15  }
0x32f: {  	v23 =	vor.u32 v3, v12;
	[tilespmem:s21+$0xFFFFFC20] =	vst v28;
	v22 =	vld.idx.msk [tilespmem:v22+s10+$0x0], $0xffff  }
0x330: {  	v28 =	vor.u32 v2, v16;
	[tilespmem:s21+$0xFFFFFCA0] =	vst v18;
	v18 =	vld.idx.msk [tilespmem:v24+s10+$0x0], $0xffff  }
0x331: {  	v24 =	vor.u32 v2, v30;
	[tilespmem:s21+$0xFFFFFD20] =	vst v19;
	v17 =	vld.idx.msk [tilespmem:v17+s10+$0x0], $0xffff  }
0x332: {  	v19 =	vor.u32 v2, v29;
	[tilespmem:s21+$0xFFFFFDA0] =	vst v27;
	v26 =	vld.idx.msk [tilespmem:v26+s10+$0x0], $0xffff  }
0x333: {  	v27 =	vor.u32 v3, v13;
	[tilespmem:s21+$0xFFFFFF30] =	vst v25;
	v20 =	vld.idx.msk [tilespmem:v20+s10+$0x0], $0xffff  }
0x334: {  	v25 =	vor.u32 v2, v31;
	[tilespmem:s21+$0xFFFFFE20] =	vst v21;
	v23 =	vld.idx.msk [tilespmem:v23+s10+$0x0], $0xffff  }
0x335: {  	v21 =	vld.idx.msk [tilespmem:v28+s10+$0x0], $0xffff;
	[tilespmem:s21+$0xFFFFFEA0] =	vst v22;
	v28 =	vor.u32 v3, v14  }
0x336: {  	v22 =	vor.u32 v4, v12;
	v24 =	vld.idx.msk [tilespmem:v24+s10+$0x0], $0xffff;
	[tilespmem:s21+$0xFFFFFFA0] =	vst v18  }
0x337: {  	v18 =	vor.u32 v3, v15;
	[tilespmem:s21+$0xFFFFFC30] =	vst v17;
	v17 =	vld.idx.msk [tilespmem:v19+s10+$0x0], $0xffff  }
0x338: {  	v19 =	vor.u32 v3, v16;
	v27 =	vld.idx.msk [tilespmem:v27+s10+$0x0], $0xffff;
	[tilespmem:s21+$0xFFFFFCB0] =	vst v26  }
0x339: {  	v25 =	vld.idx.msk [tilespmem:v25+s10+$0x0], $0xffff;
	v26 =	vor.u32 v3, v30;
	[tilespmem:s21+$0xFFFFFD30] =	vst v20  }
0x33a: {  	[tilespmem:s21+$0xFFFFFF40] =	vst v23;
	v23 =	vor.u32 v3, v29;
	v28 =	vld.idx.msk [tilespmem:v28+s10+$0x0], $0xffff  }
0x33b: {  	[tilespmem:s21+$0xFFFFFDB0] =	vst v21;
	v20 =	vld.idx.msk [tilespmem:v22+s10+$0x0], $0xffff;
	v22 =	vor.u32 v3, v31  }
0x33c: {  	v18 =	vld.idx.msk [tilespmem:v18+s10+$0x0], $0xffff;
	[tilespmem:s21+$0xFFFFFE30] =	vst v24;
	v24 =	vor.u32 v4, v13  }
0x33d: {  	v21 =	vor.u32 v5, v12;
	v19 =	vld.idx.msk [tilespmem:v19+s10+$0x0], $0xffff;
	[tilespmem:s21+$0xFFFFFEB0] =	vst v17  }
0x33e: {  	v17 =	vor.u32 v4, v14;
	[tilespmem:s21+$0xFFFFFC40] =	vst v27;
	v26 =	vld.idx.msk [tilespmem:v26+s10+$0x0], $0xffff  }
0x33f: {  	v27 =	vor.u32 v4, v16;
	[tilespmem:s21+$0xFFFFFFB0] =	vst v25;
	v23 =	vld.idx.msk [tilespmem:v23+s10+$0x0], $0xffff  }
0x340: {  	v25 =	vor.u32 v4, v15;
	[tilespmem:s21+$0xFFFFFF50] =	vst v20;
	v20 =	vld.idx.msk [tilespmem:v22+s10+$0x0], $0xffff  }
0x341: {  	[tilespmem:s21+$0xFFFFFCC0] =	vst v28;
	v22 =	vor.u32 v4, v30;
	v24 =	vld.idx.msk [tilespmem:v24+s10+$0x0], $0xffff  }
0x342: {  	v28 =	vor.u32 v4, v29;
	[tilespmem:s21+$0xFFFFFD40] =	vst v18;
	v21 =	vld.idx.msk [tilespmem:v21+s10+$0x0], $0xffff  }
0x343: {  	v17 =	vld.idx.msk [tilespmem:v17+s10+$0x0], $0xffff;
	[tilespmem:s21+$0xFFFFFDC0] =	vst v19;
	v19 =	vor.u32 v4, v31  }
0x344: {  	v18 =	vor.u32 v6, v12;
	v36 =	vld.idx.msk [tilespmem:v27+s10+$0x0], $0xffff;
	[tilespmem:s21+$0xFFFFFE40] =	vst v26  }
0x345: {  	v44 =	vor.u32 v7, v12;
	v62 =	vor.u32 v5, v13;
	v61 =	vld.idx.msk [tilespmem:v25+s10+$0x0], $0xffff;
	[tilespmem:s21+$0xFFFFFEC0] =	vst v23  }
0x346: {  	v63 =	vor.u32 v5, v14;
	v37 =	vor.u32 v5, v15;
	v39 =	vld.idx.msk [tilespmem:v22+s10+$0x0], $0xffff;
	[tilespmem:s21+$0xFFFFFFC0] =	vst v20  }
0x347: {  	v38 =	vor.u32 v5, v16;
	v40 =	vor.u32 v5, v30;
	v41 =	vld.idx.msk [tilespmem:v28+s10+$0x0], $0xffff;
	[tilespmem:s21+$0xFFFFFC50] =	vst v24  }
0x348: {  	v12 =	vor.u32 v7, v31;
	v27 =	vor.u32 v5, v29;
	[tilespmem:s21+$0xFFFFFF60] =	vst v21;
	v43 =	vld.idx.msk [tilespmem:v19+s10+$0x0], $0xffff  }
0x349: {  	v26 =	vor.u32 v6, v13;
	v25 =	vor.u32 v6, v14;
	[tilespmem:s21+$0xFFFFFCD0] =	vst v17;
	v42 =	vld.idx.msk [tilespmem:v18+s10+$0x0], $0xffff  }
0x34a: {  	v23 =	vor.u32 v6, v16;
	v28 =	vor.u32 v5, v31;
	v34 =	vld.idx.msk [tilespmem:v62+s10+$0x0], $0xffff;
	[tilespmem:s21+$0xFFFFFDD0] =	vst v36  }
0x34b: {  	v24 =	vor.u32 v6, v15;
	v22 =	vor.u32 v6, v30;
	v35 =	vld.idx.msk [tilespmem:v63+s10+$0x0], $0xffff;
	[tilespmem:s21+$0xFFFFFD50] =	vst v61  }
0x34c: {  	v20 =	vor.u32 v6, v31;
	v21 =	vor.u32 v6, v29;
	v32 =	vld.idx.msk [tilespmem:v38+s10+$0x0], $0xffff;
	[tilespmem:s21+$0xFFFFFE50] =	vst v39  }
0x34d: {  	v19 =	vor.u32 v7, v13;
	v17 =	vor.u32 v7, v14;
	v33 =	vld.idx.msk [tilespmem:v37+s10+$0x0], $0xffff;
	[tilespmem:s21+$0xFFFFFED0] =	vst v41  }
0x34e: {  	v18 =	vor.u32 v7, v15;
	v15 =	vor.u32 v7, v16;
	v16 =	vld.idx.msk [tilespmem:v40+s10+$0x0], $0xffff;
	[tilespmem:s21+$0xFFFFFF70] =	vst v42  }
0x34f: {  	s19 =	sadd.s32 $0x3, s19;
	s22 =	simm.s32 $0x8;
	v14 =	vor.u32 v7, v30;
	v13 =	vor.u32 v7, v29;
	[tilespmem:s21+$0xFFFFFFD0] =	vst v43;
	v29 =	vld.idx.msk [tilespmem:v44+s10+$0x0], $0xffff  }
.LBB2_9:
0x350: {  	s23 =	sadd.s32 s22, s17;
	s22 =	sadd.s32 $0x8, s22;
	[tilespmem:s21+$0xFFFFFC60] =	vst v34;
	v27 =	vld.idx.msk [tilespmem:v27+s10+$0x0], $0xffff  }
0x351: {  	s24 =	sadd.s32 $0x308, s23;
	s25 =	sadd.s32 $0x30E, s23;
	p0 =	slt.u32 s22, $0xF8;
	[tilespmem:s21+$0xFFFFFCE0] =	vst v35;
	v28 =	vld.idx.msk [tilespmem:v28+s10+$0x0], $0xffff  }
0x352: {  	s26 =	sadd.s32 $0x30A, s23;
	s28 =	sadd.s32 $0x30B, s23;
	v30 =	vmov s24;
	s24 =	sadd.s32 $0x309, s23;
	v31 =	vmov s25;
	v26 =	vld.idx.msk [tilespmem:v26+s10+$0x0], $0xffff;
	[tilespmem:s21+$0xFFFFFD60] =	vst v33  }
0x353: {  	v34 =	vmov s26;
	s25 =	sadd.s32 $0x30D, s23;
	v33 =	vmov s24;
	s24 =	sadd.s32 $0x30C, s23;
	v31 =	vand.u32 $0xFFFFFFFE, v31;
	s23 =	sadd.s32 $0x30F, s23;
	v25 =	vld.idx.msk [tilespmem:v25+s10+$0x0], $0xffff;
	[tilespmem:s21+$0xFFFFFDE0] =	vst v32  }
0x354: {  	v32 =	vmov s28;
	v35 =	vmov s24;
	v31 =	vbroadcast v31, $0x0;
	v24 =	vld.idx.msk [tilespmem:v24+s10+$0x0], $0xffff;
	[tilespmem:s21+$0xFFFFFE60] =	vst v16  }
0x355: {  	v16 =	vand.u32 $0xFFFFFFF8, v30;
	v30 =	vand.u32 $0xFFFFFFF9, v33;
	v33 =	vmov s25;
	v23 =	vld.idx.msk [tilespmem:v23+s10+$0x0], $0xffff;
	[tilespmem:s21+$0xFFFFFF80] =	vst v29  }
0x356: {  	v32 =	vand.u32 $0xFFFFFFFB, v32;
	v29 =	vand.u32 $0xFFFFFFFA, v34;
	v34 =	vand.u32 $0xFFFFFFFC, v35;
	v22 =	vld.idx.msk [tilespmem:v22+s10+$0x0], $0xffff;
	[tilespmem:s21+$0xFFFFFEE0] =	vst v27  }
0x357: {  	v16 =	vbroadcast v16, $0x0;
	v27 =	vbroadcast v30, $0x0;
	v30 =	vand.u32 $0xFFFFFFFD, v33;
	v21 =	vld.idx.msk [tilespmem:v21+s10+$0x0], $0xffff;
	[tilespmem:s21+$0xFFFFFFE0] =	vst v28  }
0x358: {  	v28 =	vbroadcast v29, $0x0;
	v29 =	vbroadcast v32, $0x0;
	v32 =	vmov s23;
	[tilespmem:s21+$0xFFFFFC70] =	vst v26;
	v20 =	vld.idx.msk [tilespmem:v20+s10+$0x0], $0xffff  }
0x359: {  	v30 =	vbroadcast v30, $0x0;
	v26 =	vbroadcast v34, $0x0;
	v19 =	vld.idx.msk [tilespmem:v19+s10+$0x0], $0xffff;
	[tilespmem:s21+$0xFFFFFCF0] =	vst v25  }
0x35a: {  	v25 =	vld.idx.msk [tilespmem:v31+s4+$0x0], $0xffff;
	[tilespmem:s21+$0xFFFFFD70] =	vst v24  }
0x35b: {  	v17 =	vld.idx.msk [tilespmem:v17+s10+$0x0], $0xffff;
	[tilespmem:s21+$0xFFFFFDF0] =	vst v23  }
0x35c: {  	v18 =	vld.idx.msk [tilespmem:v18+s10+$0x0], $0xffff;
	[tilespmem:s21+$0xFFFFFE70] =	vst v22  }
0x35d: {  	v22 =	vld.idx.msk [tilespmem:v16+s4+$0x0], $0xffff;
	[tilespmem:s21+$0xFFFFFEF0] =	vst v21  }
0x35e: {  	v21 =	vld.idx.msk [tilespmem:v27+s4+$0x0], $0xffff;
	[tilespmem:s21+$0xFFFFFFF0] =	vst v20  }
0x35f: {  	v20 =	vld.idx.msk [tilespmem:v28+s4+$0x0], $0xffff;
	[tilespmem:s21+$0xFFFFFC80] =	vst v19  }
0x360: {  	v16 =	vshll.u32 v25, $0x7;
	v19 =	vld.idx.msk [tilespmem:v29+s4+$0x0], $0xffff;
	[tilespmem:s20+$0xFFFFFE00] =	vst v9  }
0x361: {  	v24 =	vor.u32 v0, v16;
	v23 =	vld.idx.msk [tilespmem:v26+s4+$0x0], $0xffff;
	[tilespmem:s21+$0xFFFFFD00] =	vst v17  }
0x362: {  	v17 =	vld.idx.msk [tilespmem:v30+s4+$0x0], $0xffff;
	[tilespmem:s21+$0xFFFFFD80] =	vst v18  }
0x363: {  	v18 =	vshll.u32 v22, $0x7;
	v22 =	vld.idx.msk [tilespmem:v32+s4+$0x0], $0xffff;
	[tilespmem:s20+$0xFFFFFE80] =	vst v8  }
0x364: {  	v25 =	vor.u32 v0, v18;
	v26 =	vor.u32 v1, v18;
	v29 =	vshll.u32 v21, $0x7;
	v9 =	vld.idx.msk [tilespmem:v15+s10+$0x0], $0xffff;
	[tilespmem:s20+$0xFFFFFF00] =	vst v10  }
0x365: {  	v15 =	vor.u32 v0, v29;
	v21 =	vor.u32 v1, v29;
	v30 =	vshll.u32 v20, $0x7;
	v8 =	vld.idx.msk [tilespmem:v14+s10+$0x0], $0xffff;
	[tilespmem:s20+$0x0] =	vst v11;
	s20 =	smov.u32 s21  }
0x366: {  	v14 =	vor.u32 v0, v30;
	v20 =	vor.u32 v1, v30;
	v31 =	vshll.u32 v19, $0x7;
	v19 =	vld.idx.msk [tilespmem:v24+s10+$0x0], $0xffff  }
0x367: {  	v24 =	vor.u32 v0, v31;
	v27 =	vor.u32 v1, v31;
	v32 =	vshll.u32 v23, $0x7;
	v10 =	vld.idx.msk [tilespmem:v13+s10+$0x0], $0xffff  }
0x368: {  	v13 =	vor.u32 v0, v32;
	v33 =	vshll.u32 v17, $0x7;
	v17 =	vor.u32 v1, v16;
	v11 =	vld.idx.msk [tilespmem:v12+s10+$0x0], $0xffff  }
0x369: {  	v23 =	vor.u32 v1, v32;
	v34 =	vshll.u32 v22, $0x7;
	v12 =	vld.idx.msk [tilespmem:v25+s10+$0x0], $0xffff;
	v25 =	vor.u32 v0, v33  }
0x36a: {  	v22 =	vor.u32 v1, v33;
	v28 =	vor.u32 v0, v34;
	v35 =	vor.u32 v1, v34;
	v15 =	vld.idx.msk [tilespmem:v15+s10+$0x0], $0xffff  }
0x36b: {  	v36 =	vor.u32 v2, v18;
	v37 =	vor.u32 v2, v29;
	v38 =	vor.u32 v2, v30;
	s21 =	sadd.s32 $0x400, s21;
	v14 =	vld.idx.msk [tilespmem:v14+s10+$0x0], $0xffff  }
0x36c: {  	v39 =	vor.u32 v2, v31;
	v40 =	vor.u32 v2, v32;
	v24 =	vld.idx.msk [tilespmem:v24+s10+$0x0], $0xffff;
	[tilespmem:s21+$0xFFFFFF10] =	vst v19  }
0x36d: {  	v41 =	vor.u32 v3, v18;
	v42 =	vor.u32 v2, v33;
	v43 =	vor.u32 v2, v34;
	v17 =	vld.idx.msk [tilespmem:v17+s10+$0x0], $0xffff  }
0x36e: {  	v44 =	vor.u32 v3, v29;
	v45 =	vor.u32 v3, v30;
	v46 =	vor.u32 v3, v31;
	v13 =	vld.idx.msk [tilespmem:v13+s10+$0x0], $0xffff  }
0x36f: {  	v47 =	vor.u32 v3, v32;
	v19 =	vor.u32 v2, v16;
	[tilespmem:s21+$0xFFFFFC10] =	vst v12;
	v12 =	vld.idx.msk [tilespmem:v25+s10+$0x0], $0xffff  }
0x370: {  	v48 =	vor.u32 v3, v33;
	v49 =	vor.u32 v3, v34;
	[tilespmem:s21+$0xFFFFFC90] =	vst v15;
	v15 =	vld.idx.msk [tilespmem:v28+s10+$0x0], $0xffff  }
0x371: {  	v50 =	vor.u32 v4, v18;
	v51 =	vor.u32 v4, v29;
	v25 =	vld.idx.msk [tilespmem:v26+s10+$0x0], $0xffff;
	[tilespmem:s21+$0xFFFFFD10] =	vst v14  }
0x372: {  	v52 =	vor.u32 v4, v30;
	v53 =	vor.u32 v4, v31;
	v14 =	vld.idx.msk [tilespmem:v21+s10+$0x0], $0xffff;
	[tilespmem:s21+$0xFFFFFD90] =	vst v24  }
0x373: {  	v54 =	vor.u32 v4, v32;
	v55 =	vor.u32 v4, v33;
	v20 =	vld.idx.msk [tilespmem:v20+s10+$0x0], $0xffff;
	[tilespmem:s21+$0xFFFFFF20] =	vst v17  }
0x374: {  	v56 =	vor.u32 v5, v18;
	v57 =	vor.u32 v4, v34;
	[tilespmem:s21+$0xFFFFFE10] =	vst v13;
	v13 =	vld.idx.msk [tilespmem:v19+s10+$0x0], $0xffff  }
0x375: {  	v58 =	vor.u32 v5, v29;
	v59 =	vor.u32 v5, v30;
	v17 =	vld.idx.msk [tilespmem:v27+s10+$0x0], $0xffff;
	[tilespmem:s21+$0xFFFFFE90] =	vst v12  }
0x376: {  	v60 =	vor.u32 v5, v31;
	v19 =	vor.u32 v3, v16;
	v12 =	vld.idx.msk [tilespmem:v23+s10+$0x0], $0xffff;
	[tilespmem:s21+$0xFFFFFF90] =	vst v15  }
0x377: {  	v61 =	vor.u32 v5, v32;
	v27 =	vor.u32 v5, v33;
	[tilespmem:s21+$0xFFFFFC20] =	vst v25;
	v15 =	vld.idx.msk [tilespmem:v22+s10+$0x0], $0xffff  }
0x378: {  	v28 =	vor.u32 v5, v34;
	v26 =	vor.u32 v6, v18;
	[tilespmem:s21+$0xFFFFFCA0] =	vst v14;
	v35 =	vld.idx.msk [tilespmem:v35+s10+$0x0], $0xffff  }
0x379: {  	v24 =	vor.u32 v6, v30;
	v25 =	vor.u32 v6, v29;
	v36 =	vld.idx.msk [tilespmem:v36+s10+$0x0], $0xffff;
	[tilespmem:s21+$0xFFFFFD20] =	vst v20  }
0x37a: {  	v23 =	vor.u32 v6, v31;
	v22 =	vor.u32 v6, v32;
	v37 =	vld.idx.msk [tilespmem:v37+s10+$0x0], $0xffff;
	[tilespmem:s21+$0xFFFFFF30] =	vst v13  }
0x37b: {  	v21 =	vor.u32 v6, v33;
	v20 =	vor.u32 v6, v34;
	[tilespmem:s21+$0xFFFFFDA0] =	vst v17;
	v62 =	vld.idx.msk [tilespmem:v19+s10+$0x0], $0xffff  }
0x37c: {  	v19 =	vor.u32 v7, v18;
	v17 =	vor.u32 v7, v29;
	v29 =	vld.idx.msk [tilespmem:v38+s10+$0x0], $0xffff;
	[tilespmem:s21+$0xFFFFFE20] =	vst v12  }
0x37d: {  	v18 =	vor.u32 v7, v30;
	v38 =	vor.u32 v4, v16;
	v30 =	vld.idx.msk [tilespmem:v39+s10+$0x0], $0xffff;
	[tilespmem:s21+$0xFFFFFEA0] =	vst v15  }
0x37e: {  	v14 =	vor.u32 v7, v32;
	v15 =	vor.u32 v7, v31;
	v31 =	vld.idx.msk [tilespmem:v40+s10+$0x0], $0xffff;
	[tilespmem:s21+$0xFFFFFFA0] =	vst v35  }
0x37f: {  	v13 =	vor.u32 v7, v33;
	v12 =	vor.u32 v7, v34;
	[tilespmem:s21+$0xFFFFFC30] =	vst v36;
	v32 =	vld.idx.msk [tilespmem:v42+s10+$0x0], $0xffff  }
0x380: {  	[tilespmem:s21+$0xFFFFFCB0] =	vst v37;
	v33 =	vld.idx.msk [tilespmem:v43+s10+$0x0], $0xffff  }
0x381: {  	v34 =	vld.idx.msk [tilespmem:v41+s10+$0x0], $0xffff;
	[tilespmem:s21+$0xFFFFFF40] =	vst v62  }
0x382: {  	[tilespmem:s21+$0xFFFFFD30] =	vst v29;
	v29 =	vld.idx.msk [tilespmem:v38+s10+$0x0], $0xffff  }
0x383: {  	v35 =	vld.idx.msk [tilespmem:v44+s10+$0x0], $0xffff;
	[tilespmem:s21+$0xFFFFFDB0] =	vst v30  }
0x384: {  	v30 =	vld.idx.msk [tilespmem:v45+s10+$0x0], $0xffff;
	[tilespmem:s21+$0xFFFFFE30] =	vst v31;
	v31 =	vor.u32 v5, v16  }
0x385: {  	v36 =	vld.idx.msk [tilespmem:v46+s10+$0x0], $0xffff;
	[tilespmem:s21+$0xFFFFFEB0] =	vst v32  }
0x386: {  	v32 =	vld.idx.msk [tilespmem:v47+s10+$0x0], $0xffff;
	[tilespmem:s21+$0xFFFFFFB0] =	vst v33  }
0x387: {  	[tilespmem:s21+$0xFFFFFC40] =	vst v34;
	v33 =	vld.idx.msk [tilespmem:v48+s10+$0x0], $0xffff  }
0x388: {  	[tilespmem:s21+$0xFFFFFF50] =	vst v29;
	v29 =	vld.idx.msk [tilespmem:v49+s10+$0x0], $0xffff  }
0x389: {  	[tilespmem:s21+$0xFFFFFCC0] =	vst v35;
	v31 =	vld.idx.msk [tilespmem:v31+s10+$0x0], $0xffff  }
0x38a: {  	v34 =	vld.idx.msk [tilespmem:v50+s10+$0x0], $0xffff;
	[tilespmem:s21+$0xFFFFFD40] =	vst v30  }
0x38b: {  	v35 =	vor.u32 v6, v16;
	v30 =	vld.idx.msk [tilespmem:v51+s10+$0x0], $0xffff;
	[tilespmem:s21+$0xFFFFFDC0] =	vst v36  }
0x38c: {  	v36 =	vld.idx.msk [tilespmem:v52+s10+$0x0], $0xffff;
	[tilespmem:s21+$0xFFFFFE40] =	vst v32  }
0x38d: {  	v32 =	vld.idx.msk [tilespmem:v53+s10+$0x0], $0xffff;
	[tilespmem:s21+$0xFFFFFEC0] =	vst v33  }
0x38e: {  	v37 =	vld.idx.msk [tilespmem:v54+s10+$0x0], $0xffff;
	[tilespmem:s21+$0xFFFFFFC0] =	vst v29  }
0x38f: {  	v29 =	vld.idx.msk [tilespmem:v55+s10+$0x0], $0xffff;
	[tilespmem:s21+$0xFFFFFF60] =	vst v31  }
0x390: {  	[tilespmem:s21+$0xFFFFFC50] =	vst v34;
	v31 =	vld.idx.msk [tilespmem:v35+s10+$0x0], $0xffff  }
0x391: {  	[tilespmem:s21+$0xFFFFFCD0] =	vst v30;
	v30 =	vld.idx.msk [tilespmem:v57+s10+$0x0], $0xffff  }
0x392: {  	v34 =	vld.idx.msk [tilespmem:v56+s10+$0x0], $0xffff;
	[tilespmem:s21+$0xFFFFFD50] =	vst v36;
	v36 =	vor.u32 v7, v16  }
.Ltmp3:
0x393: {  	v35 =	vld.idx.msk [tilespmem:v58+s10+$0x0], $0xffff;
	[tilespmem:s21+$0xFFFFFDD0] =	vst v32;
	(pc) =	sbr.rel @p0 .LBB2_9-.Ltmp3, $4  }
0x394: {  	v33 =	vld.idx.msk [tilespmem:v59+s10+$0x0], $0xffff;
	[tilespmem:s21+$0xFFFFFE50] =	vst v37  }
0x395: {  	v32 =	vld.idx.msk [tilespmem:v60+s10+$0x0], $0xffff;
	[tilespmem:s21+$0xFFFFFED0] =	vst v29  }
0x396: {  	v16 =	vld.idx.msk [tilespmem:v61+s10+$0x0], $0xffff;
	[tilespmem:s21+$0xFFFFFF70] =	vst v31  }
0x397: {  	v29 =	vld.idx.msk [tilespmem:v36+s10+$0x0], $0xffff;
	[tilespmem:s21+$0xFFFFFFD0] =	vst v30  }
0x398: {  	[tilespmem:s21+$0xFFFFFC60] =	vst v34  }
0x399: {  	[tilespmem:s21+$0xFFFFFCE0] =	vst v35  }
0x39a: {  	[tilespmem:s20+$0xFFFFFE00] =	vst v9  }
0x39b: {  	[tilespmem:s20+$0xFFFFFE80] =	vst v8  }
0x39c: {  	[tilespmem:s20+$0xFFFFFF00] =	vst v10  }
0x39d: {  	v27 =	vld.idx.msk [tilespmem:v27+s10+$0x0], $0xffff;
	[tilespmem:s20+$0x0] =	vst v11  }
0x39e: {  	v28 =	vld.idx.msk [tilespmem:v28+s10+$0x0], $0xffff;
	[tilespmem:s21+$0xFFFFFD60] =	vst v33  }
0x39f: {  	v26 =	vld.idx.msk [tilespmem:v26+s10+$0x0], $0xffff;
	[tilespmem:s21+$0xFFFFFDE0] =	vst v32  }
0x3a0: {  	v25 =	vld.idx.msk [tilespmem:v25+s10+$0x0], $0xffff;
	[tilespmem:s21+$0xFFFFFE60] =	vst v16  }
0x3a1: {  	v59 =	vld.idx.msk [tilespmem:v24+s10+$0x0], $0xffff;
	[tilespmem:s21+$0xFFFFFF80] =	vst v29  }
0x3a2: {  	v23 =	vld.idx.msk [tilespmem:v23+s10+$0x0], $0xffff;
	[tilespmem:s21+$0xFFFFFEE0] =	vst v27  }
0x3a3: {  	v22 =	vld.idx.msk [tilespmem:v22+s10+$0x0], $0xffff;
	[tilespmem:s21+$0xFFFFFFE0] =	vst v28  }
0x3a4: {  	v21 =	vld.idx.msk [tilespmem:v21+s10+$0x0], $0xffff;
	[tilespmem:s21+$0xFFFFFC70] =	vst v26  }
0x3a5: {  	v20 =	vld.idx.msk [tilespmem:v20+s10+$0x0], $0xffff;
	[tilespmem:s21+$0xFFFFFCF0] =	vst v25  }
0x3a6: {  	v19 =	vld.idx.msk [tilespmem:v19+s10+$0x0], $0xffff;
	[tilespmem:s21+$0xFFFFFD70] =	vst v59  }
0x3a7: {  	v60 =	vld.idx.msk [tilespmem:v17+s10+$0x0], $0xffff;
	[tilespmem:s21+$0xFFFFFDF0] =	vst v23  }
0x3a8: {  	v61 =	vld.idx.msk [tilespmem:v18+s10+$0x0], $0xffff;
	[tilespmem:s21+$0xFFFFFE70] =	vst v22  }
0x3a9: {  	v62 =	vld.idx.msk [tilespmem:v15+s10+$0x0], $0xffff;
	[tilespmem:s21+$0xFFFFFEF0] =	vst v21  }
0x3aa: {  	v14 =	vld.idx.msk [tilespmem:v14+s10+$0x0], $0xffff;
	[tilespmem:s21+$0xFFFFFFF0] =	vst v20  }
0x3ab: {  	[tilespmem:s21+$0xFFFFFC80] =	vst v19;
	v8 =	vld.idx.msk [tilespmem:v13+s10+$0x0], $0xffff  }
0x3ac: {  	s18 =	sadd.s32 $0x1, s18;
	[tilespmem:s21+$0xFFFFFD00] =	vst v60;
	v63 =	vld.idx.msk [tilespmem:v12+s10+$0x0], $0xffff  }
0x3ad: {  	p0 =	sne.s32 s18, $0x31;
	[tilespmem:s21+$0xFFFFFD80] =	vst v61  }
.Ltmp4:
0x3ae: {  	s19 =	sadd.s32 s5, s19;
	[tilespmem:s21+$0xFFFFFE00] =	vst v62;
	(pc) =	sbr.rel @p0 .LBB2_6-.Ltmp4, $4  }
0x3af: {  	s19 =	sshll.u32 s19, $0xC;
	[tilespmem:s21+$0xFFFFFE80] =	vst v14  }
0x3b0: {  	s19 =	sand.u32 $0x1FFFF000, s19;
	[tilespmem:s21+$0xFFFFFF00] =	vst v8  }
0x3b1: {  	s17 =	sadd.s32 $0x200, s17;
	s19 =	sadd.s32 s3, s19;
	[tilespmem:s21+$0x0] =	vst v63  }
0x3b2: {  	[hbm4b:s19+s4] =	stream.linear.scatter [tilespmem:s13], [sflag:$0x2], $0x8000, $0x38;
	[tilespmem:$0x18D80] =	vst v63  }
0x3b3: {  	s16 =	sadd.s32 $0x1, s16  }
0x3b4: {  	_ =	swait.ge [sflag:s14], $0x8000;
	p0 =	sne.s32 s16, s9  }
.Ltmp5:
0x3b5: {  	[sflag:s14] =	ssyncset.done $0x0;
	(pc) =	sbr.rel @p0 .LBB2_1-.Ltmp5, $4  }
0x3b6: {  	[sflag:s14] =	ssyncadd.s32 $0xFFFF8000  }
0x3b7: {  	_ =	swait.ge [sflag:s15], $0x8000  }
0x3b8: {  	[sflag:s15] =	ssyncset.done $0x0  }
0x3b9: {  	[sflag:s15] =	ssyncadd.s32 $0xFFFF8000  }
0x3ba: {  	_ =	sfence.sel $0x180000  }
0x3bb: {  	[bflag:$0x0] =	sbarrier.arrive $0xFFFF  }
0x3bc: {  	p0 =	sne.s32 s0, $0x0;
	_ =	strace $0x90000047  }
0x3bd: {  	s0 =	sadd.s32 @!p0 $0x100000, s1;
	[bflag:$0x2] =	sbarrier.arrive $0xFFFF  }
0x3be: {  	[sflag:s0] =	ssyncadd.tile.s32 @!p0 $0x1;
	_ =	shalt  }
.Lfunc_end2:
_tile_overlayer_lowered:
.L_overlay_start_2:
0x3bf: {  	(tag) =	ssettag $0x2  }
0x3c0: {  	s0 =	rddreg [dreg:$0x0];
	s2 =	stileid.u32  }
0x3c1: {  	s1 =	rddreg [dreg:$0x1];
	p0 =	sne.s32 s2, $0x0  }
0x3c2: {  	s3 =	rddreg [dreg:$0x2];
	[bflag:$0x3] =	sbarrier.arrive $0xFFFF;
	s2 =	simm.s32 @!p0 $0x1C03  }
0x3c3: {  	[timem:s3], [sflag:s2] =	dma.local @!p0 [hbm:s0], s1  }
0x3c4: {  	s0 =	simm.s32 @!p0 $0x3  }
0x3c5: {  	_ =	swait.ge @!p0 [sflag:s0], s1  }
0x3c6: {  	s1 =	ssub.s32 @!p0 $0x0, s1;
	[sflag:s0] =	ssyncset.done @!p0 $0x0  }
0x3c7: {  	[sflag:s0] =	ssyncadd.s32 @!p0 s1  }
0x3c8: {  	[bflag:$0x3] =	sbarrier.arrive $0xFFFF  }
0x3c9: {  	_ =	shalt  }

</sc_bundles>
